<compile_context>
chip_gen: v7x
topology: tpu7x:2x2x1
jax: 0.10.2.dev20260603
libtpu: 0.0.44.dev20260713+nightly
codegen_flags: <defaults>
</compile_context>

<pallas_src>
import jax
import jax.numpy as jnp
from jax import lax
from jax.experimental import pallas as pl
from jax.experimental.pallas import tpu as pltpu
from jax.experimental.pallas import tpu_sc as plsc

BATCH = 16384
EMBED = 32
HIDDEN = 64
NUSER = 200000
NITEM = 30000

NUM_CORES = 2
NUM_SUBCORES = 16
NUM_WORKERS = NUM_CORES * NUM_SUBCORES
B_PER_W = BATCH // NUM_WORKERS

N_CHUNKS = 4
FPC = EMBED // N_CHUNKS


def _make_gather_body(nrows, nfeat):
    def body(idx_hbm, tab_hbm, out_hbm, idx_v, rows_v, sem):
        wid = lax.axis_index("s") * NUM_CORES + lax.axis_index("c")
        base = wid * B_PER_W
        pltpu.sync_copy(idx_hbm.at[pl.ds(base, B_PER_W)], idx_v)
        copies = []
        for j in range(nfeat):
            copies.append(pltpu.async_copy(
                tab_hbm.at[pl.ds(j * nrows, nrows)].at[idx_v],
                rows_v.at[j], sem))
        for cp in copies:
            cp.wait()
        pltpu.sync_copy(rows_v, out_hbm.at[:, pl.ds(base, B_PER_W)])

    return body


def _sc_gather_one(idx, tab_flat, nrows, nfeat):
    mesh = plsc.VectorSubcoreMesh(core_axis_name="c", subcore_axis_name="s")
    return pl.kernel(
        _make_gather_body(nrows, nfeat),
        out_type=jax.ShapeDtypeStruct((nfeat, BATCH), jnp.float32),
        mesh=mesh,
        scratch_types=[
            pltpu.VMEM((B_PER_W,), jnp.int32),
            pltpu.VMEM((nfeat, B_PER_W), jnp.float32),
            pltpu.SemaphoreType.DMA,
        ],
        compiler_params=pltpu.CompilerParams(use_tc_tiling_on_sc=False),
    )(idx, tab_flat)


TB = 2048


def _mlp_body(*refs):
    ue_refs = refs[:N_CHUNKS]
    ieT_ref = refs[N_CHUNKS]
    w1u_refs = refs[N_CHUNKS + 1:2 * N_CHUNKS + 1]
    w1i_ref, b1_ref, w2_ref, b2_ref, out_ref = refs[2 * N_CHUNKS + 1:]
    dn = (((0,), (0,)), ((), ()))
    hT = lax.dot_general(w1i_ref[...], ieT_ref[...], dn,
                         preferred_element_type=jnp.float32)
    for c in range(N_CHUNKS):
        hT = hT + lax.dot_general(w1u_refs[c][...], ue_refs[c][...], dn,
                                  preferred_element_type=jnp.float32)
    hT = jnp.maximum(hT + b1_ref[...], 0.0)
    out_ref[...] = lax.dot_general(w2_ref[...], hT, dn,
                                   preferred_element_type=jnp.float32) + b2_ref[...]


def _tc_mlp(ue_chunks, ieT, W1, b1, W2, b2):
    w1u = [W1[c * FPC:(c + 1) * FPC] for c in range(N_CHUNKS)]
    w1i = W1[EMBED:]
    b1r = b1.reshape(HIDDEN, 1)
    b2r = b2.reshape(1, 1)
    grid = (BATCH // TB,)
    in_specs = (
        [pl.BlockSpec((FPC, TB), lambda i: (0, i)) for _ in range(N_CHUNKS)]
        + [pl.BlockSpec((EMBED, TB), lambda i: (0, i))]
        + [pl.BlockSpec((FPC, HIDDEN), lambda i: (0, 0)) for _ in range(N_CHUNKS)]
        + [
            pl.BlockSpec((EMBED, HIDDEN), lambda i: (0, 0)),
            pl.BlockSpec((HIDDEN, 1), lambda i: (0, 0)),
            pl.BlockSpec((HIDDEN, 1), lambda i: (0, 0)),
            pl.BlockSpec((1, 1), lambda i: (0, 0)),
        ]
    )
    return pl.pallas_call(
        _mlp_body,
        grid=grid,
        in_specs=in_specs,
        out_specs=pl.BlockSpec((1, TB), lambda i: (0, i)),
        out_shape=jax.ShapeDtypeStruct((1, BATCH), jnp.float32),
    )(*ue_chunks, ieT, *w1u, w1i, b1r, W2, b2r)


@jax.jit
def kernel(user, item, user_table, item_table, W1, b1, W2, b2):
    it_flat = item_table.T.reshape(-1)
    ut_flats = []
    prev = it_flat
    for c in range(N_CHUNKS):
        user_table, prev = lax.optimization_barrier((user_table, prev))
        prev = user_table[:, c * FPC:(c + 1) * FPC].T.reshape(-1)
        ut_flats.append(prev)
    ieT = _sc_gather_one(item, it_flat, NITEM, EMBED)
    ue_chunks = [_sc_gather_one(user, f, NUSER, FPC) for f in ut_flats]
    out_row = _tc_mlp(ue_chunks, ieT, W1, b1, W2, b2)
    return out_row.reshape(BATCH, 1)

# --- scband reference (transcript-rebuilt; emitter-appended) ---
"""Pipeline reference for scband-ncf-7911329759233 (READ-ONLY COPY).

The authoritative reference and input builder live on the scoring server;
editing this copy changes nothing except your own understanding.
"""

import jax, jax.numpy as jnp
import numpy as np

NUM_USERS = 200000
NUM_ITEMS = 30000
EMBED_DIM = 32
HIDDEN_DIM = 64
BATCH = 16384


def setup_inputs(seed: int = 0) -> dict:
    key = jax.random.key(seed)
    k_user, k_item, k_ue, k_ie, k_w1, k_b1, k_w2, k_b2 = jax.random.split(key, 8)
    user = jax.random.randint(k_user, (BATCH,), 0, NUM_USERS, dtype=jnp.int64 if jax.config.jax_enable_x64 else jnp.int32)
    item = jax.random.randint(k_item, (BATCH,), 0, NUM_ITEMS, dtype=jnp.int64 if jax.config.jax_enable_x64 else jnp.int32)
    user_table = jax.random.normal(k_ue, (NUM_USERS, EMBED_DIM), dtype=jnp.float32)
    item_table = jax.random.normal(k_ie, (NUM_ITEMS, EMBED_DIM), dtype=jnp.float32)
    # Linear layers: stored as (in, out) for x @ W + b
    lim1 = 1.0 / np.sqrt(EMBED_DIM * 2)
    W1 = jax.random.uniform(k_w1, (EMBED_DIM * 2, HIDDEN_DIM), minval=-lim1, maxval=lim1, dtype=jnp.float32)
    b1 = jax.random.uniform(k_b1, (HIDDEN_DIM,), minval=-lim1, maxval=lim1, dtype=jnp.float32)
    lim2 = 1.0 / np.sqrt(HIDDEN_DIM)
    W2 = jax.random.uniform(k_w2, (HIDDEN_DIM, 1), minval=-lim2, maxval=lim2, dtype=jnp.float32)
    b2 = jax.random.uniform(k_b2, (1,), minval=-lim2, maxval=lim2, dtype=jnp.float32)
    return {"user": user, "item": item, "user_table": user_table, "item_table": item_table,
            "W1": W1, "b1": b1, "W2": W2, "b2": b2}


def reference(user, item, user_table, item_table, W1, b1, W2, b2):
    user_emb = jnp.take(user_table, user, axis=0)
    item_emb = jnp.take(item_table, item, axis=0)
    x = jnp.concatenate([user_emb, item_emb], axis=-1)
    h = jnp.maximum(x @ W1 + b1, 0.0)
    out = h @ W2 + b2
    return out

if __name__ == "__main__":
    import jax
    _d = setup_inputs()
    print(jax.jit(kernel)(*tuple(_d.values())))

</pallas_src>

<mosaic_0001>
#map = affine_map<(d0, d1) -> (0)>
#map1 = affine_map<(d0, d1) -> (0, 0)>
module attributes {stable_mosaic.version = 14 : i64} {
  func.func @body(%arg0: i32, %arg1: i32, %arg2: memref<16384xi32, #tpu.memory_space<hbm>>, %arg3: memref<1600000xf32, #tpu.memory_space<hbm>>, %arg4: memref<8x16384xf32, #tpu.memory_space<hbm>>, %arg5: memref<512xi32, #tpu.memory_space<vmem>>, %arg6: memref<8x512xf32, #tpu.memory_space<vmem>>, %arg7: memref<!tpu.dma_semaphore, #tpu.memory_space<semaphore_mem>>) attributes {dimension_semantics = [#tpu.dimension_semantics<core_parallel>, #tpu.dimension_semantics<subcore_parallel>], iteration_bounds = array<i64: 2, 16>, scalar_prefetch = 0 : i64, scratch_operands = 3 : i64, tpu.core_type = #tpu.core_type<sc_vector_subcore>, window_params = [{transform_indices = #map}, {transform_indices = #map}, {transform_indices = #map1}]} {
    %mul3A = arith.constant 2 : i32
    %mul3A_0 = arith.muli %arg1, %mul3A : i32
    %add3A = arith.addi %mul3A_0, %arg0 : i32
    %mul3A_1 = arith.constant 512 : i32
    %mul3A_2 = arith.muli %add3A, %mul3A_1 : i32
    "tpu.region"() ({
      %run_scoped3A = tpu.sem_alloc : memref<!tpu.dma_semaphore, #tpu.memory_space<semaphore_mem>>
      %dma_start3A_129 = tpu.memref_slice %arg2[%mul3A_2] : memref<16384xi32, #tpu.memory_space<hbm>> -> memref<512xi32, #tpu.memory_space<hbm>>
      %dma_start3A_130 = tpu.memref_slice %arg2[%mul3A_2] : memref<16384xi32, #tpu.memory_space<hbm>> -> memref<512xi32, #tpu.memory_space<hbm>>
      tpu.enqueue_dma source(%dma_start3A_130 : memref<512xi32, #tpu.memory_space<hbm>>) target(%arg5 : memref<512xi32, #tpu.memory_space<vmem>>) target_semaphore(%run_scoped3A : memref<!tpu.dma_semaphore, #tpu.memory_space<semaphore_mem>>)
      %dma_wait3A_131 = tpu.memref_slice %arg2[%mul3A_2] : memref<16384xi32, #tpu.memory_space<hbm>> -> memref<512xi32, #tpu.memory_space<hbm>>
      %dma_wait3A_132 = tpu.memref_slice %arg2[%mul3A_2] : memref<16384xi32, #tpu.memory_space<hbm>> -> memref<512xi32, #tpu.memory_space<hbm>>
      tpu.wait_dma2 semaphore(%run_scoped3A : memref<!tpu.dma_semaphore, #tpu.memory_space<semaphore_mem>>) src(%dma_wait3A_132 : memref<512xi32, #tpu.memory_space<hbm>>) dst(%arg5 : memref<512xi32, #tpu.memory_space<vmem>>)
      tpu.yield
    }) : () -> ()
    %dma_start3A = arith.constant 0 : i32
    %dma_start3A_3 = arith.constant 0 : i32
    %dma_start3A_4 = tpu.memref_slice %arg6[%dma_start3A, %dma_start3A_3] : memref<8x512xf32, #tpu.memory_space<vmem>> -> memref<1x512xf32, #tpu.memory_space<vmem>>
    %dma_start3A_5 = tpu.memref_squeeze %dma_start3A_4 : memref<1x512xf32, #tpu.memory_space<vmem>> -> memref<512xf32, #tpu.memory_space<vmem>>
    %dma_start3A_6 = arith.constant 0 : i32
    %dma_start3A_7 = tpu.memref_slice %arg3[%dma_start3A_6] : memref<1600000xf32, #tpu.memory_space<hbm>> -> memref<200000xf32, #tpu.memory_space<hbm>>
    %dma_start3A_8 = arith.constant 0 : i32
    %dma_start3A_9 = tpu.memref_slice %dma_start3A_7[%dma_start3A_8] : memref<200000xf32, #tpu.memory_space<hbm>> -> memref<200000xf32, #tpu.memory_space<hbm>>
    tpu.enqueue_indirect_dma source(%dma_start3A_9 : memref<200000xf32, #tpu.memory_space<hbm>>) target(%dma_start3A_5 : memref<512xf32, #tpu.memory_space<vmem>>) offsets(%arg5 : memref<512xi32, #tpu.memory_space<vmem>>) semaphore(%arg7 : memref<!tpu.dma_semaphore, #tpu.memory_space<semaphore_mem>>)
    %dma_start3A_10 = arith.constant 1 : i32
    %dma_start3A_11 = arith.constant 0 : i32
    %dma_start3A_12 = tpu.memref_slice %arg6[%dma_start3A_10, %dma_start3A_11] : memref<8x512xf32, #tpu.memory_space<vmem>> -> memref<1x512xf32, #tpu.memory_space<vmem>>
    %dma_start3A_13 = tpu.memref_squeeze %dma_start3A_12 : memref<1x512xf32, #tpu.memory_space<vmem>> -> memref<512xf32, #tpu.memory_space<vmem>>
    %dma_start3A_14 = arith.constant 200000 : i32
    %dma_start3A_15 = tpu.memref_slice %arg3[%dma_start3A_14] : memref<1600000xf32, #tpu.memory_space<hbm>> -> memref<200000xf32, #tpu.memory_space<hbm>>
    %dma_start3A_16 = arith.constant 0 : i32
    %dma_start3A_17 = tpu.memref_slice %dma_start3A_15[%dma_start3A_16] : memref<200000xf32, #tpu.memory_space<hbm>> -> memref<200000xf32, #tpu.memory_space<hbm>>
    tpu.enqueue_indirect_dma source(%dma_start3A_17 : memref<200000xf32, #tpu.memory_space<hbm>>) target(%dma_start3A_13 : memref<512xf32, #tpu.memory_space<vmem>>) offsets(%arg5 : memref<512xi32, #tpu.memory_space<vmem>>) semaphore(%arg7 : memref<!tpu.dma_semaphore, #tpu.memory_space<semaphore_mem>>)
    %dma_start3A_18 = arith.constant 2 : i32
    %dma_start3A_19 = arith.constant 0 : i32
    %dma_start3A_20 = tpu.memref_slice %arg6[%dma_start3A_18, %dma_start3A_19] : memref<8x512xf32, #tpu.memory_space<vmem>> -> memref<1x512xf32, #tpu.memory_space<vmem>>
    %dma_start3A_21 = tpu.memref_squeeze %dma_start3A_20 : memref<1x512xf32, #tpu.memory_space<vmem>> -> memref<512xf32, #tpu.memory_space<vmem>>
    %dma_start3A_22 = arith.constant 400000 : i32
    %dma_start3A_23 = tpu.memref_slice %arg3[%dma_start3A_22] : memref<1600000xf32, #tpu.memory_space<hbm>> -> memref<200000xf32, #tpu.memory_space<hbm>>
    %dma_start3A_24 = arith.constant 0 : i32
    %dma_start3A_25 = tpu.memref_slice %dma_start3A_23[%dma_start3A_24] : memref<200000xf32, #tpu.memory_space<hbm>> -> memref<200000xf32, #tpu.memory_space<hbm>>
    tpu.enqueue_indirect_dma source(%dma_start3A_25 : memref<200000xf32, #tpu.memory_space<hbm>>) target(%dma_start3A_21 : memref<512xf32, #tpu.memory_space<vmem>>) offsets(%arg5 : memref<512xi32, #tpu.memory_space<vmem>>) semaphore(%arg7 : memref<!tpu.dma_semaphore, #tpu.memory_space<semaphore_mem>>)
    %dma_start3A_26 = arith.constant 3 : i32
    %dma_start3A_27 = arith.constant 0 : i32
    %dma_start3A_28 = tpu.memref_slice %arg6[%dma_start3A_26, %dma_start3A_27] : memref<8x512xf32, #tpu.memory_space<vmem>> -> memref<1x512xf32, #tpu.memory_space<vmem>>
    %dma_start3A_29 = tpu.memref_squeeze %dma_start3A_28 : memref<1x512xf32, #tpu.memory_space<vmem>> -> memref<512xf32, #tpu.memory_space<vmem>>
    %dma_start3A_30 = arith.constant 600000 : i32
    %dma_start3A_31 = tpu.memref_slice %arg3[%dma_start3A_30] : memref<1600000xf32, #tpu.memory_space<hbm>> -> memref<200000xf32, #tpu.memory_space<hbm>>
    %dma_start3A_32 = arith.constant 0 : i32
    %dma_start3A_33 = tpu.memref_slice %dma_start3A_31[%dma_start3A_32] : memref<200000xf32, #tpu.memory_space<hbm>> -> memref<200000xf32, #tpu.memory_space<hbm>>
    tpu.enqueue_indirect_dma source(%dma_start3A_33 : memref<200000xf32, #tpu.memory_space<hbm>>) target(%dma_start3A_29 : memref<512xf32, #tpu.memory_space<vmem>>) offsets(%arg5 : memref<512xi32, #tpu.memory_space<vmem>>) semaphore(%arg7 : memref<!tpu.dma_semaphore, #tpu.memory_space<semaphore_mem>>)
    %dma_start3A_34 = arith.constant 4 : i32
    %dma_start3A_35 = arith.constant 0 : i32
    %dma_start3A_36 = tpu.memref_slice %arg6[%dma_start3A_34, %dma_start3A_35] : memref<8x512xf32, #tpu.memory_space<vmem>> -> memref<1x512xf32, #tpu.memory_space<vmem>>
    %dma_start3A_37 = tpu.memref_squeeze %dma_start3A_36 : memref<1x512xf32, #tpu.memory_space<vmem>> -> memref<512xf32, #tpu.memory_space<vmem>>
    %dma_start3A_38 = arith.constant 800000 : i32
    %dma_start3A_39 = tpu.memref_slice %arg3[%dma_start3A_38] : memref<1600000xf32, #tpu.memory_space<hbm>> -> memref<200000xf32, #tpu.memory_space<hbm>>
    %dma_start3A_40 = arith.constant 0 : i32
    %dma_start3A_41 = tpu.memref_slice %dma_start3A_39[%dma_start3A_40] : memref<200000xf32, #tpu.memory_space<hbm>> -> memref<200000xf32, #tpu.memory_space<hbm>>
    tpu.enqueue_indirect_dma source(%dma_start3A_41 : memref<200000xf32, #tpu.memory_space<hbm>>) target(%dma_start3A_37 : memref<512xf32, #tpu.memory_space<vmem>>) offsets(%arg5 : memref<512xi32, #tpu.memory_space<vmem>>) semaphore(%arg7 : memref<!tpu.dma_semaphore, #tpu.memory_space<semaphore_mem>>)
    %dma_start3A_42 = arith.constant 5 : i32
    %dma_start3A_43 = arith.constant 0 : i32
    %dma_start3A_44 = tpu.memref_slice %arg6[%dma_start3A_42, %dma_start3A_43] : memref<8x512xf32, #tpu.memory_space<vmem>> -> memref<1x512xf32, #tpu.memory_space<vmem>>
    %dma_start3A_45 = tpu.memref_squeeze %dma_start3A_44 : memref<1x512xf32, #tpu.memory_space<vmem>> -> memref<512xf32, #tpu.memory_space<vmem>>
    %dma_start3A_46 = arith.constant 1000000 : i32
    %dma_start3A_47 = tpu.memref_slice %arg3[%dma_start3A_46] : memref<1600000xf32, #tpu.memory_space<hbm>> -> memref<200000xf32, #tpu.memory_space<hbm>>
    %dma_start3A_48 = arith.constant 0 : i32
    %dma_start3A_49 = tpu.memref_slice %dma_start3A_47[%dma_start3A_48] : memref<200000xf32, #tpu.memory_space<hbm>> -> memref<200000xf32, #tpu.memory_space<hbm>>
    tpu.enqueue_indirect_dma source(%dma_start3A_49 : memref<200000xf32, #tpu.memory_space<hbm>>) target(%dma_start3A_45 : memref<512xf32, #tpu.memory_space<vmem>>) offsets(%arg5 : memref<512xi32, #tpu.memory_space<vmem>>) semaphore(%arg7 : memref<!tpu.dma_semaphore, #tpu.memory_space<semaphore_mem>>)
    %dma_start3A_50 = arith.constant 6 : i32
    %dma_start3A_51 = arith.constant 0 : i32
    %dma_start3A_52 = tpu.memref_slice %arg6[%dma_start3A_50, %dma_start3A_51] : memref<8x512xf32, #tpu.memory_space<vmem>> -> memref<1x512xf32, #tpu.memory_space<vmem>>
    %dma_start3A_53 = tpu.memref_squeeze %dma_start3A_52 : memref<1x512xf32, #tpu.memory_space<vmem>> -> memref<512xf32, #tpu.memory_space<vmem>>
    %dma_start3A_54 = arith.constant 1200000 : i32
    %dma_start3A_55 = tpu.memref_slice %arg3[%dma_start3A_54] : memref<1600000xf32, #tpu.memory_space<hbm>> -> memref<200000xf32, #tpu.memory_space<hbm>>
    %dma_start3A_56 = arith.constant 0 : i32
    %dma_start3A_57 = tpu.memref_slice %dma_start3A_55[%dma_start3A_56] : memref<200000xf32, #tpu.memory_space<hbm>> -> memref<200000xf32, #tpu.memory_space<hbm>>
    tpu.enqueue_indirect_dma source(%dma_start3A_57 : memref<200000xf32, #tpu.memory_space<hbm>>) target(%dma_start3A_53 : memref<512xf32, #tpu.memory_space<vmem>>) offsets(%arg5 : memref<512xi32, #tpu.memory_space<vmem>>) semaphore(%arg7 : memref<!tpu.dma_semaphore, #tpu.memory_space<semaphore_mem>>)
    %dma_start3A_58 = arith.constant 7 : i32
    %dma_start3A_59 = arith.constant 0 : i32
    %dma_start3A_60 = tpu.memref_slice %arg6[%dma_start3A_58, %dma_start3A_59] : memref<8x512xf32, #tpu.memory_space<vmem>> -> memref<1x512xf32, #tpu.memory_space<vmem>>
    %dma_start3A_61 = tpu.memref_squeeze %dma_start3A_60 : memref<1x512xf32, #tpu.memory_space<vmem>> -> memref<512xf32, #tpu.memory_space<vmem>>
    %dma_start3A_62 = arith.constant 1400000 : i32
    %dma_start3A_63 = tpu.memref_slice %arg3[%dma_start3A_62] : memref<1600000xf32, #tpu.memory_space<hbm>> -> memref<200000xf32, #tpu.memory_space<hbm>>
    %dma_start3A_64 = arith.constant 0 : i32
    %dma_start3A_65 = tpu.memref_slice %dma_start3A_63[%dma_start3A_64] : memref<200000xf32, #tpu.memory_space<hbm>> -> memref<200000xf32, #tpu.memory_space<hbm>>
    tpu.enqueue_indirect_dma source(%dma_start3A_65 : memref<200000xf32, #tpu.memory_space<hbm>>) target(%dma_start3A_61 : memref<512xf32, #tpu.memory_space<vmem>>) offsets(%arg5 : memref<512xi32, #tpu.memory_space<vmem>>) semaphore(%arg7 : memref<!tpu.dma_semaphore, #tpu.memory_space<semaphore_mem>>)
    %dma_wait3A = arith.constant 0 : i32
    %dma_wait3A_66 = arith.constant 0 : i32
    %dma_wait3A_67 = tpu.memref_slice %arg6[%dma_wait3A, %dma_wait3A_66] : memref<8x512xf32, #tpu.memory_space<vmem>> -> memref<1x512xf32, #tpu.memory_space<vmem>>
    %dma_wait3A_68 = tpu.memref_squeeze %dma_wait3A_67 : memref<1x512xf32, #tpu.memory_space<vmem>> -> memref<512xf32, #tpu.memory_space<vmem>>
    %dma_wait3A_69 = arith.constant 0 : i32
    %dma_wait3A_70 = tpu.memref_slice %arg3[%dma_wait3A_69] : memref<1600000xf32, #tpu.memory_space<hbm>> -> memref<200000xf32, #tpu.memory_space<hbm>>
    %dma_wait3A_71 = arith.constant 0 : i32
    %dma_wait3A_72 = tpu.memref_slice %dma_wait3A_70[%dma_wait3A_71] : memref<200000xf32, #tpu.memory_space<hbm>> -> memref<200000xf32, #tpu.memory_space<hbm>>
    tpu.wait_indirect_dma semaphore(%arg7 : memref<!tpu.dma_semaphore, #tpu.memory_space<semaphore_mem>>) src(%dma_wait3A_72 : memref<200000xf32, #tpu.memory_space<hbm>>) dst(%dma_wait3A_68 : memref<512xf32, #tpu.memory_space<vmem>>)
    %dma_wait3A_73 = arith.constant 1 : i32
    %dma_wait3A_74 = arith.constant 0 : i32
    %dma_wait3A_75 = tpu.memref_slice %arg6[%dma_wait3A_73, %dma_wait3A_74] : memref<8x512xf32, #tpu.memory_space<vmem>> -> memref<1x512xf32, #tpu.memory_space<vmem>>
    %dma_wait3A_76 = tpu.memref_squeeze %dma_wait3A_75 : memref<1x512xf32, #tpu.memory_space<vmem>> -> memref<512xf32, #tpu.memory_space<vmem>>
    %dma_wait3A_77 = arith.constant 200000 : i32
    %dma_wait3A_78 = tpu.memref_slice %arg3[%dma_wait3A_77] : memref<1600000xf32, #tpu.memory_space<hbm>> -> memref<200000xf32, #tpu.memory_space<hbm>>
    %dma_wait3A_79 = arith.constant 0 : i32
    %dma_wait3A_80 = tpu.memref_slice %dma_wait3A_78[%dma_wait3A_79] : memref<200000xf32, #tpu.memory_space<hbm>> -> memref<200000xf32, #tpu.memory_space<hbm>>
    tpu.wait_indirect_dma semaphore(%arg7 : memref<!tpu.dma_semaphore, #tpu.memory_space<semaphore_mem>>) src(%dma_wait3A_80 : memref<200000xf32, #tpu.memory_space<hbm>>) dst(%dma_wait3A_76 : memref<512xf32, #tpu.memory_space<vmem>>)
    %dma_wait3A_81 = arith.constant 2 : i32
    %dma_wait3A_82 = arith.constant 0 : i32
    %dma_wait3A_83 = tpu.memref_slice %arg6[%dma_wait3A_81, %dma_wait3A_82] : memref<8x512xf32, #tpu.memory_space<vmem>> -> memref<1x512xf32, #tpu.memory_space<vmem>>
    %dma_wait3A_84 = tpu.memref_squeeze %dma_wait3A_83 : memref<1x512xf32, #tpu.memory_space<vmem>> -> memref<512xf32, #tpu.memory_space<vmem>>
    %dma_wait3A_85 = arith.constant 400000 : i32
    %dma_wait3A_86 = tpu.memref_slice %arg3[%dma_wait3A_85] : memref<1600000xf32, #tpu.memory_space<hbm>> -> memref<200000xf32, #tpu.memory_space<hbm>>
    %dma_wait3A_87 = arith.constant 0 : i32
    %dma_wait3A_88 = tpu.memref_slice %dma_wait3A_86[%dma_wait3A_87] : memref<200000xf32, #tpu.memory_space<hbm>> -> memref<200000xf32, #tpu.memory_space<hbm>>
    tpu.wait_indirect_dma semaphore(%arg7 : memref<!tpu.dma_semaphore, #tpu.memory_space<semaphore_mem>>) src(%dma_wait3A_88 : memref<200000xf32, #tpu.memory_space<hbm>>) dst(%dma_wait3A_84 : memref<512xf32, #tpu.memory_space<vmem>>)
    %dma_wait3A_89 = arith.constant 3 : i32
    %dma_wait3A_90 = arith.constant 0 : i32
    %dma_wait3A_91 = tpu.memref_slice %arg6[%dma_wait3A_89, %dma_wait3A_90] : memref<8x512xf32, #tpu.memory_space<vmem>> -> memref<1x512xf32, #tpu.memory_space<vmem>>
    %dma_wait3A_92 = tpu.memref_squeeze %dma_wait3A_91 : memref<1x512xf32, #tpu.memory_space<vmem>> -> memref<512xf32, #tpu.memory_space<vmem>>
    %dma_wait3A_93 = arith.constant 600000 : i32
    %dma_wait3A_94 = tpu.memref_slice %arg3[%dma_wait3A_93] : memref<1600000xf32, #tpu.memory_space<hbm>> -> memref<200000xf32, #tpu.memory_space<hbm>>
    %dma_wait3A_95 = arith.constant 0 : i32
    %dma_wait3A_96 = tpu.memref_slice %dma_wait3A_94[%dma_wait3A_95] : memref<200000xf32, #tpu.memory_space<hbm>> -> memref<200000xf32, #tpu.memory_space<hbm>>
    tpu.wait_indirect_dma semaphore(%arg7 : memref<!tpu.dma_semaphore, #tpu.memory_space<semaphore_mem>>) src(%dma_wait3A_96 : memref<200000xf32, #tpu.memory_space<hbm>>) dst(%dma_wait3A_92 : memref<512xf32, #tpu.memory_space<vmem>>)
    %dma_wait3A_97 = arith.constant 4 : i32
    %dma_wait3A_98 = arith.constant 0 : i32
    %dma_wait3A_99 = tpu.memref_slice %arg6[%dma_wait3A_97, %dma_wait3A_98] : memref<8x512xf32, #tpu.memory_space<vmem>> -> memref<1x512xf32, #tpu.memory_space<vmem>>
    %dma_wait3A_100 = tpu.memref_squeeze %dma_wait3A_99 : memref<1x512xf32, #tpu.memory_space<vmem>> -> memref<512xf32, #tpu.memory_space<vmem>>
    %dma_wait3A_101 = arith.constant 800000 : i32
    %dma_wait3A_102 = tpu.memref_slice %arg3[%dma_wait3A_101] : memref<1600000xf32, #tpu.memory_space<hbm>> -> memref<200000xf32, #tpu.memory_space<hbm>>
    %dma_wait3A_103 = arith.constant 0 : i32
    %dma_wait3A_104 = tpu.memref_slice %dma_wait3A_102[%dma_wait3A_103] : memref<200000xf32, #tpu.memory_space<hbm>> -> memref<200000xf32, #tpu.memory_space<hbm>>
    tpu.wait_indirect_dma semaphore(%arg7 : memref<!tpu.dma_semaphore, #tpu.memory_space<semaphore_mem>>) src(%dma_wait3A_104 : memref<200000xf32, #tpu.memory_space<hbm>>) dst(%dma_wait3A_100 : memref<512xf32, #tpu.memory_space<vmem>>)
    %dma_wait3A_105 = arith.constant 5 : i32
    %dma_wait3A_106 = arith.constant 0 : i32
    %dma_wait3A_107 = tpu.memref_slice %arg6[%dma_wait3A_105, %dma_wait3A_106] : memref<8x512xf32, #tpu.memory_space<vmem>> -> memref<1x512xf32, #tpu.memory_space<vmem>>
    %dma_wait3A_108 = tpu.memref_squeeze %dma_wait3A_107 : memref<1x512xf32, #tpu.memory_space<vmem>> -> memref<512xf32, #tpu.memory_space<vmem>>
    %dma_wait3A_109 = arith.constant 1000000 : i32
    %dma_wait3A_110 = tpu.memref_slice %arg3[%dma_wait3A_109] : memref<1600000xf32, #tpu.memory_space<hbm>> -> memref<200000xf32, #tpu.memory_space<hbm>>
    %dma_wait3A_111 = arith.constant 0 : i32
    %dma_wait3A_112 = tpu.memref_slice %dma_wait3A_110[%dma_wait3A_111] : memref<200000xf32, #tpu.memory_space<hbm>> -> memref<200000xf32, #tpu.memory_space<hbm>>
    tpu.wait_indirect_dma semaphore(%arg7 : memref<!tpu.dma_semaphore, #tpu.memory_space<semaphore_mem>>) src(%dma_wait3A_112 : memref<200000xf32, #tpu.memory_space<hbm>>) dst(%dma_wait3A_108 : memref<512xf32, #tpu.memory_space<vmem>>)
    %dma_wait3A_113 = arith.constant 6 : i32
    %dma_wait3A_114 = arith.constant 0 : i32
    %dma_wait3A_115 = tpu.memref_slice %arg6[%dma_wait3A_113, %dma_wait3A_114] : memref<8x512xf32, #tpu.memory_space<vmem>> -> memref<1x512xf32, #tpu.memory_space<vmem>>
    %dma_wait3A_116 = tpu.memref_squeeze %dma_wait3A_115 : memref<1x512xf32, #tpu.memory_space<vmem>> -> memref<512xf32, #tpu.memory_space<vmem>>
    %dma_wait3A_117 = arith.constant 1200000 : i32
    %dma_wait3A_118 = tpu.memref_slice %arg3[%dma_wait3A_117] : memref<1600000xf32, #tpu.memory_space<hbm>> -> memref<200000xf32, #tpu.memory_space<hbm>>
    %dma_wait3A_119 = arith.constant 0 : i32
    %dma_wait3A_120 = tpu.memref_slice %dma_wait3A_118[%dma_wait3A_119] : memref<200000xf32, #tpu.memory_space<hbm>> -> memref<200000xf32, #tpu.memory_space<hbm>>
    tpu.wait_indirect_dma semaphore(%arg7 : memref<!tpu.dma_semaphore, #tpu.memory_space<semaphore_mem>>) src(%dma_wait3A_120 : memref<200000xf32, #tpu.memory_space<hbm>>) dst(%dma_wait3A_116 : memref<512xf32, #tpu.memory_space<vmem>>)
    %dma_wait3A_121 = arith.constant 7 : i32
    %dma_wait3A_122 = arith.constant 0 : i32
    %dma_wait3A_123 = tpu.memref_slice %arg6[%dma_wait3A_121, %dma_wait3A_122] : memref<8x512xf32, #tpu.memory_space<vmem>> -> memref<1x512xf32, #tpu.memory_space<vmem>>
    %dma_wait3A_124 = tpu.memref_squeeze %dma_wait3A_123 : memref<1x512xf32, #tpu.memory_space<vmem>> -> memref<512xf32, #tpu.memory_space<vmem>>
    %dma_wait3A_125 = arith.constant 1400000 : i32
    %dma_wait3A_126 = tpu.memref_slice %arg3[%dma_wait3A_125] : memref<1600000xf32, #tpu.memory_space<hbm>> -> memref<200000xf32, #tpu.memory_space<hbm>>
    %dma_wait3A_127 = arith.constant 0 : i32
    %dma_wait3A_128 = tpu.memref_slice %dma_wait3A_126[%dma_wait3A_127] : memref<200000xf32, #tpu.memory_space<hbm>> -> memref<200000xf32, #tpu.memory_space<hbm>>
    tpu.wait_indirect_dma semaphore(%arg7 : memref<!tpu.dma_semaphore, #tpu.memory_space<semaphore_mem>>) src(%dma_wait3A_128 : memref<200000xf32, #tpu.memory_space<hbm>>) dst(%dma_wait3A_124 : memref<512xf32, #tpu.memory_space<vmem>>)
    "tpu.region"() ({
      %run_scoped3A = tpu.sem_alloc : memref<!tpu.dma_semaphore, #tpu.memory_space<semaphore_mem>>
      %dma_start3A_129 = arith.constant 0 : i32
      %dma_start3A_130 = tpu.memref_slice %arg4[%dma_start3A_129, %mul3A_2] : memref<8x16384xf32, #tpu.memory_space<hbm>> -> memref<8x512xf32, #tpu.memory_space<hbm>>
      %dma_start3A_131 = arith.constant 0 : i32
      %dma_start3A_132 = tpu.memref_slice %arg4[%dma_start3A_131, %mul3A_2] : memref<8x16384xf32, #tpu.memory_space<hbm>> -> memref<8x512xf32, #tpu.memory_space<hbm>>
      tpu.enqueue_dma source(%arg6 : memref<8x512xf32, #tpu.memory_space<vmem>>) target(%dma_start3A_132 : memref<8x512xf32, #tpu.memory_space<hbm>>) target_semaphore(%run_scoped3A : memref<!tpu.dma_semaphore, #tpu.memory_space<semaphore_mem>>)
      %dma_wait3A_133 = arith.constant 0 : i32
      %dma_wait3A_134 = tpu.memref_slice %arg4[%dma_wait3A_133, %mul3A_2] : memref<8x16384xf32, #tpu.memory_space<hbm>> -> memref<8x512xf32, #tpu.memory_space<hbm>>
      %dma_wait3A_135 = arith.constant 0 : i32
      %dma_wait3A_136 = tpu.memref_slice %arg4[%dma_wait3A_135, %mul3A_2] : memref<8x16384xf32, #tpu.memory_space<hbm>> -> memref<8x512xf32, #tpu.memory_space<hbm>>
      tpu.wait_dma2 semaphore(%run_scoped3A : memref<!tpu.dma_semaphore, #tpu.memory_space<semaphore_mem>>) src(%arg6 : memref<8x512xf32, #tpu.memory_space<vmem>>) dst(%dma_wait3A_136 : memref<8x512xf32, #tpu.memory_space<hbm>>)
      tpu.yield
    }) : () -> ()
    return
  }
}

#map = affine_map<(d0, d1) -> (0)>
#map1 = affine_map<(d0, d1) -> (0, 0)>
module attributes {stable_mosaic.version = 14 : i64} {
  func.func @body(%arg0: i32, %arg1: i32, %arg2: memref<16384xi32, #tpu.memory_space<hbm>>, %arg3: memref<1600000xf32, #tpu.memory_space<hbm>>, %arg4: memref<8x16384xf32, #tpu.memory_space<hbm>>, %arg5: memref<512xi32, #tpu.memory_space<vmem>>, %arg6: memref<8x512xf32, #tpu.memory_space<vmem>>, %arg7: memref<!tpu.dma_semaphore, #tpu.memory_space<semaphore_mem>>) attributes {dimension_semantics = [#tpu.dimension_semantics<core_parallel>, #tpu.dimension_semantics<subcore_parallel>], iteration_bounds = array<i64: 2, 16>, scalar_prefetch = 0 : i64, scratch_operands = 3 : i64, tpu.core_type = #tpu.core_type<sc_vector_subcore>, window_params = [{transform_indices = #map}, {transform_indices = #map}, {transform_indices = #map1}]} {
    %mul3A = arith.constant 2 : i32
    %mul3A_0 = arith.muli %arg1, %mul3A : i32
    %add3A = arith.addi %mul3A_0, %arg0 : i32
    %mul3A_1 = arith.constant 512 : i32
    %mul3A_2 = arith.muli %add3A, %mul3A_1 : i32
    "tpu.region"() ({
      %run_scoped3A = tpu.sem_alloc : memref<!tpu.dma_semaphore, #tpu.memory_space<semaphore_mem>>
      %dma_start3A_129 = tpu.memref_slice %arg2[%mul3A_2] : memref<16384xi32, #tpu.memory_space<hbm>> -> memref<512xi32, #tpu.memory_space<hbm>>
      %dma_start3A_130 = tpu.memref_slice %arg2[%mul3A_2] : memref<16384xi32, #tpu.memory_space<hbm>> -> memref<512xi32, #tpu.memory_space<hbm>>
      tpu.enqueue_dma source(%dma_start3A_130 : memref<512xi32, #tpu.memory_space<hbm>>) target(%arg5 : memref<512xi32, #tpu.memory_space<vmem>>) target_semaphore(%run_scoped3A : memref<!tpu.dma_semaphore, #tpu.memory_space<semaphore_mem>>)
      %dma_wait3A_131 = tpu.memref_slice %arg2[%mul3A_2] : memref<16384xi32, #tpu.memory_space<hbm>> -> memref<512xi32, #tpu.memory_space<hbm>>
      %dma_wait3A_132 = tpu.memref_slice %arg2[%mul3A_2] : memref<16384xi32, #tpu.memory_space<hbm>> -> memref<512xi32, #tpu.memory_space<hbm>>
      tpu.wait_dma2 semaphore(%run_scoped3A : memref<!tpu.dma_semaphore, #tpu.memory_space<semaphore_mem>>) src(%dma_wait3A_132 : memref<512xi32, #tpu.memory_space<hbm>>) dst(%arg5 : memref<512xi32, #tpu.memory_space<vmem>>)
      tpu.yield
    }) : () -> ()
    %dma_start3A = arith.constant 0 : i32
    %dma_start3A_3 = arith.constant 0 : i32
    %dma_start3A_4 = tpu.memref_slice %arg6[%dma_start3A, %dma_start3A_3] : memref<8x512xf32, #tpu.memory_space<vmem>> -> memref<1x512xf32, #tpu.memory_space<vmem>>
    %dma_start3A_5 = tpu.memref_squeeze %dma_start3A_4 : memref<1x512xf32, #tpu.memory_space<vmem>> -> memref<512xf32, #tpu.memory_space<vmem>>
    %dma_start3A_6 = arith.constant 0 : i32
    %dma_start3A_7 = tpu.memref_slice %arg3[%dma_start3A_6] : memref<1600000xf32, #tpu.memory_space<hbm>> -> memref<200000xf32, #tpu.memory_space<hbm>>
    %dma_start3A_8 = arith.constant 0 : i32
    %dma_start3A_9 = tpu.memref_slice %dma_start3A_7[%dma_start3A_8] : memref<200000xf32, #tpu.memory_space<hbm>> -> memref<200000xf32, #tpu.memory_space<hbm>>
    tpu.enqueue_indirect_dma source(%dma_start3A_9 : memref<200000xf32, #tpu.memory_space<hbm>>) target(%dma_start3A_5 : memref<512xf32, #tpu.memory_space<vmem>>) offsets(%arg5 : memref<512xi32, #tpu.memory_space<vmem>>) semaphore(%arg7 : memref<!tpu.dma_semaphore, #tpu.memory_space<semaphore_mem>>)
    %dma_start3A_10 = arith.constant 1 : i32
    %dma_start3A_11 = arith.constant 0 : i32
    %dma_start3A_12 = tpu.memref_slice %arg6[%dma_start3A_10, %dma_start3A_11] : memref<8x512xf32, #tpu.memory_space<vmem>> -> memref<1x512xf32, #tpu.memory_space<vmem>>
    %dma_start3A_13 = tpu.memref_squeeze %dma_start3A_12 : memref<1x512xf32, #tpu.memory_space<vmem>> -> memref<512xf32, #tpu.memory_space<vmem>>
    %dma_start3A_14 = arith.constant 200000 : i32
    %dma_start3A_15 = tpu.memref_slice %arg3[%dma_start3A_14] : memref<1600000xf32, #tpu.memory_space<hbm>> -> memref<200000xf32, #tpu.memory_space<hbm>>
    %dma_start3A_16 = arith.constant 0 : i32
    %dma_start3A_17 = tpu.memref_slice %dma_start3A_15[%dma_start3A_16] : memref<200000xf32, #tpu.memory_space<hbm>> -> memref<200000xf32, #tpu.memory_space<hbm>>
    tpu.enqueue_indirect_dma source(%dma_start3A_17 : memref<200000xf32, #tpu.memory_space<hbm>>) target(%dma_start3A_13 : memref<512xf32, #tpu.memory_space<vmem>>) offsets(%arg5 : memref<512xi32, #tpu.memory_space<vmem>>) semaphore(%arg7 : memref<!tpu.dma_semaphore, #tpu.memory_space<semaphore_mem>>)
    %dma_start3A_18 = arith.constant 2 : i32
    %dma_start3A_19 = arith.constant 0 : i32
    %dma_start3A_20 = tpu.memref_slice %arg6[%dma_start3A_18, %dma_start3A_19] : memref<8x512xf32, #tpu.memory_space<vmem>> -> memref<1x512xf32, #tpu.memory_space<vmem>>
    %dma_start3A_21 = tpu.memref_squeeze %dma_start3A_20 : memref<1x512xf32, #tpu.memory_space<vmem>> -> memref<512xf32, #tpu.memory_space<vmem>>
    %dma_start3A_22 = arith.constant 400000 : i32
    %dma_start3A_23 = tpu.memref_slice %arg3[%dma_start3A_22] : memref<1600000xf32, #tpu.memory_space<hbm>> -> memref<200000xf32, #tpu.memory_space<hbm>>
    %dma_start3A_24 = arith.constant 0 : i32
    %dma_start3A_25 = tpu.memref_slice %dma_start3A_23[%dma_start3A_24] : memref<200000xf32, #tpu.memory_space<hbm>> -> memref<200000xf32, #tpu.memory_space<hbm>>
    tpu.enqueue_indirect_dma source(%dma_start3A_25 : memref<200000xf32, #tpu.memory_space<hbm>>) target(%dma_start3A_21 : memref<512xf32, #tpu.memory_space<vmem>>) offsets(%arg5 : memref<512xi32, #tpu.memory_space<vmem>>) semaphore(%arg7 : memref<!tpu.dma_semaphore, #tpu.memory_space<semaphore_mem>>)
    %dma_start3A_26 = arith.constant 3 : i32
    %dma_start3A_27 = arith.constant 0 : i32
    %dma_start3A_28 = tpu.memref_slice %arg6[%dma_start3A_26, %dma_start3A_27] : memref<8x512xf32, #tpu.memory_space<vmem>> -> memref<1x512xf32, #tpu.memory_space<vmem>>
    %dma_start3A_29 = tpu.memref_squeeze %dma_start3A_28 : memref<1x512xf32, #tpu.memory_space<vmem>> -> memref<512xf32, #tpu.memory_space<vmem>>
    %dma_start3A_30 = arith.constant 600000 : i32
    %dma_start3A_31 = tpu.memref_slice %arg3[%dma_start3A_30] : memref<1600000xf32, #tpu.memory_space<hbm>> -> memref<200000xf32, #tpu.memory_space<hbm>>
    %dma_start3A_32 = arith.constant 0 : i32
    %dma_start3A_33 = tpu.memref_slice %dma_start3A_31[%dma_start3A_32] : memref<200000xf32, #tpu.memory_space<hbm>> -> memref<200000xf32, #tpu.memory_space<hbm>>
    tpu.enqueue_indirect_dma source(%dma_start3A_33 : memref<200000xf32, #tpu.memory_space<hbm>>) target(%dma_start3A_29 : memref<512xf32, #tpu.memory_space<vmem>>) offsets(%arg5 : memref<512xi32, #tpu.memory_space<vmem>>) semaphore(%arg7 : memref<!tpu.dma_semaphore, #tpu.memory_space<semaphore_mem>>)
    %dma_start3A_34 = arith.constant 4 : i32
    %dma_start3A_35 = arith.constant 0 : i32
    %dma_start3A_36 = tpu.memref_slice %arg6[%dma_start3A_34, %dma_start3A_35] : memref<8x512xf32, #tpu.memory_space<vmem>> -> memref<1x512xf32, #tpu.memory_space<vmem>>
    %dma_start3A_37 = tpu.memref_squeeze %dma_start3A_36 : memref<1x512xf32, #tpu.memory_space<vmem>> -> memref<512xf32, #tpu.memory_space<vmem>>
    %dma_start3A_38 = arith.constant 800000 : i32
    %dma_start3A_39 = tpu.memref_slice %arg3[%dma_start3A_38] : memref<1600000xf32, #tpu.memory_space<hbm>> -> memref<200000xf32, #tpu.memory_space<hbm>>
    %dma_start3A_40 = arith.constant 0 : i32
    %dma_start3A_41 = tpu.memref_slice %dma_start3A_39[%dma_start3A_40] : memref<200000xf32, #tpu.memory_space<hbm>> -> memref<200000xf32, #tpu.memory_space<hbm>>
    tpu.enqueue_indirect_dma source(%dma_start3A_41 : memref<200000xf32, #tpu.memory_space<hbm>>) target(%dma_start3A_37 : memref<512xf32, #tpu.memory_space<vmem>>) offsets(%arg5 : memref<512xi32, #tpu.memory_space<vmem>>) semaphore(%arg7 : memref<!tpu.dma_semaphore, #tpu.memory_space<semaphore_mem>>)
    %dma_start3A_42 = arith.constant 5 : i32
    %dma_start3A_43 = arith.constant 0 : i32
    %dma_start3A_44 = tpu.memref_slice %arg6[%dma_start3A_42, %dma_start3A_43] : memref<8x512xf32, #tpu.memory_space<vmem>> -> memref<1x512xf32, #tpu.memory_space<vmem>>
    %dma_start3A_45 = tpu.memref_squeeze %dma_start3A_44 : memref<1x512xf32, #tpu.memory_space<vmem>> -> memref<512xf32, #tpu.memory_space<vmem>>
    %dma_start3A_46 = arith.constant 1000000 : i32
    %dma_start3A_47 = tpu.memref_slice %arg3[%dma_start3A_46] : memref<1600000xf32, #tpu.memory_space<hbm>> -> memref<200000xf32, #tpu.memory_space<hbm>>
    %dma_start3A_48 = arith.constant 0 : i32
    %dma_start3A_49 = tpu.memref_slice %dma_start3A_47[%dma_start3A_48] : memref<200000xf32, #tpu.memory_space<hbm>> -> memref<200000xf32, #tpu.memory_space<hbm>>
    tpu.enqueue_indirect_dma source(%dma_start3A_49 : memref<200000xf32, #tpu.memory_space<hbm>>) target(%dma_start3A_45 : memref<512xf32, #tpu.memory_space<vmem>>) offsets(%arg5 : memref<512xi32, #tpu.memory_space<vmem>>) semaphore(%arg7 : memref<!tpu.dma_semaphore, #tpu.memory_space<semaphore_mem>>)
    %dma_start3A_50 = arith.constant 6 : i32
    %dma_start3A_51 = arith.constant 0 : i32
    %dma_start3A_52 = tpu.memref_slice %arg6[%dma_start3A_50, %dma_start3A_51] : memref<8x512xf32, #tpu.memory_space<vmem>> -> memref<1x512xf32, #tpu.memory_space<vmem>>
    %dma_start3A_53 = tpu.memref_squeeze %dma_start3A_52 : memref<1x512xf32, #tpu.memory_space<vmem>> -> memref<512xf32, #tpu.memory_space<vmem>>
    %dma_start3A_54 = arith.constant 1200000 : i32
    %dma_start3A_55 = tpu.memref_slice %arg3[%dma_start3A_54] : memref<1600000xf32, #tpu.memory_space<hbm>> -> memref<200000xf32, #tpu.memory_space<hbm>>
    %dma_start3A_56 = arith.constant 0 : i32
    %dma_start3A_57 = tpu.memref_slice %dma_start3A_55[%dma_start3A_56] : memref<200000xf32, #tpu.memory_space<hbm>> -> memref<200000xf32, #tpu.memory_space<hbm>>
    tpu.enqueue_indirect_dma source(%dma_start3A_57 : memref<200000xf32, #tpu.memory_space<hbm>>) target(%dma_start3A_53 : memref<512xf32, #tpu.memory_space<vmem>>) offsets(%arg5 : memref<512xi32, #tpu.memory_space<vmem>>) semaphore(%arg7 : memref<!tpu.dma_semaphore, #tpu.memory_space<semaphore_mem>>)
    %dma_start3A_58 = arith.constant 7 : i32
    %dma_start3A_59 = arith.constant 0 : i32
    %dma_start3A_60 = tpu.memref_slice %arg6[%dma_start3A_58, %dma_start3A_59] : memref<8x512xf32, #tpu.memory_space<vmem>> -> memref<1x512xf32, #tpu.memory_space<vmem>>
    %dma_start3A_61 = tpu.memref_squeeze %dma_start3A_60 : memref<1x512xf32, #tpu.memory_space<vmem>> -> memref<512xf32, #tpu.memory_space<vmem>>
    %dma_start3A_62 = arith.constant 1400000 : i32
    %dma_start3A_63 = tpu.memref_slice %arg3[%dma_start3A_62] : memref<1600000xf32, #tpu.memory_space<hbm>> -> memref<200000xf32, #tpu.memory_space<hbm>>
    %dma_start3A_64 = arith.constant 0 : i32
    %dma_start3A_65 = tpu.memref_slice %dma_start3A_63[%dma_start3A_64] : memref<200000xf32, #tpu.memory_space<hbm>> -> memref<200000xf32, #tpu.memory_space<hbm>>
    tpu.enqueue_indirect_dma source(%dma_start3A_65 : memref<200000xf32, #tpu.memory_space<hbm>>) target(%dma_start3A_61 : memref<512xf32, #tpu.memory_space<vmem>>) offsets(%arg5 : memref<512xi32, #tpu.memory_space<vmem>>) semaphore(%arg7 : memref<!tpu.dma_semaphore, #tpu.memory_space<semaphore_mem>>)
    %dma_wait3A = arith.constant 0 : i32
    %dma_wait3A_66 = arith.constant 0 : i32
    %dma_wait3A_67 = tpu.memref_slice %arg6[%dma_wait3A, %dma_wait3A_66] : memref<8x512xf32, #tpu.memory_space<vmem>> -> memref<1x512xf32, #tpu.memory_space<vmem>>
    %dma_wait3A_68 = tpu.memref_squeeze %dma_wait3A_67 : memref<1x512xf32, #tpu.memory_space<vmem>> -> memref<512xf32, #tpu.memory_space<vmem>>
    %dma_wait3A_69 = arith.constant 0 : i32
    %dma_wait3A_70 = tpu.memref_slice %arg3[%dma_wait3A_69] : memref<1600000xf32, #tpu.memory_space<hbm>> -> memref<200000xf32, #tpu.memory_space<hbm>>
    %dma_wait3A_71 = arith.constant 0 : i32
    %dma_wait3A_72 = tpu.memref_slice %dma_wait3A_70[%dma_wait3A_71] : memref<200000xf32, #tpu.memory_space<hbm>> -> memref<200000xf32, #tpu.memory_space<hbm>>
    tpu.wait_indirect_dma semaphore(%arg7 : memref<!tpu.dma_semaphore, #tpu.memory_space<semaphore_mem>>) src(%dma_wait3A_72 : memref<200000xf32, #tpu.memory_space<hbm>>) dst(%dma_wait3A_68 : memref<512xf32, #tpu.memory_space<vmem>>)
    %dma_wait3A_73 = arith.constant 1 : i32
    %dma_wait3A_74 = arith.constant 0 : i32
    %dma_wait3A_75 = tpu.memref_slice %arg6[%dma_wait3A_73, %dma_wait3A_74] : memref<8x512xf32, #tpu.memory_space<vmem>> -> memref<1x512xf32, #tpu.memory_space<vmem>>
    %dma_wait3A_76 = tpu.memref_squeeze %dma_wait3A_75 : memref<1x512xf32, #tpu.memory_space<vmem>> -> memref<512xf32, #tpu.memory_space<vmem>>
    %dma_wait3A_77 = arith.constant 200000 : i32
    %dma_wait3A_78 = tpu.memref_slice %arg3[%dma_wait3A_77] : memref<1600000xf32, #tpu.memory_space<hbm>> -> memref<200000xf32, #tpu.memory_space<hbm>>
    %dma_wait3A_79 = arith.constant 0 : i32
    %dma_wait3A_80 = tpu.memref_slice %dma_wait3A_78[%dma_wait3A_79] : memref<200000xf32, #tpu.memory_space<hbm>> -> memref<200000xf32, #tpu.memory_space<hbm>>
    tpu.wait_indirect_dma semaphore(%arg7 : memref<!tpu.dma_semaphore, #tpu.memory_space<semaphore_mem>>) src(%dma_wait3A_80 : memref<200000xf32, #tpu.memory_space<hbm>>) dst(%dma_wait3A_76 : memref<512xf32, #tpu.memory_space<vmem>>)
    %dma_wait3A_81 = arith.constant 2 : i32
    %dma_wait3A_82 = arith.constant 0 : i32
    %dma_wait3A_83 = tpu.memref_slice %arg6[%dma_wait3A_81, %dma_wait3A_82] : memref<8x512xf32, #tpu.memory_space<vmem>> -> memref<1x512xf32, #tpu.memory_space<vmem>>
    %dma_wait3A_84 = tpu.memref_squeeze %dma_wait3A_83 : memref<1x512xf32, #tpu.memory_space<vmem>> -> memref<512xf32, #tpu.memory_space<vmem>>
    %dma_wait3A_85 = arith.constant 400000 : i32
    %dma_wait3A_86 = tpu.memref_slice %arg3[%dma_wait3A_85] : memref<1600000xf32, #tpu.memory_space<hbm>> -> memref<200000xf32, #tpu.memory_space<hbm>>
    %dma_wait3A_87 = arith.constant 0 : i32
    %dma_wait3A_88 = tpu.memref_slice %dma_wait3A_86[%dma_wait3A_87] : memref<200000xf32, #tpu.memory_space<hbm>> -> memref<200000xf32, #tpu.memory_space<hbm>>
    tpu.wait_indirect_dma semaphore(%arg7 : memref<!tpu.dma_semaphore, #tpu.memory_space<semaphore_mem>>) src(%dma_wait3A_88 : memref<200000xf32, #tpu.memory_space<hbm>>) dst(%dma_wait3A_84 : memref<512xf32, #tpu.memory_space<vmem>>)
    %dma_wait3A_89 = arith.constant 3 : i32
    %dma_wait3A_90 = arith.constant 0 : i32
    %dma_wait3A_91 = tpu.memref_slice %arg6[%dma_wait3A_89, %dma_wait3A_90] : memref<8x512xf32, #tpu.memory_space<vmem>> -> memref<1x512xf32, #tpu.memory_space<vmem>>
    %dma_wait3A_92 = tpu.memref_squeeze %dma_wait3A_91 : memref<1x512xf32, #tpu.memory_space<vmem>> -> memref<512xf32, #tpu.memory_space<vmem>>
    %dma_wait3A_93 = arith.constant 600000 : i32
    %dma_wait3A_94 = tpu.memref_slice %arg3[%dma_wait3A_93] : memref<1600000xf32, #tpu.memory_space<hbm>> -> memref<200000xf32, #tpu.memory_space<hbm>>
    %dma_wait3A_95 = arith.constant 0 : i32
    %dma_wait3A_96 = tpu.memref_slice %dma_wait3A_94[%dma_wait3A_95] : memref<200000xf32, #tpu.memory_space<hbm>> -> memref<200000xf32, #tpu.memory_space<hbm>>
    tpu.wait_indirect_dma semaphore(%arg7 : memref<!tpu.dma_semaphore, #tpu.memory_space<semaphore_mem>>) src(%dma_wait3A_96 : memref<200000xf32, #tpu.memory_space<hbm>>) dst(%dma_wait3A_92 : memref<512xf32, #tpu.memory_space<vmem>>)
    %dma_wait3A_97 = arith.constant 4 : i32
    %dma_wait3A_98 = arith.constant 0 : i32
    %dma_wait3A_99 = tpu.memref_slice %arg6[%dma_wait3A_97, %dma_wait3A_98] : memref<8x512xf32, #tpu.memory_space<vmem>> -> memref<1x512xf32, #tpu.memory_space<vmem>>
    %dma_wait3A_100 = tpu.memref_squeeze %dma_wait3A_99 : memref<1x512xf32, #tpu.memory_space<vmem>> -> memref<512xf32, #tpu.memory_space<vmem>>
    %dma_wait3A_101 = arith.constant 800000 : i32
    %dma_wait3A_102 = tpu.memref_slice %arg3[%dma_wait3A_101] : memref<1600000xf32, #tpu.memory_space<hbm>> -> memref<200000xf32, #tpu.memory_space<hbm>>
    %dma_wait3A_103 = arith.constant 0 : i32
    %dma_wait3A_104 = tpu.memref_slice %dma_wait3A_102[%dma_wait3A_103] : memref<200000xf32, #tpu.memory_space<hbm>> -> memref<200000xf32, #tpu.memory_space<hbm>>
    tpu.wait_indirect_dma semaphore(%arg7 : memref<!tpu.dma_semaphore, #tpu.memory_space<semaphore_mem>>) src(%dma_wait3A_104 : memref<200000xf32, #tpu.memory_space<hbm>>) dst(%dma_wait3A_100 : memref<512xf32, #tpu.memory_space<vmem>>)
    %dma_wait3A_105 = arith.constant 5 : i32
    %dma_wait3A_106 = arith.constant 0 : i32
    %dma_wait3A_107 = tpu.memref_slice %arg6[%dma_wait3A_105, %dma_wait3A_106] : memref<8x512xf32, #tpu.memory_space<vmem>> -> memref<1x512xf32, #tpu.memory_space<vmem>>
    %dma_wait3A_108 = tpu.memref_squeeze %dma_wait3A_107 : memref<1x512xf32, #tpu.memory_space<vmem>> -> memref<512xf32, #tpu.memory_space<vmem>>
    %dma_wait3A_109 = arith.constant 1000000 : i32
    %dma_wait3A_110 = tpu.memref_slice %arg3[%dma_wait3A_109] : memref<1600000xf32, #tpu.memory_space<hbm>> -> memref<200000xf32, #tpu.memory_space<hbm>>
    %dma_wait3A_111 = arith.constant 0 : i32
    %dma_wait3A_112 = tpu.memref_slice %dma_wait3A_110[%dma_wait3A_111] : memref<200000xf32, #tpu.memory_space<hbm>> -> memref<200000xf32, #tpu.memory_space<hbm>>
    tpu.wait_indirect_dma semaphore(%arg7 : memref<!tpu.dma_semaphore, #tpu.memory_space<semaphore_mem>>) src(%dma_wait3A_112 : memref<200000xf32, #tpu.memory_space<hbm>>) dst(%dma_wait3A_108 : memref<512xf32, #tpu.memory_space<vmem>>)
    %dma_wait3A_113 = arith.constant 6 : i32
    %dma_wait3A_114 = arith.constant 0 : i32
    %dma_wait3A_115 = tpu.memref_slice %arg6[%dma_wait3A_113, %dma_wait3A_114] : memref<8x512xf32, #tpu.memory_space<vmem>> -> memref<1x512xf32, #tpu.memory_space<vmem>>
    %dma_wait3A_116 = tpu.memref_squeeze %dma_wait3A_115 : memref<1x512xf32, #tpu.memory_space<vmem>> -> memref<512xf32, #tpu.memory_space<vmem>>
    %dma_wait3A_117 = arith.constant 1200000 : i32
    %dma_wait3A_118 = tpu.memref_slice %arg3[%dma_wait3A_117] : memref<1600000xf32, #tpu.memory_space<hbm>> -> memref<200000xf32, #tpu.memory_space<hbm>>
    %dma_wait3A_119 = arith.constant 0 : i32
    %dma_wait3A_120 = tpu.memref_slice %dma_wait3A_118[%dma_wait3A_119] : memref<200000xf32, #tpu.memory_space<hbm>> -> memref<200000xf32, #tpu.memory_space<hbm>>
    tpu.wait_indirect_dma semaphore(%arg7 : memref<!tpu.dma_semaphore, #tpu.memory_space<semaphore_mem>>) src(%dma_wait3A_120 : memref<200000xf32, #tpu.memory_space<hbm>>) dst(%dma_wait3A_116 : memref<512xf32, #tpu.memory_space<vmem>>)
    %dma_wait3A_121 = arith.constant 7 : i32
    %dma_wait3A_122 = arith.constant 0 : i32
    %dma_wait3A_123 = tpu.memref_slice %arg6[%dma_wait3A_121, %dma_wait3A_122] : memref<8x512xf32, #tpu.memory_space<vmem>> -> memref<1x512xf32, #tpu.memory_space<vmem>>
    %dma_wait3A_124 = tpu.memref_squeeze %dma_wait3A_123 : memref<1x512xf32, #tpu.memory_space<vmem>> -> memref<512xf32, #tpu.memory_space<vmem>>
    %dma_wait3A_125 = arith.constant 1400000 : i32
    %dma_wait3A_126 = tpu.memref_slice %arg3[%dma_wait3A_125] : memref<1600000xf32, #tpu.memory_space<hbm>> -> memref<200000xf32, #tpu.memory_space<hbm>>
    %dma_wait3A_127 = arith.constant 0 : i32
    %dma_wait3A_128 = tpu.memref_slice %dma_wait3A_126[%dma_wait3A_127] : memref<200000xf32, #tpu.memory_space<hbm>> -> memref<200000xf32, #tpu.memory_space<hbm>>
    tpu.wait_indirect_dma semaphore(%arg7 : memref<!tpu.dma_semaphore, #tpu.memory_space<semaphore_mem>>) src(%dma_wait3A_128 : memref<200000xf32, #tpu.memory_space<hbm>>) dst(%dma_wait3A_124 : memref<512xf32, #tpu.memory_space<vmem>>)
    "tpu.region"() ({
      %run_scoped3A = tpu.sem_alloc : memref<!tpu.dma_semaphore, #tpu.memory_space<semaphore_mem>>
      %dma_start3A_129 = arith.constant 0 : i32
      %dma_start3A_130 = tpu.memref_slice %arg4[%dma_start3A_129, %mul3A_2] : memref<8x16384xf32, #tpu.memory_space<hbm>> -> memref<8x512xf32, #tpu.memory_space<hbm>>
      %dma_start3A_131 = arith.constant 0 : i32
      %dma_start3A_132 = tpu.memref_slice %arg4[%dma_start3A_131, %mul3A_2] : memref<8x16384xf32, #tpu.memory_space<hbm>> -> memref<8x512xf32, #tpu.memory_space<hbm>>
      tpu.enqueue_dma source(%arg6 : memref<8x512xf32, #tpu.memory_space<vmem>>) target(%dma_start3A_132 : memref<8x512xf32, #tpu.memory_space<hbm>>) target_semaphore(%run_scoped3A : memref<!tpu.dma_semaphore, #tpu.memory_space<semaphore_mem>>)
      %dma_wait3A_133 = arith.constant 0 : i32
      %dma_wait3A_134 = tpu.memref_slice %arg4[%dma_wait3A_133, %mul3A_2] : memref<8x16384xf32, #tpu.memory_space<hbm>> -> memref<8x512xf32, #tpu.memory_space<hbm>>
      %dma_wait3A_135 = arith.constant 0 : i32
      %dma_wait3A_136 = tpu.memref_slice %arg4[%dma_wait3A_135, %mul3A_2] : memref<8x16384xf32, #tpu.memory_space<hbm>> -> memref<8x512xf32, #tpu.memory_space<hbm>>
      tpu.wait_dma2 semaphore(%run_scoped3A : memref<!tpu.dma_semaphore, #tpu.memory_space<semaphore_mem>>) src(%arg6 : memref<8x512xf32, #tpu.memory_space<vmem>>) dst(%dma_wait3A_136 : memref<8x512xf32, #tpu.memory_space<hbm>>)
      tpu.yield
    }) : () -> ()
    return
  }
}

#map = affine_map<(d0, d1) -> (0)>
#map1 = affine_map<(d0, d1) -> (0, 0)>
module attributes {stable_mosaic.version = 14 : i64} {
  func.func @body(%arg0: i32, %arg1: i32, %arg2: memref<16384xi32, #tpu.memory_space<hbm>>, %arg3: memref<960000xf32, #tpu.memory_space<hbm>>, %arg4: memref<32x16384xf32, #tpu.memory_space<hbm>>, %arg5: memref<512xi32, #tpu.memory_space<vmem>>, %arg6: memref<32x512xf32, #tpu.memory_space<vmem>>, %arg7: memref<!tpu.dma_semaphore, #tpu.memory_space<semaphore_mem>>) attributes {dimension_semantics = [#tpu.dimension_semantics<core_parallel>, #tpu.dimension_semantics<subcore_parallel>], iteration_bounds = array<i64: 2, 16>, scalar_prefetch = 0 : i64, scratch_operands = 3 : i64, tpu.core_type = #tpu.core_type<sc_vector_subcore>, window_params = [{transform_indices = #map}, {transform_indices = #map}, {transform_indices = #map1}]} {
    %mul3A = arith.constant 2 : i32
    %mul3A_0 = arith.muli %arg1, %mul3A : i32
    %add3A = arith.addi %mul3A_0, %arg0 : i32
    %mul3A_1 = arith.constant 512 : i32
    %mul3A_2 = arith.muli %add3A, %mul3A_1 : i32
    "tpu.region"() ({
      %run_scoped3A = tpu.sem_alloc : memref<!tpu.dma_semaphore, #tpu.memory_space<semaphore_mem>>
      %dma_start3A_513 = tpu.memref_slice %arg2[%mul3A_2] : memref<16384xi32, #tpu.memory_space<hbm>> -> memref<512xi32, #tpu.memory_space<hbm>>
      %dma_start3A_514 = tpu.memref_slice %arg2[%mul3A_2] : memref<16384xi32, #tpu.memory_space<hbm>> -> memref<512xi32, #tpu.memory_space<hbm>>
      tpu.enqueue_dma source(%dma_start3A_514 : memref<512xi32, #tpu.memory_space<hbm>>) target(%arg5 : memref<512xi32, #tpu.memory_space<vmem>>) target_semaphore(%run_scoped3A : memref<!tpu.dma_semaphore, #tpu.memory_space<semaphore_mem>>)
      %dma_wait3A_515 = tpu.memref_slice %arg2[%mul3A_2] : memref<16384xi32, #tpu.memory_space<hbm>> -> memref<512xi32, #tpu.memory_space<hbm>>
      %dma_wait3A_516 = tpu.memref_slice %arg2[%mul3A_2] : memref<16384xi32, #tpu.memory_space<hbm>> -> memref<512xi32, #tpu.memory_space<hbm>>
      tpu.wait_dma2 semaphore(%run_scoped3A : memref<!tpu.dma_semaphore, #tpu.memory_space<semaphore_mem>>) src(%dma_wait3A_516 : memref<512xi32, #tpu.memory_space<hbm>>) dst(%arg5 : memref<512xi32, #tpu.memory_space<vmem>>)
      tpu.yield
    }) : () -> ()
    %dma_start3A = arith.constant 0 : i32
    %dma_start3A_3 = arith.constant 0 : i32
    %dma_start3A_4 = tpu.memref_slice %arg6[%dma_start3A, %dma_start3A_3] : memref<32x512xf32, #tpu.memory_space<vmem>> -> memref<1x512xf32, #tpu.memory_space<vmem>>
    %dma_start3A_5 = tpu.memref_squeeze %dma_start3A_4 : memref<1x512xf32, #tpu.memory_space<vmem>> -> memref<512xf32, #tpu.memory_space<vmem>>
    %dma_start3A_6 = arith.constant 0 : i32
    %dma_start3A_7 = tpu.memref_slice %arg3[%dma_start3A_6] : memref<960000xf32, #tpu.memory_space<hbm>> -> memref<30000xf32, #tpu.memory_space<hbm>>
    %dma_start3A_8 = arith.constant 0 : i32
    %dma_start3A_9 = tpu.memref_slice %dma_start3A_7[%dma_start3A_8] : memref<30000xf32, #tpu.memory_space<hbm>> -> memref<30000xf32, #tpu.memory_space<hbm>>
    tpu.enqueue_indirect_dma source(%dma_start3A_9 : memref<30000xf32, #tpu.memory_space<hbm>>) target(%dma_start3A_5 : memref<512xf32, #tpu.memory_space<vmem>>) offsets(%arg5 : memref<512xi32, #tpu.memory_space<vmem>>) semaphore(%arg7 : memref<!tpu.dma_semaphore, #tpu.memory_space<semaphore_mem>>)
    %dma_start3A_10 = arith.constant 1 : i32
    %dma_start3A_11 = arith.constant 0 : i32
    %dma_start3A_12 = tpu.memref_slice %arg6[%dma_start3A_10, %dma_start3A_11] : memref<32x512xf32, #tpu.memory_space<vmem>> -> memref<1x512xf32, #tpu.memory_space<vmem>>
    %dma_start3A_13 = tpu.memref_squeeze %dma_start3A_12 : memref<1x512xf32, #tpu.memory_space<vmem>> -> memref<512xf32, #tpu.memory_space<vmem>>
    %dma_start3A_14 = arith.constant 30000 : i32
    %dma_start3A_15 = tpu.memref_slice %arg3[%dma_start3A_14] : memref<960000xf32, #tpu.memory_space<hbm>> -> memref<30000xf32, #tpu.memory_space<hbm>>
    %dma_start3A_16 = arith.constant 0 : i32
    %dma_start3A_17 = tpu.memref_slice %dma_start3A_15[%dma_start3A_16] : memref<30000xf32, #tpu.memory_space<hbm>> -> memref<30000xf32, #tpu.memory_space<hbm>>
    tpu.enqueue_indirect_dma source(%dma_start3A_17 : memref<30000xf32, #tpu.memory_space<hbm>>) target(%dma_start3A_13 : memref<512xf32, #tpu.memory_space<vmem>>) offsets(%arg5 : memref<512xi32, #tpu.memory_space<vmem>>) semaphore(%arg7 : memref<!tpu.dma_semaphore, #tpu.memory_space<semaphore_mem>>)
    %dma_start3A_18 = arith.constant 2 : i32
    %dma_start3A_19 = arith.constant 0 : i32
    %dma_start3A_20 = tpu.memref_slice %arg6[%dma_start3A_18, %dma_start3A_19] : memref<32x512xf32, #tpu.memory_space<vmem>> -> memref<1x512xf32, #tpu.memory_space<vmem>>
    %dma_start3A_21 = tpu.memref_squeeze %dma_start3A_20 : memref<1x512xf32, #tpu.memory_space<vmem>> -> memref<512xf32, #tpu.memory_space<vmem>>
    %dma_start3A_22 = arith.constant 60000 : i32
    %dma_start3A_23 = tpu.memref_slice %arg3[%dma_start3A_22] : memref<960000xf32, #tpu.memory_space<hbm>> -> memref<30000xf32, #tpu.memory_space<hbm>>
    %dma_start3A_24 = arith.constant 0 : i32
    %dma_start3A_25 = tpu.memref_slice %dma_start3A_23[%dma_start3A_24] : memref<30000xf32, #tpu.memory_space<hbm>> -> memref<30000xf32, #tpu.memory_space<hbm>>
    tpu.enqueue_indirect_dma source(%dma_start3A_25 : memref<30000xf32, #tpu.memory_space<hbm>>) target(%dma_start3A_21 : memref<512xf32, #tpu.memory_space<vmem>>) offsets(%arg5 : memref<512xi32, #tpu.memory_space<vmem>>) semaphore(%arg7 : memref<!tpu.dma_semaphore, #tpu.memory_space<semaphore_mem>>)
    %dma_start3A_26 = arith.constant 3 : i32
    %dma_start3A_27 = arith.constant 0 : i32
    %dma_start3A_28 = tpu.memref_slice %arg6[%dma_start3A_26, %dma_start3A_27] : memref<32x512xf32, #tpu.memory_space<vmem>> -> memref<1x512xf32, #tpu.memory_space<vmem>>
    %dma_start3A_29 = tpu.memref_squeeze %dma_start3A_28 : memref<1x512xf32, #tpu.memory_space<vmem>> -> memref<512xf32, #tpu.memory_space<vmem>>
    %dma_start3A_30 = arith.constant 90000 : i32
    %dma_start3A_31 = tpu.memref_slice %arg3[%dma_start3A_30] : memref<960000xf32, #tpu.memory_space<hbm>> -> memref<30000xf32, #tpu.memory_space<hbm>>
    %dma_start3A_32 = arith.constant 0 : i32
    %dma_start3A_33 = tpu.memref_slice %dma_start3A_31[%dma_start3A_32] : memref<30000xf32, #tpu.memory_space<hbm>> -> memref<30000xf32, #tpu.memory_space<hbm>>
    tpu.enqueue_indirect_dma source(%dma_start3A_33 : memref<30000xf32, #tpu.memory_space<hbm>>) target(%dma_start3A_29 : memref<512xf32, #tpu.memory_space<vmem>>) offsets(%arg5 : memref<512xi32, #tpu.memory_space<vmem>>) semaphore(%arg7 : memref<!tpu.dma_semaphore, #tpu.memory_space<semaphore_mem>>)
    %dma_start3A_34 = arith.constant 4 : i32
    %dma_start3A_35 = arith.constant 0 : i32
    %dma_start3A_36 = tpu.memref_slice %arg6[%dma_start3A_34, %dma_start3A_35] : memref<32x512xf32, #tpu.memory_space<vmem>> -> memref<1x512xf32, #tpu.memory_space<vmem>>
    %dma_start3A_37 = tpu.memref_squeeze %dma_start3A_36 : memref<1x512xf32, #tpu.memory_space<vmem>> -> memref<512xf32, #tpu.memory_space<vmem>>
    %dma_start3A_38 = arith.constant 120000 : i32
    %dma_start3A_39 = tpu.memref_slice %arg3[%dma_start3A_38] : memref<960000xf32, #tpu.memory_space<hbm>> -> memref<30000xf32, #tpu.memory_space<hbm>>
    %dma_start3A_40 = arith.constant 0 : i32
    %dma_start3A_41 = tpu.memref_slice %dma_start3A_39[%dma_start3A_40] : memref<30000xf32, #tpu.memory_space<hbm>> -> memref<30000xf32, #tpu.memory_space<hbm>>
    tpu.enqueue_indirect_dma source(%dma_start3A_41 : memref<30000xf32, #tpu.memory_space<hbm>>) target(%dma_start3A_37 : memref<512xf32, #tpu.memory_space<vmem>>) offsets(%arg5 : memref<512xi32, #tpu.memory_space<vmem>>) semaphore(%arg7 : memref<!tpu.dma_semaphore, #tpu.memory_space<semaphore_mem>>)
    %dma_start3A_42 = arith.constant 5 : i32
    %dma_start3A_43 = arith.constant 0 : i32
    %dma_start3A_44 = tpu.memref_slice %arg6[%dma_start3A_42, %dma_start3A_43] : memref<32x512xf32, #tpu.memory_space<vmem>> -> memref<1x512xf32, #tpu.memory_space<vmem>>
    %dma_start3A_45 = tpu.memref_squeeze %dma_start3A_44 : memref<1x512xf32, #tpu.memory_space<vmem>> -> memref<512xf32, #tpu.memory_space<vmem>>
    %dma_start3A_46 = arith.constant 150000 : i32
    %dma_start3A_47 = tpu.memref_slice %arg3[%dma_start3A_46] : memref<960000xf32, #tpu.memory_space<hbm>> -> memref<30000xf32, #tpu.memory_space<hbm>>
    %dma_start3A_48 = arith.constant 0 : i32
    %dma_start3A_49 = tpu.memref_slice %dma_start3A_47[%dma_start3A_48] : memref<30000xf32, #tpu.memory_space<hbm>> -> memref<30000xf32, #tpu.memory_space<hbm>>
    tpu.enqueue_indirect_dma source(%dma_start3A_49 : memref<30000xf32, #tpu.memory_space<hbm>>) target(%dma_start3A_45 : memref<512xf32, #tpu.memory_space<vmem>>) offsets(%arg5 : memref<512xi32, #tpu.memory_space<vmem>>) semaphore(%arg7 : memref<!tpu.dma_semaphore, #tpu.memory_space<semaphore_mem>>)
    %dma_start3A_50 = arith.constant 6 : i32
    %dma_start3A_51 = arith.constant 0 : i32
    %dma_start3A_52 = tpu.memref_slice %arg6[%dma_start3A_50, %dma_start3A_51] : memref<32x512xf32, #tpu.memory_space<vmem>> -> memref<1x512xf32, #tpu.memory_space<vmem>>
    %dma_start3A_53 = tpu.memref_squeeze %dma_start3A_52 : memref<1x512xf32, #tpu.memory_space<vmem>> -> memref<512xf32, #tpu.memory_space<vmem>>
    %dma_start3A_54 = arith.constant 180000 : i32
    %dma_start3A_55 = tpu.memref_slice %arg3[%dma_start3A_54] : memref<960000xf32, #tpu.memory_space<hbm>> -> memref<30000xf32, #tpu.memory_space<hbm>>
    %dma_start3A_56 = arith.constant 0 : i32
    %dma_start3A_57 = tpu.memref_slice %dma_start3A_55[%dma_start3A_56] : memref<30000xf32, #tpu.memory_space<hbm>> -> memref<30000xf32, #tpu.memory_space<hbm>>
    tpu.enqueue_indirect_dma source(%dma_start3A_57 : memref<30000xf32, #tpu.memory_space<hbm>>) target(%dma_start3A_53 : memref<512xf32, #tpu.memory_space<vmem>>) offsets(%arg5 : memref<512xi32, #tpu.memory_space<vmem>>) semaphore(%arg7 : memref<!tpu.dma_semaphore, #tpu.memory_space<semaphore_mem>>)
    %dma_start3A_58 = arith.constant 7 : i32
    %dma_start3A_59 = arith.constant 0 : i32
    %dma_start3A_60 = tpu.memref_slice %arg6[%dma_start3A_58, %dma_start3A_59] : memref<32x512xf32, #tpu.memory_space<vmem>> -> memref<1x512xf32, #tpu.memory_space<vmem>>
    %dma_start3A_61 = tpu.memref_squeeze %dma_start3A_60 : memref<1x512xf32, #tpu.memory_space<vmem>> -> memref<512xf32, #tpu.memory_space<vmem>>
    %dma_start3A_62 = arith.constant 210000 : i32
    %dma_start3A_63 = tpu.memref_slice %arg3[%dma_start3A_62] : memref<960000xf32, #tpu.memory_space<hbm>> -> memref<30000xf32, #tpu.memory_space<hbm>>
    %dma_start3A_64 = arith.constant 0 : i32
    %dma_start3A_65 = tpu.memref_slice %dma_start3A_63[%dma_start3A_64] : memref<30000xf32, #tpu.memory_space<hbm>> -> memref<30000xf32, #tpu.memory_space<hbm>>
    tpu.enqueue_indirect_dma source(%dma_start3A_65 : memref<30000xf32, #tpu.memory_space<hbm>>) target(%dma_start3A_61 : memref<512xf32, #tpu.memory_space<vmem>>) offsets(%arg5 : memref<512xi32, #tpu.memory_space<vmem>>) semaphore(%arg7 : memref<!tpu.dma_semaphore, #tpu.memory_space<semaphore_mem>>)
    %dma_start3A_66 = arith.constant 8 : i32
    %dma_start3A_67 = arith.constant 0 : i32
    %dma_start3A_68 = tpu.memref_slice %arg6[%dma_start3A_66, %dma_start3A_67] : memref<32x512xf32, #tpu.memory_space<vmem>> -> memref<1x512xf32, #tpu.memory_space<vmem>>
    %dma_start3A_69 = tpu.memref_squeeze %dma_start3A_68 : memref<1x512xf32, #tpu.memory_space<vmem>> -> memref<512xf32, #tpu.memory_space<vmem>>
    %dma_start3A_70 = arith.constant 240000 : i32
    %dma_start3A_71 = tpu.memref_slice %arg3[%dma_start3A_70] : memref<960000xf32, #tpu.memory_space<hbm>> -> memref<30000xf32, #tpu.memory_space<hbm>>
    %dma_start3A_72 = arith.constant 0 : i32
    %dma_start3A_73 = tpu.memref_slice %dma_start3A_71[%dma_start3A_72] : memref<30000xf32, #tpu.memory_space<hbm>> -> memref<30000xf32, #tpu.memory_space<hbm>>
    tpu.enqueue_indirect_dma source(%dma_start3A_73 : memref<30000xf32, #tpu.memory_space<hbm>>) target(%dma_start3A_69 : memref<512xf32, #tpu.memory_space<vmem>>) offsets(%arg5 : memref<512xi32, #tpu.memory_space<vmem>>) semaphore(%arg7 : memref<!tpu.dma_semaphore, #tpu.memory_space<semaphore_mem>>)
    %dma_start3A_74 = arith.constant 9 : i32
    %dma_start3A_75 = arith.constant 0 : i32
    %dma_start3A_76 = tpu.memref_slice %arg6[%dma_start3A_74, %dma_start3A_75] : memref<32x512xf32, #tpu.memory_space<vmem>> -> memref<1x512xf32, #tpu.memory_space<vmem>>
    %dma_start3A_77 = tpu.memref_squeeze %dma_start3A_76 : memref<1x512xf32, #tpu.memory_space<vmem>> -> memref<512xf32, #tpu.memory_space<vmem>>
    %dma_start3A_78 = arith.constant 270000 : i32
    %dma_start3A_79 = tpu.memref_slice %arg3[%dma_start3A_78] : memref<960000xf32, #tpu.memory_space<hbm>> -> memref<30000xf32, #tpu.memory_space<hbm>>
    %dma_start3A_80 = arith.constant 0 : i32
    %dma_start3A_81 = tpu.memref_slice %dma_start3A_79[%dma_start3A_80] : memref<30000xf32, #tpu.memory_space<hbm>> -> memref<30000xf32, #tpu.memory_space<hbm>>
    tpu.enqueue_indirect_dma source(%dma_start3A_81 : memref<30000xf32, #tpu.memory_space<hbm>>) target(%dma_start3A_77 : memref<512xf32, #tpu.memory_space<vmem>>) offsets(%arg5 : memref<512xi32, #tpu.memory_space<vmem>>) semaphore(%arg7 : memref<!tpu.dma_semaphore, #tpu.memory_space<semaphore_mem>>)
    %dma_start3A_82 = arith.constant 10 : i32
    %dma_start3A_83 = arith.constant 0 : i32
    %dma_start3A_84 = tpu.memref_slice %arg6[%dma_start3A_82, %dma_start3A_83] : memref<32x512xf32, #tpu.memory_space<vmem>> -> memref<1x512xf32, #tpu.memory_space<vmem>>
    %dma_start3A_85 = tpu.memref_squeeze %dma_start3A_84 : memref<1x512xf32, #tpu.memory_space<vmem>> -> memref<512xf32, #tpu.memory_space<vmem>>
    %dma_start3A_86 = arith.constant 300000 : i32
    %dma_start3A_87 = tpu.memref_slice %arg3[%dma_start3A_86] : memref<960000xf32, #tpu.memory_space<hbm>> -> memref<30000xf32, #tpu.memory_space<hbm>>
    %dma_start3A_88 = arith.constant 0 : i32
    %dma_start3A_89 = tpu.memref_slice %dma_start3A_87[%dma_start3A_88] : memref<30000xf32, #tpu.memory_space<hbm>> -> memref<30000xf32, #tpu.memory_space<hbm>>
    tpu.enqueue_indirect_dma source(%dma_start3A_89 : memref<30000xf32, #tpu.memory_space<hbm>>) target(%dma_start3A_85 : memref<512xf32, #tpu.memory_space<vmem>>) offsets(%arg5 : memref<512xi32, #tpu.memory_space<vmem>>) semaphore(%arg7 : memref<!tpu.dma_semaphore, #tpu.memory_space<semaphore_mem>>)
    %dma_start3A_90 = arith.constant 11 : i32
    %dma_start3A_91 = arith.constant 0 : i32
    %dma_start3A_92 = tpu.memref_slice %arg6[%dma_start3A_90, %dma_start3A_91] : memref<32x512xf32, #tpu.memory_space<vmem>> -> memref<1x512xf32, #tpu.memory_space<vmem>>
    %dma_start3A_93 = tpu.memref_squeeze %dma_start3A_92 : memref<1x512xf32, #tpu.memory_space<vmem>> -> memref<512xf32, #tpu.memory_space<vmem>>
    %dma_start3A_94 = arith.constant 330000 : i32
    %dma_start3A_95 = tpu.memref_slice %arg3[%dma_start3A_94] : memref<960000xf32, #tpu.memory_space<hbm>> -> memref<30000xf32, #tpu.memory_space<hbm>>
    %dma_start3A_96 = arith.constant 0 : i32
    %dma_start3A_97 = tpu.memref_slice %dma_start3A_95[%dma_start3A_96] : memref<30000xf32, #tpu.memory_space<hbm>> -> memref<30000xf32, #tpu.memory_space<hbm>>
    tpu.enqueue_indirect_dma source(%dma_start3A_97 : memref<30000xf32, #tpu.memory_space<hbm>>) target(%dma_start3A_93 : memref<512xf32, #tpu.memory_space<vmem>>) offsets(%arg5 : memref<512xi32, #tpu.memory_space<vmem>>) semaphore(%arg7 : memref<!tpu.dma_semaphore, #tpu.memory_space<semaphore_mem>>)
    %dma_start3A_98 = arith.constant 12 : i32
    %dma_start3A_99 = arith.constant 0 : i32
    %dma_start3A_100 = tpu.memref_slice %arg6[%dma_start3A_98, %dma_start3A_99] : memref<32x512xf32, #tpu.memory_space<vmem>> -> memref<1x512xf32, #tpu.memory_space<vmem>>
    %dma_start3A_101 = tpu.memref_squeeze %dma_start3A_100 : memref<1x512xf32, #tpu.memory_space<vmem>> -> memref<512xf32, #tpu.memory_space<vmem>>
    %dma_start3A_102 = arith.constant 360000 : i32
    %dma_start3A_103 = tpu.memref_slice %arg3[%dma_start3A_102] : memref<960000xf32, #tpu.memory_space<hbm>> -> memref<30000xf32, #tpu.memory_space<hbm>>
    %dma_start3A_104 = arith.constant 0 : i32
    %dma_start3A_105 = tpu.memref_slice %dma_start3A_103[%dma_start3A_104] : memref<30000xf32, #tpu.memory_space<hbm>> -> memref<30000xf32, #tpu.memory_space<hbm>>
    tpu.enqueue_indirect_dma source(%dma_start3A_105 : memref<30000xf32, #tpu.memory_space<hbm>>) target(%dma_start3A_101 : memref<512xf32, #tpu.memory_space<vmem>>) offsets(%arg5 : memref<512xi32, #tpu.memory_space<vmem>>) semaphore(%arg7 : memref<!tpu.dma_semaphore, #tpu.memory_space<semaphore_mem>>)
    %dma_start3A_106 = arith.constant 13 : i32
    %dma_start3A_107 = arith.constant 0 : i32
    %dma_start3A_108 = tpu.memref_slice %arg6[%dma_start3A_106, %dma_start3A_107] : memref<32x512xf32, #tpu.memory_space<vmem>> -> memref<1x512xf32, #tpu.memory_space<vmem>>
    %dma_start3A_109 = tpu.memref_squeeze %dma_start3A_108 : memref<1x512xf32, #tpu.memory_space<vmem>> -> memref<512xf32, #tpu.memory_space<vmem>>
    %dma_start3A_110 = arith.constant 390000 : i32
    %dma_start3A_111 = tpu.memref_slice %arg3[%dma_start3A_110] : memref<960000xf32, #tpu.memory_space<hbm>> -> memref<30000xf32, #tpu.memory_space<hbm>>
    %dma_start3A_112 = arith.constant 0 : i32
    %dma_start3A_113 = tpu.memref_slice %dma_start3A_111[%dma_start3A_112] : memref<30000xf32, #tpu.memory_space<hbm>> -> memref<30000xf32, #tpu.memory_space<hbm>>
    tpu.enqueue_indirect_dma source(%dma_start3A_113 : memref<30000xf32, #tpu.memory_space<hbm>>) target(%dma_start3A_109 : memref<512xf32, #tpu.memory_space<vmem>>) offsets(%arg5 : memref<512xi32, #tpu.memory_space<vmem>>) semaphore(%arg7 : memref<!tpu.dma_semaphore, #tpu.memory_space<semaphore_mem>>)
    %dma_start3A_114 = arith.constant 14 : i32
    %dma_start3A_115 = arith.constant 0 : i32
    %dma_start3A_116 = tpu.memref_slice %arg6[%dma_start3A_114, %dma_start3A_115] : memref<32x512xf32, #tpu.memory_space<vmem>> -> memref<1x512xf32, #tpu.memory_space<vmem>>
    %dma_start3A_117 = tpu.memref_squeeze %dma_start3A_116 : memref<1x512xf32, #tpu.memory_space<vmem>> -> memref<512xf32, #tpu.memory_space<vmem>>
    %dma_start3A_118 = arith.constant 420000 : i32
    %dma_start3A_119 = tpu.memref_slice %arg3[%dma_start3A_118] : memref<960000xf32, #tpu.memory_space<hbm>> -> memref<30000xf32, #tpu.memory_space<hbm>>
    %dma_start3A_120 = arith.constant 0 : i32
    %dma_start3A_121 = tpu.memref_slice %dma_start3A_119[%dma_start3A_120] : memref<30000xf32, #tpu.memory_space<hbm>> -> memref<30000xf32, #tpu.memory_space<hbm>>
    tpu.enqueue_indirect_dma source(%dma_start3A_121 : memref<30000xf32, #tpu.memory_space<hbm>>) target(%dma_start3A_117 : memref<512xf32, #tpu.memory_space<vmem>>) offsets(%arg5 : memref<512xi32, #tpu.memory_space<vmem>>) semaphore(%arg7 : memref<!tpu.dma_semaphore, #tpu.memory_space<semaphore_mem>>)
    %dma_start3A_122 = arith.constant 15 : i32
    %dma_start3A_123 = arith.constant 0 : i32
    %dma_start3A_124 = tpu.memref_slice %arg6[%dma_start3A_122, %dma_start3A_123] : memref<32x512xf32, #tpu.memory_space<vmem>> -> memref<1x512xf32, #tpu.memory_space<vmem>>
    %dma_start3A_125 = tpu.memref_squeeze %dma_start3A_124 : memref<1x512xf32, #tpu.memory_space<vmem>> -> memref<512xf32, #tpu.memory_space<vmem>>
    %dma_start3A_126 = arith.constant 450000 : i32
    %dma_start3A_127 = tpu.memref_slice %arg3[%dma_start3A_126] : memref<960000xf32, #tpu.memory_space<hbm>> -> memref<30000xf32, #tpu.memory_space<hbm>>
    %dma_start3A_128 = arith.constant 0 : i32
    %dma_start3A_129 = tpu.memref_slice %dma_start3A_127[%dma_start3A_128] : memref<30000xf32, #tpu.memory_space<hbm>> -> memref<30000xf32, #tpu.memory_space<hbm>>
    tpu.enqueue_indirect_dma source(%dma_start3A_129 : memref<30000xf32, #tpu.memory_space<hbm>>) target(%dma_start3A_125 : memref<512xf32, #tpu.memory_space<vmem>>) offsets(%arg5 : memref<512xi32, #tpu.memory_space<vmem>>) semaphore(%arg7 : memref<!tpu.dma_semaphore, #tpu.memory_space<semaphore_mem>>)
    %dma_start3A_130 = arith.constant 16 : i32
    %dma_start3A_131 = arith.constant 0 : i32
    %dma_start3A_132 = tpu.memref_slice %arg6[%dma_start3A_130, %dma_start3A_131] : memref<32x512xf32, #tpu.memory_space<vmem>> -> memref<1x512xf32, #tpu.memory_space<vmem>>
    %dma_start3A_133 = tpu.memref_squeeze %dma_start3A_132 : memref<1x512xf32, #tpu.memory_space<vmem>> -> memref<512xf32, #tpu.memory_space<vmem>>
    %dma_start3A_134 = arith.constant 480000 : i32
    %dma_start3A_135 = tpu.memref_slice %arg3[%dma_start3A_134] : memref<960000xf32, #tpu.memory_space<hbm>> -> memref<30000xf32, #tpu.memory_space<hbm>>
    %dma_start3A_136 = arith.constant 0 : i32
    %dma_start3A_137 = tpu.memref_slice %dma_start3A_135[%dma_start3A_136] : memref<30000xf32, #tpu.memory_space<hbm>> -> memref<30000xf32, #tpu.memory_space<hbm>>
    tpu.enqueue_indirect_dma source(%dma_start3A_137 : memref<30000xf32, #tpu.memory_space<hbm>>) target(%dma_start3A_133 : memref<512xf32, #tpu.memory_space<vmem>>) offsets(%arg5 : memref<512xi32, #tpu.memory_space<vmem>>) semaphore(%arg7 : memref<!tpu.dma_semaphore, #tpu.memory_space<semaphore_mem>>)
    %dma_start3A_138 = arith.constant 17 : i32
    %dma_start3A_139 = arith.constant 0 : i32
    %dma_start3A_140 = tpu.memref_slice %arg6[%dma_start3A_138, %dma_start3A_139] : memref<32x512xf32, #tpu.memory_space<vmem>> -> memref<1x512xf32, #tpu.memory_space<vmem>>
    %dma_start3A_141 = tpu.memref_squeeze %dma_start3A_140 : memref<1x512xf32, #tpu.memory_space<vmem>> -> memref<512xf32, #tpu.memory_space<vmem>>
    %dma_start3A_142 = arith.constant 510000 : i32
    %dma_start3A_143 = tpu.memref_slice %arg3[%dma_start3A_142] : memref<960000xf32, #tpu.memory_space<hbm>> -> memref<30000xf32, #tpu.memory_space<hbm>>
    %dma_start3A_144 = arith.constant 0 : i32
    %dma_start3A_145 = tpu.memref_slice %dma_start3A_143[%dma_start3A_144] : memref<30000xf32, #tpu.memory_space<hbm>> -> memref<30000xf32, #tpu.memory_space<hbm>>
    tpu.enqueue_indirect_dma source(%dma_start3A_145 : memref<30000xf32, #tpu.memory_space<hbm>>) target(%dma_start3A_141 : memref<512xf32, #tpu.memory_space<vmem>>) offsets(%arg5 : memref<512xi32, #tpu.memory_space<vmem>>) semaphore(%arg7 : memref<!tpu.dma_semaphore, #tpu.memory_space<semaphore_mem>>)
    %dma_start3A_146 = arith.constant 18 : i32
    %dma_start3A_147 = arith.constant 0 : i32
    %dma_start3A_148 = tpu.memref_slice %arg6[%dma_start3A_146, %dma_start3A_147] : memref<32x512xf32, #tpu.memory_space<vmem>> -> memref<1x512xf32, #tpu.memory_space<vmem>>
    %dma_start3A_149 = tpu.memref_squeeze %dma_start3A_148 : memref<1x512xf32, #tpu.memory_space<vmem>> -> memref<512xf32, #tpu.memory_space<vmem>>
    %dma_start3A_150 = arith.constant 540000 : i32
    %dma_start3A_151 = tpu.memref_slice %arg3[%dma_start3A_150] : memref<960000xf32, #tpu.memory_space<hbm>> -> memref<30000xf32, #tpu.memory_space<hbm>>
    %dma_start3A_152 = arith.constant 0 : i32
    %dma_start3A_153 = tpu.memref_slice %dma_start3A_151[%dma_start3A_152] : memref<30000xf32, #tpu.memory_space<hbm>> -> memref<30000xf32, #tpu.memory_space<hbm>>
    tpu.enqueue_indirect_dma source(%dma_start3A_153 : memref<30000xf32, #tpu.memory_space<hbm>>) target(%dma_start3A_149 : memref<512xf32, #tpu.memory_space<vmem>>) offsets(%arg5 : memref<512xi32, #tpu.memory_space<vmem>>) semaphore(%arg7 : memref<!tpu.dma_semaphore, #tpu.memory_space<semaphore_mem>>)
    %dma_start3A_154 = arith.constant 19 : i32
    %dma_start3A_155 = arith.constant 0 : i32
    %dma_start3A_156 = tpu.memref_slice %arg6[%dma_start3A_154, %dma_start3A_155] : memref<32x512xf32, #tpu.memory_space<vmem>> -> memref<1x512xf32, #tpu.memory_space<vmem>>
    %dma_start3A_157 = tpu.memref_squeeze %dma_start3A_156 : memref<1x512xf32, #tpu.memory_space<vmem>> -> memref<512xf32, #tpu.memory_space<vmem>>
    %dma_start3A_158 = arith.constant 570000 : i32
    %dma_start3A_159 = tpu.memref_slice %arg3[%dma_start3A_158] : memref<960000xf32, #tpu.memory_space<hbm>> -> memref<30000xf32, #tpu.memory_space<hbm>>
    %dma_start3A_160 = arith.constant 0 : i32
    %dma_start3A_161 = tpu.memref_slice %dma_start3A_159[%dma_start3A_160] : memref<30000xf32, #tpu.memory_space<hbm>> -> memref<30000xf32, #tpu.memory_space<hbm>>
    tpu.enqueue_indirect_dma source(%dma_start3A_161 : memref<30000xf32, #tpu.memory_space<hbm>>) target(%dma_start3A_157 : memref<512xf32, #tpu.memory_space<vmem>>) offsets(%arg5 : memref<512xi32, #tpu.memory_space<vmem>>) semaphore(%arg7 : memref<!tpu.dma_semaphore, #tpu.memory_space<semaphore_mem>>)
    %dma_start3A_162 = arith.constant 20 : i32
    %dma_start3A_163 = arith.constant 0 : i32
    %dma_start3A_164 = tpu.memref_slice %arg6[%dma_start3A_162, %dma_start3A_163] : memref<32x512xf32, #tpu.memory_space<vmem>> -> memref<1x512xf32, #tpu.memory_space<vmem>>
    %dma_start3A_165 = tpu.memref_squeeze %dma_start3A_164 : memref<1x512xf32, #tpu.memory_space<vmem>> -> memref<512xf32, #tpu.memory_space<vmem>>
    %dma_start3A_166 = arith.constant 600000 : i32
    %dma_start3A_167 = tpu.memref_slice %arg3[%dma_start3A_166] : memref<960000xf32, #tpu.memory_space<hbm>> -> memref<30000xf32, #tpu.memory_space<hbm>>
    %dma_start3A_168 = arith.constant 0 : i32
    %dma_start3A_169 = tpu.memref_slice %dma_start3A_167[%dma_start3A_168] : memref<30000xf32, #tpu.memory_space<hbm>> -> memref<30000xf32, #tpu.memory_space<hbm>>
    tpu.enqueue_indirect_dma source(%dma_start3A_169 : memref<30000xf32, #tpu.memory_space<hbm>>) target(%dma_start3A_165 : memref<512xf32, #tpu.memory_space<vmem>>) offsets(%arg5 : memref<512xi32, #tpu.memory_space<vmem>>) semaphore(%arg7 : memref<!tpu.dma_semaphore, #tpu.memory_space<semaphore_mem>>)
    %dma_start3A_170 = arith.constant 21 : i32
    %dma_start3A_171 = arith.constant 0 : i32
    %dma_start3A_172 = tpu.memref_slice %arg6[%dma_start3A_170, %dma_start3A_171] : memref<32x512xf32, #tpu.memory_space<vmem>> -> memref<1x512xf32, #tpu.memory_space<vmem>>
    %dma_start3A_173 = tpu.memref_squeeze %dma_start3A_172 : memref<1x512xf32, #tpu.memory_space<vmem>> -> memref<512xf32, #tpu.memory_space<vmem>>
    %dma_start3A_174 = arith.constant 630000 : i32
    %dma_start3A_175 = tpu.memref_slice %arg3[%dma_start3A_174] : memref<960000xf32, #tpu.memory_space<hbm>> -> memref<30000xf32, #tpu.memory_space<hbm>>
    %dma_start3A_176 = arith.constant 0 : i32
    %dma_start3A_177 = tpu.memref_slice %dma_start3A_175[%dma_start3A_176] : memref<30000xf32, #tpu.memory_space<hbm>> -> memref<30000xf32, #tpu.memory_space<hbm>>
    tpu.enqueue_indirect_dma source(%dma_start3A_177 : memref<30000xf32, #tpu.memory_space<hbm>>) target(%dma_start3A_173 : memref<512xf32, #tpu.memory_space<vmem>>) offsets(%arg5 : memref<512xi32, #tpu.memory_space<vmem>>) semaphore(%arg7 : memref<!tpu.dma_semaphore, #tpu.memory_space<semaphore_mem>>)
    %dma_start3A_178 = arith.constant 22 : i32
    %dma_start3A_179 = arith.constant 0 : i32
    %dma_start3A_180 = tpu.memref_slice %arg6[%dma_start3A_178, %dma_start3A_179] : memref<32x512xf32, #tpu.memory_space<vmem>> -> memref<1x512xf32, #tpu.memory_space<vmem>>
    %dma_start3A_181 = tpu.memref_squeeze %dma_start3A_180 : memref<1x512xf32, #tpu.memory_space<vmem>> -> memref<512xf32, #tpu.memory_space<vmem>>
    %dma_start3A_182 = arith.constant 660000 : i32
    %dma_start3A_183 = tpu.memref_slice %arg3[%dma_start3A_182] : memref<960000xf32, #tpu.memory_space<hbm>> -> memref<30000xf32, #tpu.memory_space<hbm>>
    %dma_start3A_184 = arith.constant 0 : i32
    %dma_start3A_185 = tpu.memref_slice %dma_start3A_183[%dma_start3A_184] : memref<30000xf32, #tpu.memory_space<hbm>> -> memref<30000xf32, #tpu.memory_space<hbm>>
    tpu.enqueue_indirect_dma source(%dma_start3A_185 : memref<30000xf32, #tpu.memory_space<hbm>>) target(%dma_start3A_181 : memref<512xf32, #tpu.memory_space<vmem>>) offsets(%arg5 : memref<512xi32, #tpu.memory_space<vmem>>) semaphore(%arg7 : memref<!tpu.dma_semaphore, #tpu.memory_space<semaphore_mem>>)
    %dma_start3A_186 = arith.constant 23 : i32
    %dma_start3A_187 = arith.constant 0 : i32
    %dma_start3A_188 = tpu.memref_slice %arg6[%dma_start3A_186, %dma_start3A_187] : memref<32x512xf32, #tpu.memory_space<vmem>> -> memref<1x512xf32, #tpu.memory_space<vmem>>
    %dma_start3A_189 = tpu.memref_squeeze %dma_start3A_188 : memref<1x512xf32, #tpu.memory_space<vmem>> -> memref<512xf32, #tpu.memory_space<vmem>>
    %dma_start3A_190 = arith.constant 690000 : i32
    %dma_start3A_191 = tpu.memref_slice %arg3[%dma_start3A_190] : memref<960000xf32, #tpu.memory_space<hbm>> -> memref<30000xf32, #tpu.memory_space<hbm>>
    %dma_start3A_192 = arith.constant 0 : i32
    %dma_start3A_193 = tpu.memref_slice %dma_start3A_191[%dma_start3A_192] : memref<30000xf32, #tpu.memory_space<hbm>> -> memref<30000xf32, #tpu.memory_space<hbm>>
    tpu.enqueue_indirect_dma source(%dma_start3A_193 : memref<30000xf32, #tpu.memory_space<hbm>>) target(%dma_start3A_189 : memref<512xf32, #tpu.memory_space<vmem>>) offsets(%arg5 : memref<512xi32, #tpu.memory_space<vmem>>) semaphore(%arg7 : memref<!tpu.dma_semaphore, #tpu.memory_space<semaphore_mem>>)
    %dma_start3A_194 = arith.constant 24 : i32
    %dma_start3A_195 = arith.constant 0 : i32
    %dma_start3A_196 = tpu.memref_slice %arg6[%dma_start3A_194, %dma_start3A_195] : memref<32x512xf32, #tpu.memory_space<vmem>> -> memref<1x512xf32, #tpu.memory_space<vmem>>
    %dma_start3A_197 = tpu.memref_squeeze %dma_start3A_196 : memref<1x512xf32, #tpu.memory_space<vmem>> -> memref<512xf32, #tpu.memory_space<vmem>>
    %dma_start3A_198 = arith.constant 720000 : i32
    %dma_start3A_199 = tpu.memref_slice %arg3[%dma_start3A_198] : memref<960000xf32, #tpu.memory_space<hbm>> -> memref<30000xf32, #tpu.memory_space<hbm>>
    %dma_start3A_200 = arith.constant 0 : i32
    %dma_start3A_201 = tpu.memref_slice %dma_start3A_199[%dma_start3A_200] : memref<30000xf32, #tpu.memory_space<hbm>> -> memref<30000xf32, #tpu.memory_space<hbm>>
    tpu.enqueue_indirect_dma source(%dma_start3A_201 : memref<30000xf32, #tpu.memory_space<hbm>>) target(%dma_start3A_197 : memref<512xf32, #tpu.memory_space<vmem>>) offsets(%arg5 : memref<512xi32, #tpu.memory_space<vmem>>) semaphore(%arg7 : memref<!tpu.dma_semaphore, #tpu.memory_space<semaphore_mem>>)
    %dma_start3A_202 = arith.constant 25 : i32
    %dma_start3A_203 = arith.constant 0 : i32
    %dma_start3A_204 = tpu.memref_slice %arg6[%dma_start3A_202, %dma_start3A_203] : memref<32x512xf32, #tpu.memory_space<vmem>> -> memref<1x512xf32, #tpu.memory_space<vmem>>
    %dma_start3A_205 = tpu.memref_squeeze %dma_start3A_204 : memref<1x512xf32, #tpu.memory_space<vmem>> -> memref<512xf32, #tpu.memory_space<vmem>>
    %dma_start3A_206 = arith.constant 750000 : i32
    %dma_start3A_207 = tpu.memref_slice %arg3[%dma_start3A_206] : memref<960000xf32, #tpu.memory_space<hbm>> -> memref<30000xf32, #tpu.memory_space<hbm>>
    %dma_start3A_208 = arith.constant 0 : i32
    %dma_start3A_209 = tpu.memref_slice %dma_start3A_207[%dma_start3A_208] : memref<30000xf32, #tpu.memory_space<hbm>> -> memref<30000xf32, #tpu.memory_space<hbm>>
    tpu.enqueue_indirect_dma source(%dma_start3A_209 : memref<30000xf32, #tpu.memory_space<hbm>>) target(%dma_start3A_205 : memref<512xf32, #tpu.memory_space<vmem>>) offsets(%arg5 : memref<512xi32, #tpu.memory_space<vmem>>) semaphore(%arg7 : memref<!tpu.dma_semaphore, #tpu.memory_space<semaphore_mem>>)
    %dma_start3A_210 = arith.constant 26 : i32
    %dma_start3A_211 = arith.constant 0 : i32
    %dma_start3A_212 = tpu.memref_slice %arg6[%dma_start3A_210, %dma_start3A_211] : memref<32x512xf32, #tpu.memory_space<vmem>> -> memref<1x512xf32, #tpu.memory_space<vmem>>
    %dma_start3A_213 = tpu.memref_squeeze %dma_start3A_212 : memref<1x512xf32, #tpu.memory_space<vmem>> -> memref<512xf32, #tpu.memory_space<vmem>>
    %dma_start3A_214 = arith.constant 780000 : i32
    %dma_start3A_215 = tpu.memref_slice %arg3[%dma_start3A_214] : memref<960000xf32, #tpu.memory_space<hbm>> -> memref<30000xf32, #tpu.memory_space<hbm>>
    %dma_start3A_216 = arith.constant 0 : i32
    %dma_start3A_217 = tpu.memref_slice %dma_start3A_215[%dma_start3A_216] : memref<30000xf32, #tpu.memory_space<hbm>> -> memref<30000xf32, #tpu.memory_space<hbm>>
    tpu.enqueue_indirect_dma source(%dma_start3A_217 : memref<30000xf32, #tpu.memory_space<hbm>>) target(%dma_start3A_213 : memref<512xf32, #tpu.memory_space<vmem>>) offsets(%arg5 : memref<512xi32, #tpu.memory_space<vmem>>) semaphore(%arg7 : memref<!tpu.dma_semaphore, #tpu.memory_space<semaphore_mem>>)
    %dma_start3A_218 = arith.constant 27 : i32
    %dma_start3A_219 = arith.constant 0 : i32
    %dma_start3A_220 = tpu.memref_slice %arg6[%dma_start3A_218, %dma_start3A_219] : memref<32x512xf32, #tpu.memory_space<vmem>> -> memref<1x512xf32, #tpu.memory_space<vmem>>
    %dma_start3A_221 = tpu.memref_squeeze %dma_start3A_220 : memref<1x512xf32, #tpu.memory_space<vmem>> -> memref<512xf32, #tpu.memory_space<vmem>>
    %dma_start3A_222 = arith.constant 810000 : i32
    %dma_start3A_223 = tpu.memref_slice %arg3[%dma_start3A_222] : memref<960000xf32, #tpu.memory_space<hbm>> -> memref<30000xf32, #tpu.memory_space<hbm>>
    %dma_start3A_224 = arith.constant 0 : i32
    %dma_start3A_225 = tpu.memref_slice %dma_start3A_223[%dma_start3A_224] : memref<30000xf32, #tpu.memory_space<hbm>> -> memref<30000xf32, #tpu.memory_space<hbm>>
    tpu.enqueue_indirect_dma source(%dma_start3A_225 : memref<30000xf32, #tpu.memory_space<hbm>>) target(%dma_start3A_221 : memref<512xf32, #tpu.memory_space<vmem>>) offsets(%arg5 : memref<512xi32, #tpu.memory_space<vmem>>) semaphore(%arg7 : memref<!tpu.dma_semaphore, #tpu.memory_space<semaphore_mem>>)
    %dma_start3A_226 = arith.constant 28 : i32
    %dma_start3A_227 = arith.constant 0 : i32
    %dma_start3A_228 = tpu.memref_slice %arg6[%dma_start3A_226, %dma_start3A_227] : memref<32x512xf32, #tpu.memory_space<vmem>> -> memref<1x512xf32, #tpu.memory_space<vmem>>
    %dma_start3A_229 = tpu.memref_squeeze %dma_start3A_228 : memref<1x512xf32, #tpu.memory_space<vmem>> -> memref<512xf32, #tpu.memory_space<vmem>>
    %dma_start3A_230 = arith.constant 840000 : i32
    %dma_start3A_231 = tpu.memref_slice %arg3[%dma_start3A_230] : memref<960000xf32, #tpu.memory_space<hbm>> -> memref<30000xf32, #tpu.memory_space<hbm>>
    %dma_start3A_232 = arith.constant 0 : i32
    %dma_start3A_233 = tpu.memref_slice %dma_start3A_231[%dma_start3A_232] : memref<30000xf32, #tpu.memory_space<hbm>> -> memref<30000xf32, #tpu.memory_space<hbm>>
    tpu.enqueue_indirect_dma source(%dma_start3A_233 : memref<30000xf32, #tpu.memory_space<hbm>>) target(%dma_start3A_229 : memref<512xf32, #tpu.memory_space<vmem>>) offsets(%arg5 : memref<512xi32, #tpu.memory_space<vmem>>) semaphore(%arg7 : memref<!tpu.dma_semaphore, #tpu.memory_space<semaphore_mem>>)
    %dma_start3A_234 = arith.constant 29 : i32
    %dma_start3A_235 = arith.constant 0 : i32
    %dma_start3A_236 = tpu.memref_slice %arg6[%dma_start3A_234, %dma_start3A_235] : memref<32x512xf32, #tpu.memory_space<vmem>> -> memref<1x512xf32, #tpu.memory_space<vmem>>
    %dma_start3A_237 = tpu.memref_squeeze %dma_start3A_236 : memref<1x512xf32, #tpu.memory_space<vmem>> -> memref<512xf32, #tpu.memory_space<vmem>>
    %dma_start3A_238 = arith.constant 870000 : i32
    %dma_start3A_239 = tpu.memref_slice %arg3[%dma_start3A_238] : memref<960000xf32, #tpu.memory_space<hbm>> -> memref<30000xf32, #tpu.memory_space<hbm>>
    %dma_start3A_240 = arith.constant 0 : i32
    %dma_start3A_241 = tpu.memref_slice %dma_start3A_239[%dma_start3A_240] : memref<30000xf32, #tpu.memory_space<hbm>> -> memref<30000xf32, #tpu.memory_space<hbm>>
    tpu.enqueue_indirect_dma source(%dma_start3A_241 : memref<30000xf32, #tpu.memory_space<hbm>>) target(%dma_start3A_237 : memref<512xf32, #tpu.memory_space<vmem>>) offsets(%arg5 : memref<512xi32, #tpu.memory_space<vmem>>) semaphore(%arg7 : memref<!tpu.dma_semaphore, #tpu.memory_space<semaphore_mem>>)
    %dma_start3A_242 = arith.constant 30 : i32
    %dma_start3A_243 = arith.constant 0 : i32
    %dma_start3A_244 = tpu.memref_slice %arg6[%dma_start3A_242, %dma_start3A_243] : memref<32x512xf32, #tpu.memory_space<vmem>> -> memref<1x512xf32, #tpu.memory_space<vmem>>
    %dma_start3A_245 = tpu.memref_squeeze %dma_start3A_244 : memref<1x512xf32, #tpu.memory_space<vmem>> -> memref<512xf32, #tpu.memory_space<vmem>>
    %dma_start3A_246 = arith.constant 900000 : i32
    %dma_start3A_247 = tpu.memref_slice %arg3[%dma_start3A_246] : memref<960000xf32, #tpu.memory_space<hbm>> -> memref<30000xf32, #tpu.memory_space<hbm>>
    %dma_start3A_248 = arith.constant 0 : i32
    %dma_start3A_249 = tpu.memref_slice %dma_start3A_247[%dma_start3A_248] : memref<30000xf32, #tpu.memory_space<hbm>> -> memref<30000xf32, #tpu.memory_space<hbm>>
    tpu.enqueue_indirect_dma source(%dma_start3A_249 : memref<30000xf32, #tpu.memory_space<hbm>>) target(%dma_start3A_245 : memref<512xf32, #tpu.memory_space<vmem>>) offsets(%arg5 : memref<512xi32, #tpu.memory_space<vmem>>) semaphore(%arg7 : memref<!tpu.dma_semaphore, #tpu.memory_space<semaphore_mem>>)
    %dma_start3A_250 = arith.constant 31 : i32
    %dma_start3A_251 = arith.constant 0 : i32
    %dma_start3A_252 = tpu.memref_slice %arg6[%dma_start3A_250, %dma_start3A_251] : memref<32x512xf32, #tpu.memory_space<vmem>> -> memref<1x512xf32, #tpu.memory_space<vmem>>
    %dma_start3A_253 = tpu.memref_squeeze %dma_start3A_252 : memref<1x512xf32, #tpu.memory_space<vmem>> -> memref<512xf32, #tpu.memory_space<vmem>>
    %dma_start3A_254 = arith.constant 930000 : i32
    %dma_start3A_255 = tpu.memref_slice %arg3[%dma_start3A_254] : memref<960000xf32, #tpu.memory_space<hbm>> -> memref<30000xf32, #tpu.memory_space<hbm>>
    %dma_start3A_256 = arith.constant 0 : i32
    %dma_start3A_257 = tpu.memref_slice %dma_start3A_255[%dma_start3A_256] : memref<30000xf32, #tpu.memory_space<hbm>> -> memref<30000xf32, #tpu.memory_space<hbm>>
    tpu.enqueue_indirect_dma source(%dma_start3A_257 : memref<30000xf32, #tpu.memory_space<hbm>>) target(%dma_start3A_253 : memref<512xf32, #tpu.memory_space<vmem>>) offsets(%arg5 : memref<512xi32, #tpu.memory_space<vmem>>) semaphore(%arg7 : memref<!tpu.dma_semaphore, #tpu.memory_space<semaphore_mem>>)
    %dma_wait3A = arith.constant 0 : i32
    %dma_wait3A_258 = arith.constant 0 : i32
    %dma_wait3A_259 = tpu.memref_slice %arg6[%dma_wait3A, %dma_wait3A_258] : memref<32x512xf32, #tpu.memory_space<vmem>> -> memref<1x512xf32, #tpu.memory_space<vmem>>
    %dma_wait3A_260 = tpu.memref_squeeze %dma_wait3A_259 : memref<1x512xf32, #tpu.memory_space<vmem>> -> memref<512xf32, #tpu.memory_space<vmem>>
    %dma_wait3A_261 = arith.constant 0 : i32
    %dma_wait3A_262 = tpu.memref_slice %arg3[%dma_wait3A_261] : memref<960000xf32, #tpu.memory_space<hbm>> -> memref<30000xf32, #tpu.memory_space<hbm>>
    %dma_wait3A_263 = arith.constant 0 : i32
    %dma_wait3A_264 = tpu.memref_slice %dma_wait3A_262[%dma_wait3A_263] : memref<30000xf32, #tpu.memory_space<hbm>> -> memref<30000xf32, #tpu.memory_space<hbm>>
    tpu.wait_indirect_dma semaphore(%arg7 : memref<!tpu.dma_semaphore, #tpu.memory_space<semaphore_mem>>) src(%dma_wait3A_264 : memref<30000xf32, #tpu.memory_space<hbm>>) dst(%dma_wait3A_260 : memref<512xf32, #tpu.memory_space<vmem>>)
    %dma_wait3A_265 = arith.constant 1 : i32
    %dma_wait3A_266 = arith.constant 0 : i32
    %dma_wait3A_267 = tpu.memref_slice %arg6[%dma_wait3A_265, %dma_wait3A_266] : memref<32x512xf32, #tpu.memory_space<vmem>> -> memref<1x512xf32, #tpu.memory_space<vmem>>
    %dma_wait3A_268 = tpu.memref_squeeze %dma_wait3A_267 : memref<1x512xf32, #tpu.memory_space<vmem>> -> memref<512xf32, #tpu.memory_space<vmem>>
    %dma_wait3A_269 = arith.constant 30000 : i32
    %dma_wait3A_270 = tpu.memref_slice %arg3[%dma_wait3A_269] : memref<960000xf32, #tpu.memory_space<hbm>> -> memref<30000xf32, #tpu.memory_space<hbm>>
    %dma_wait3A_271 = arith.constant 0 : i32
    %dma_wait3A_272 = tpu.memref_slice %dma_wait3A_270[%dma_wait3A_271] : memref<30000xf32, #tpu.memory_space<hbm>> -> memref<30000xf32, #tpu.memory_space<hbm>>
    tpu.wait_indirect_dma semaphore(%arg7 : memref<!tpu.dma_semaphore, #tpu.memory_space<semaphore_mem>>) src(%dma_wait3A_272 : memref<30000xf32, #tpu.memory_space<hbm>>) dst(%dma_wait3A_268 : memref<512xf32, #tpu.memory_space<vmem>>)
    %dma_wait3A_273 = arith.constant 2 : i32
    %dma_wait3A_274 = arith.constant 0 : i32
    %dma_wait3A_275 = tpu.memref_slice %arg6[%dma_wait3A_273, %dma_wait3A_274] : memref<32x512xf32, #tpu.memory_space<vmem>> -> memref<1x512xf32, #tpu.memory_space<vmem>>
    %dma_wait3A_276 = tpu.memref_squeeze %dma_wait3A_275 : memref<1x512xf32, #tpu.memory_space<vmem>> -> memref<512xf32, #tpu.memory_space<vmem>>
    %dma_wait3A_277 = arith.constant 60000 : i32
    %dma_wait3A_278 = tpu.memref_slice %arg3[%dma_wait3A_277] : memref<960000xf32, #tpu.memory_space<hbm>> -> memref<30000xf32, #tpu.memory_space<hbm>>
    %dma_wait3A_279 = arith.constant 0 : i32
    %dma_wait3A_280 = tpu.memref_slice %dma_wait3A_278[%dma_wait3A_279] : memref<30000xf32, #tpu.memory_space<hbm>> -> memref<30000xf32, #tpu.memory_space<hbm>>
    tpu.wait_indirect_dma semaphore(%arg7 : memref<!tpu.dma_semaphore, #tpu.memory_space<semaphore_mem>>) src(%dma_wait3A_280 : memref<30000xf32, #tpu.memory_space<hbm>>) dst(%dma_wait3A_276 : memref<512xf32, #tpu.memory_space<vmem>>)
    %dma_wait3A_281 = arith.constant 3 : i32
    %dma_wait3A_282 = arith.constant 0 : i32
    %dma_wait3A_283 = tpu.memref_slice %arg6[%dma_wait3A_281, %dma_wait3A_282] : memref<32x512xf32, #tpu.memory_space<vmem>> -> memref<1x512xf32, #tpu.memory_space<vmem>>
    %dma_wait3A_284 = tpu.memref_squeeze %dma_wait3A_283 : memref<1x512xf32, #tpu.memory_space<vmem>> -> memref<512xf32, #tpu.memory_space<vmem>>
    %dma_wait3A_285 = arith.constant 90000 : i32
    %dma_wait3A_286 = tpu.memref_slice %arg3[%dma_wait3A_285] : memref<960000xf32, #tpu.memory_space<hbm>> -> memref<30000xf32, #tpu.memory_space<hbm>>
    %dma_wait3A_287 = arith.constant 0 : i32
    %dma_wait3A_288 = tpu.memref_slice %dma_wait3A_286[%dma_wait3A_287] : memref<30000xf32, #tpu.memory_space<hbm>> -> memref<30000xf32, #tpu.memory_space<hbm>>
    tpu.wait_indirect_dma semaphore(%arg7 : memref<!tpu.dma_semaphore, #tpu.memory_space<semaphore_mem>>) src(%dma_wait3A_288 : memref<30000xf32, #tpu.memory_space<hbm>>) dst(%dma_wait3A_284 : memref<512xf32, #tpu.memory_space<vmem>>)
    %dma_wait3A_289 = arith.constant 4 : i32
    %dma_wait3A_290 = arith.constant 0 : i32
    %dma_wait3A_291 = tpu.memref_slice %arg6[%dma_wait3A_289, %dma_wait3A_290] : memref<32x512xf32, #tpu.memory_space<vmem>> -> memref<1x512xf32, #tpu.memory_space<vmem>>
    %dma_wait3A_292 = tpu.memref_squeeze %dma_wait3A_291 : memref<1x512xf32, #tpu.memory_space<vmem>> -> memref<512xf32, #tpu.memory_space<vmem>>
    %dma_wait3A_293 = arith.constant 120000 : i32
    %dma_wait3A_294 = tpu.memref_slice %arg3[%dma_wait3A_293] : memref<960000xf32, #tpu.memory_space<hbm>> -> memref<30000xf32, #tpu.memory_space<hbm>>
    %dma_wait3A_295 = arith.constant 0 : i32
    %dma_wait3A_296 = tpu.memref_slice %dma_wait3A_294[%dma_wait3A_295] : memref<30000xf32, #tpu.memory_space<hbm>> -> memref<30000xf32, #tpu.memory_space<hbm>>
    tpu.wait_indirect_dma semaphore(%arg7 : memref<!tpu.dma_semaphore, #tpu.memory_space<semaphore_mem>>) src(%dma_wait3A_296 : memref<30000xf32, #tpu.memory_space<hbm>>) dst(%dma_wait3A_292 : memref<512xf32, #tpu.memory_space<vmem>>)
    %dma_wait3A_297 = arith.constant 5 : i32
    %dma_wait3A_298 = arith.constant 0 : i32
    %dma_wait3A_299 = tpu.memref_slice %arg6[%dma_wait3A_297, %dma_wait3A_298] : memref<32x512xf32, #tpu.memory_space<vmem>> -> memref<1x512xf32, #tpu.memory_space<vmem>>
    %dma_wait3A_300 = tpu.memref_squeeze %dma_wait3A_299 : memref<1x512xf32, #tpu.memory_space<vmem>> -> memref<512xf32, #tpu.memory_space<vmem>>
    %dma_wait3A_301 = arith.constant 150000 : i32
    %dma_wait3A_302 = tpu.memref_slice %arg3[%dma_wait3A_301] : memref<960000xf32, #tpu.memory_space<hbm>> -> memref<30000xf32, #tpu.memory_space<hbm>>
    %dma_wait3A_303 = arith.constant 0 : i32
    %dma_wait3A_304 = tpu.memref_slice %dma_wait3A_302[%dma_wait3A_303] : memref<30000xf32, #tpu.memory_space<hbm>> -> memref<30000xf32, #tpu.memory_space<hbm>>
    tpu.wait_indirect_dma semaphore(%arg7 : memref<!tpu.dma_semaphore, #tpu.memory_space<semaphore_mem>>) src(%dma_wait3A_304 : memref<30000xf32, #tpu.memory_space<hbm>>) dst(%dma_wait3A_300 : memref<512xf32, #tpu.memory_space<vmem>>)
    %dma_wait3A_305 = arith.constant 6 : i32
    %dma_wait3A_306 = arith.constant 0 : i32
    %dma_wait3A_307 = tpu.memref_slice %arg6[%dma_wait3A_305, %dma_wait3A_306] : memref<32x512xf32, #tpu.memory_space<vmem>> -> memref<1x512xf32, #tpu.memory_space<vmem>>
    %dma_wait3A_308 = tpu.memref_squeeze %dma_wait3A_307 : memref<1x512xf32, #tpu.memory_space<vmem>> -> memref<512xf32, #tpu.memory_space<vmem>>
    %dma_wait3A_309 = arith.constant 180000 : i32
    %dma_wait3A_310 = tpu.memref_slice %arg3[%dma_wait3A_309] : memref<960000xf32, #tpu.memory_space<hbm>> -> memref<30000xf32, #tpu.memory_space<hbm>>
    %dma_wait3A_311 = arith.constant 0 : i32
    %dma_wait3A_312 = tpu.memref_slice %dma_wait3A_310[%dma_wait3A_311] : memref<30000xf32, #tpu.memory_space<hbm>> -> memref<30000xf32, #tpu.memory_space<hbm>>
    tpu.wait_indirect_dma semaphore(%arg7 : memref<!tpu.dma_semaphore, #tpu.memory_space<semaphore_mem>>) src(%dma_wait3A_312 : memref<30000xf32, #tpu.memory_space<hbm>>) dst(%dma_wait3A_308 : memref<512xf32, #tpu.memory_space<vmem>>)
    %dma_wait3A_313 = arith.constant 7 : i32
    %dma_wait3A_314 = arith.constant 0 : i32
    %dma_wait3A_315 = tpu.memref_slice %arg6[%dma_wait3A_313, %dma_wait3A_314] : memref<32x512xf32, #tpu.memory_space<vmem>> -> memref<1x512xf32, #tpu.memory_space<vmem>>
    %dma_wait3A_316 = tpu.memref_squeeze %dma_wait3A_315 : memref<1x512xf32, #tpu.memory_space<vmem>> -> memref<512xf32, #tpu.memory_space<vmem>>
    %dma_wait3A_317 = arith.constant 210000 : i32
    %dma_wait3A_318 = tpu.memref_slice %arg3[%dma_wait3A_317] : memref<960000xf32, #tpu.memory_space<hbm>> -> memref<30000xf32, #tpu.memory_space<hbm>>
    %dma_wait3A_319 = arith.constant 0 : i32
    %dma_wait3A_320 = tpu.memref_slice %dma_wait3A_318[%dma_wait3A_319] : memref<30000xf32, #tpu.memory_space<hbm>> -> memref<30000xf32, #tpu.memory_space<hbm>>
    tpu.wait_indirect_dma semaphore(%arg7 : memref<!tpu.dma_semaphore, #tpu.memory_space<semaphore_mem>>) src(%dma_wait3A_320 : memref<30000xf32, #tpu.memory_space<hbm>>) dst(%dma_wait3A_316 : memref<512xf32, #tpu.memory_space<vmem>>)
    %dma_wait3A_321 = arith.constant 8 : i32
    %dma_wait3A_322 = arith.constant 0 : i32
    %dma_wait3A_323 = tpu.memref_slice %arg6[%dma_wait3A_321, %dma_wait3A_322] : memref<32x512xf32, #tpu.memory_space<vmem>> -> memref<1x512xf32, #tpu.memory_space<vmem>>
    %dma_wait3A_324 = tpu.memref_squeeze %dma_wait3A_323 : memref<1x512xf32, #tpu.memory_space<vmem>> -> memref<512xf32, #tpu.memory_space<vmem>>
    %dma_wait3A_325 = arith.constant 240000 : i32
    %dma_wait3A_326 = tpu.memref_slice %arg3[%dma_wait3A_325] : memref<960000xf32, #tpu.memory_space<hbm>> -> memref<30000xf32, #tpu.memory_space<hbm>>
    %dma_wait3A_327 = arith.constant 0 : i32
    %dma_wait3A_328 = tpu.memref_slice %dma_wait3A_326[%dma_wait3A_327] : memref<30000xf32, #tpu.memory_space<hbm>> -> memref<30000xf32, #tpu.memory_space<hbm>>
    tpu.wait_indirect_dma semaphore(%arg7 : memref<!tpu.dma_semaphore, #tpu.memory_space<semaphore_mem>>) src(%dma_wait3A_328 : memref<30000xf32, #tpu.memory_space<hbm>>) dst(%dma_wait3A_324 : memref<512xf32, #tpu.memory_space<vmem>>)
    %dma_wait3A_329 = arith.constant 9 : i32
    %dma_wait3A_330 = arith.constant 0 : i32
    %dma_wait3A_331 = tpu.memref_slice %arg6[%dma_wait3A_329, %dma_wait3A_330] : memref<32x512xf32, #tpu.memory_space<vmem>> -> memref<1x512xf32, #tpu.memory_space<vmem>>
    %dma_wait3A_332 = tpu.memref_squeeze %dma_wait3A_331 : memref<1x512xf32, #tpu.memory_space<vmem>> -> memref<512xf32, #tpu.memory_space<vmem>>
    %dma_wait3A_333 = arith.constant 270000 : i32
    %dma_wait3A_334 = tpu.memref_slice %arg3[%dma_wait3A_333] : memref<960000xf32, #tpu.memory_space<hbm>> -> memref<30000xf32, #tpu.memory_space<hbm>>
    %dma_wait3A_335 = arith.constant 0 : i32
    %dma_wait3A_336 = tpu.memref_slice %dma_wait3A_334[%dma_wait3A_335] : memref<30000xf32, #tpu.memory_space<hbm>> -> memref<30000xf32, #tpu.memory_space<hbm>>
    tpu.wait_indirect_dma semaphore(%arg7 : memref<!tpu.dma_semaphore, #tpu.memory_space<semaphore_mem>>) src(%dma_wait3A_336 : memref<30000xf32, #tpu.memory_space<hbm>>) dst(%dma_wait3A_332 : memref<512xf32, #tpu.memory_space<vmem>>)
    %dma_wait3A_337 = arith.constant 10 : i32
    %dma_wait3A_338 = arith.constant 0 : i32
    %dma_wait3A_339 = tpu.memref_slice %arg6[%dma_wait3A_337, %dma_wait3A_338] : memref<32x512xf32, #tpu.memory_space<vmem>> -> memref<1x512xf32, #tpu.memory_space<vmem>>
    %dma_wait3A_340 = tpu.memref_squeeze %dma_wait3A_339 : memref<1x512xf32, #tpu.memory_space<vmem>> -> memref<512xf32, #tpu.memory_space<vmem>>
    %dma_wait3A_341 = arith.constant 300000 : i32
    %dma_wait3A_342 = tpu.memref_slice %arg3[%dma_wait3A_341] : memref<960000xf32, #tpu.memory_space<hbm>> -> memref<30000xf32, #tpu.memory_space<hbm>>
    %dma_wait3A_343 = arith.constant 0 : i32
    %dma_wait3A_344 = tpu.memref_slice %dma_wait3A_342[%dma_wait3A_343] : memref<30000xf32, #tpu.memory_space<hbm>> -> memref<30000xf32, #tpu.memory_space<hbm>>
    tpu.wait_indirect_dma semaphore(%arg7 : memref<!tpu.dma_semaphore, #tpu.memory_space<semaphore_mem>>) src(%dma_wait3A_344 : memref<30000xf32, #tpu.memory_space<hbm>>) dst(%dma_wait3A_340 : memref<512xf32, #tpu.memory_space<vmem>>)
    %dma_wait3A_345 = arith.constant 11 : i32
    %dma_wait3A_346 = arith.constant 0 : i32
    %dma_wait3A_347 = tpu.memref_slice %arg6[%dma_wait3A_345, %dma_wait3A_346] : memref<32x512xf32, #tpu.memory_space<vmem>> -> memref<1x512xf32, #tpu.memory_space<vmem>>
    %dma_wait3A_348 = tpu.memref_squeeze %dma_wait3A_347 : memref<1x512xf32, #tpu.memory_space<vmem>> -> memref<512xf32, #tpu.memory_space<vmem>>
    %dma_wait3A_349 = arith.constant 330000 : i32
    %dma_wait3A_350 = tpu.memref_slice %arg3[%dma_wait3A_349] : memref<960000xf32, #tpu.memory_space<hbm>> -> memref<30000xf32, #tpu.memory_space<hbm>>
    %dma_wait3A_351 = arith.constant 0 : i32
    %dma_wait3A_352 = tpu.memref_slice %dma_wait3A_350[%dma_wait3A_351] : memref<30000xf32, #tpu.memory_space<hbm>> -> memref<30000xf32, #tpu.memory_space<hbm>>
    tpu.wait_indirect_dma semaphore(%arg7 : memref<!tpu.dma_semaphore, #tpu.memory_space<semaphore_mem>>) src(%dma_wait3A_352 : memref<30000xf32, #tpu.memory_space<hbm>>) dst(%dma_wait3A_348 : memref<512xf32, #tpu.memory_space<vmem>>)
    %dma_wait3A_353 = arith.constant 12 : i32
    %dma_wait3A_354 = arith.constant 0 : i32
    %dma_wait3A_355 = tpu.memref_slice %arg6[%dma_wait3A_353, %dma_wait3A_354] : memref<32x512xf32, #tpu.memory_space<vmem>> -> memref<1x512xf32, #tpu.memory_space<vmem>>
    %dma_wait3A_356 = tpu.memref_squeeze %dma_wait3A_355 : memref<1x512xf32, #tpu.memory_space<vmem>> -> memref<512xf32, #tpu.memory_space<vmem>>
    %dma_wait3A_357 = arith.constant 360000 : i32
    %dma_wait3A_358 = tpu.memref_slice %arg3[%dma_wait3A_357] : memref<960000xf32, #tpu.memory_space<hbm>> -> memref<30000xf32, #tpu.memory_space<hbm>>
    %dma_wait3A_359 = arith.constant 0 : i32
    %dma_wait3A_360 = tpu.memref_slice %dma_wait3A_358[%dma_wait3A_359] : memref<30000xf32, #tpu.memory_space<hbm>> -> memref<30000xf32, #tpu.memory_space<hbm>>
    tpu.wait_indirect_dma semaphore(%arg7 : memref<!tpu.dma_semaphore, #tpu.memory_space<semaphore_mem>>) src(%dma_wait3A_360 : memref<30000xf32, #tpu.memory_space<hbm>>) dst(%dma_wait3A_356 : memref<512xf32, #tpu.memory_space<vmem>>)
    %dma_wait3A_361 = arith.constant 13 : i32
    %dma_wait3A_362 = arith.constant 0 : i32
    %dma_wait3A_363 = tpu.memref_slice %arg6[%dma_wait3A_361, %dma_wait3A_362] : memref<32x512xf32, #tpu.memory_space<vmem>> -> memref<1x512xf32, #tpu.memory_space<vmem>>
    %dma_wait3A_364 = tpu.memref_squeeze %dma_wait3A_363 : memref<1x512xf32, #tpu.memory_space<vmem>> -> memref<512xf32, #tpu.memory_space<vmem>>
    %dma_wait3A_365 = arith.constant 390000 : i32
    %dma_wait3A_366 = tpu.memref_slice %arg3[%dma_wait3A_365] : memref<960000xf32, #tpu.memory_space<hbm>> -> memref<30000xf32, #tpu.memory_space<hbm>>
    %dma_wait3A_367 = arith.constant 0 : i32
    %dma_wait3A_368 = tpu.memref_slice %dma_wait3A_366[%dma_wait3A_367] : memref<30000xf32, #tpu.memory_space<hbm>> -> memref<30000xf32, #tpu.memory_space<hbm>>
    tpu.wait_indirect_dma semaphore(%arg7 : memref<!tpu.dma_semaphore, #tpu.memory_space<semaphore_mem>>) src(%dma_wait3A_368 : memref<30000xf32, #tpu.memory_space<hbm>>) dst(%dma_wait3A_364 : memref<512xf32, #tpu.memory_space<vmem>>)
    %dma_wait3A_369 = arith.constant 14 : i32
    %dma_wait3A_370 = arith.constant 0 : i32
    %dma_wait3A_371 = tpu.memref_slice %arg6[%dma_wait3A_369, %dma_wait3A_370] : memref<32x512xf32, #tpu.memory_space<vmem>> -> memref<1x512xf32, #tpu.memory_space<vmem>>
    %dma_wait3A_372 = tpu.memref_squeeze %dma_wait3A_371 : memref<1x512xf32, #tpu.memory_space<vmem>> -> memref<512xf32, #tpu.memory_space<vmem>>
    %dma_wait3A_373 = arith.constant 420000 : i32
    %dma_wait3A_374 = tpu.memref_slice %arg3[%dma_wait3A_373] : memref<960000xf32, #tpu.memory_space<hbm>> -> memref<30000xf32, #tpu.memory_space<hbm>>
    %dma_wait3A_375 = arith.constant 0 : i32
    %dma_wait3A_376 = tpu.memref_slice %dma_wait3A_374[%dma_wait3A_375] : memref<30000xf32, #tpu.memory_space<hbm>> -> memref<30000xf32, #tpu.memory_space<hbm>>
    tpu.wait_indirect_dma semaphore(%arg7 : memref<!tpu.dma_semaphore, #tpu.memory_space<semaphore_mem>>) src(%dma_wait3A_376 : memref<30000xf32, #tpu.memory_space<hbm>>) dst(%dma_wait3A_372 : memref<512xf32, #tpu.memory_space<vmem>>)
    %dma_wait3A_377 = arith.constant 15 : i32
    %dma_wait3A_378 = arith.constant 0 : i32
    %dma_wait3A_379 = tpu.memref_slice %arg6[%dma_wait3A_377, %dma_wait3A_378] : memref<32x512xf32, #tpu.memory_space<vmem>> -> memref<1x512xf32, #tpu.memory_space<vmem>>
    %dma_wait3A_380 = tpu.memref_squeeze %dma_wait3A_379 : memref<1x512xf32, #tpu.memory_space<vmem>> -> memref<512xf32, #tpu.memory_space<vmem>>
    %dma_wait3A_381 = arith.constant 450000 : i32
    %dma_wait3A_382 = tpu.memref_slice %arg3[%dma_wait3A_381] : memref<960000xf32, #tpu.memory_space<hbm>> -> memref<30000xf32, #tpu.memory_space<hbm>>
    %dma_wait3A_383 = arith.constant 0 : i32
    %dma_wait3A_384 = tpu.memref_slice %dma_wait3A_382[%dma_wait3A_383] : memref<30000xf32, #tpu.memory_space<hbm>> -> memref<30000xf32, #tpu.memory_space<hbm>>
    tpu.wait_indirect_dma semaphore(%arg7 : memref<!tpu.dma_semaphore, #tpu.memory_space<semaphore_mem>>) src(%dma_wait3A_384 : memref<30000xf32, #tpu.memory_space<hbm>>) dst(%dma_wait3A_380 : memref<512xf32, #tpu.memory_space<vmem>>)
    %dma_wait3A_385 = arith.constant 16 : i32
    %dma_wait3A_386 = arith.constant 0 : i32
    %dma_wait3A_387 = tpu.memref_slice %arg6[%dma_wait3A_385, %dma_wait3A_386] : memref<32x512xf32, #tpu.memory_space<vmem>> -> memref<1x512xf32, #tpu.memory_space<vmem>>
    %dma_wait3A_388 = tpu.memref_squeeze %dma_wait3A_387 : memref<1x512xf32, #tpu.memory_space<vmem>> -> memref<512xf32, #tpu.memory_space<vmem>>
    %dma_wait3A_389 = arith.constant 480000 : i32
    %dma_wait3A_390 = tpu.memref_slice %arg3[%dma_wait3A_389] : memref<960000xf32, #tpu.memory_space<hbm>> -> memref<30000xf32, #tpu.memory_space<hbm>>
    %dma_wait3A_391 = arith.constant 0 : i32
    %dma_wait3A_392 = tpu.memref_slice %dma_wait3A_390[%dma_wait3A_391] : memref<30000xf32, #tpu.memory_space<hbm>> -> memref<30000xf32, #tpu.memory_space<hbm>>
    tpu.wait_indirect_dma semaphore(%arg7 : memref<!tpu.dma_semaphore, #tpu.memory_space<semaphore_mem>>) src(%dma_wait3A_392 : memref<30000xf32, #tpu.memory_space<hbm>>) dst(%dma_wait3A_388 : memref<512xf32, #tpu.memory_space<vmem>>)
    %dma_wait3A_393 = arith.constant 17 : i32
    %dma_wait3A_394 = arith.constant 0 : i32
    %dma_wait3A_395 = tpu.memref_slice %arg6[%dma_wait3A_393, %dma_wait3A_394] : memref<32x512xf32, #tpu.memory_space<vmem>> -> memref<1x512xf32, #tpu.memory_space<vmem>>
    %dma_wait3A_396 = tpu.memref_squeeze %dma_wait3A_395 : memref<1x512xf32, #tpu.memory_space<vmem>> -> memref<512xf32, #tpu.memory_space<vmem>>
    %dma_wait3A_397 = arith.constant 510000 : i32
    %dma_wait3A_398 = tpu.memref_slice %arg3[%dma_wait3A_397] : memref<960000xf32, #tpu.memory_space<hbm>> -> memref<30000xf32, #tpu.memory_space<hbm>>
    %dma_wait3A_399 = arith.constant 0 : i32
    %dma_wait3A_400 = tpu.memref_slice %dma_wait3A_398[%dma_wait3A_399] : memref<30000xf32, #tpu.memory_space<hbm>> -> memref<30000xf32, #tpu.memory_space<hbm>>
    tpu.wait_indirect_dma semaphore(%arg7 : memref<!tpu.dma_semaphore, #tpu.memory_space<semaphore_mem>>) src(%dma_wait3A_400 : memref<30000xf32, #tpu.memory_space<hbm>>) dst(%dma_wait3A_396 : memref<512xf32, #tpu.memory_space<vmem>>)
    %dma_wait3A_401 = arith.constant 18 : i32
    %dma_wait3A_402 = arith.constant 0 : i32
    %dma_wait3A_403 = tpu.memref_slice %arg6[%dma_wait3A_401, %dma_wait3A_402] : memref<32x512xf32, #tpu.memory_space<vmem>> -> memref<1x512xf32, #tpu.memory_space<vmem>>
    %dma_wait3A_404 = tpu.memref_squeeze %dma_wait3A_403 : memref<1x512xf32, #tpu.memory_space<vmem>> -> memref<512xf32, #tpu.memory_space<vmem>>
    %dma_wait3A_405 = arith.constant 540000 : i32
    %dma_wait3A_406 = tpu.memref_slice %arg3[%dma_wait3A_405] : memref<960000xf32, #tpu.memory_space<hbm>> -> memref<30000xf32, #tpu.memory_space<hbm>>
    %dma_wait3A_407 = arith.constant 0 : i32
    %dma_wait3A_408 = tpu.memref_slice %dma_wait3A_406[%dma_wait3A_407] : memref<30000xf32, #tpu.memory_space<hbm>> -> memref<30000xf32, #tpu.memory_space<hbm>>
    tpu.wait_indirect_dma semaphore(%arg7 : memref<!tpu.dma_semaphore, #tpu.memory_space<semaphore_mem>>) src(%dma_wait3A_408 : memref<30000xf32, #tpu.memory_space<hbm>>) dst(%dma_wait3A_404 : memref<512xf32, #tpu.memory_space<vmem>>)
    %dma_wait3A_409 = arith.constant 19 : i32
    %dma_wait3A_410 = arith.constant 0 : i32
    %dma_wait3A_411 = tpu.memref_slice %arg6[%dma_wait3A_409, %dma_wait3A_410] : memref<32x512xf32, #tpu.memory_space<vmem>> -> memref<1x512xf32, #tpu.memory_space<vmem>>
    %dma_wait3A_412 = tpu.memref_squeeze %dma_wait3A_411 : memref<1x512xf32, #tpu.memory_space<vmem>> -> memref<512xf32, #tpu.memory_space<vmem>>
    %dma_wait3A_413 = arith.constant 570000 : i32
    %dma_wait3A_414 = tpu.memref_slice %arg3[%dma_wait3A_413] : memref<960000xf32, #tpu.memory_space<hbm>> -> memref<30000xf32, #tpu.memory_space<hbm>>
    %dma_wait3A_415 = arith.constant 0 : i32
    %dma_wait3A_416 = tpu.memref_slice %dma_wait3A_414[%dma_wait3A_415] : memref<30000xf32, #tpu.memory_space<hbm>> -> memref<30000xf32, #tpu.memory_space<hbm>>
    tpu.wait_indirect_dma semaphore(%arg7 : memref<!tpu.dma_semaphore, #tpu.memory_space<semaphore_mem>>) src(%dma_wait3A_416 : memref<30000xf32, #tpu.memory_space<hbm>>) dst(%dma_wait3A_412 : memref<512xf32, #tpu.memory_space<vmem>>)
    %dma_wait3A_417 = arith.constant 20 : i32
    %dma_wait3A_418 = arith.constant 0 : i32
    %dma_wait3A_419 = tpu.memref_slice %arg6[%dma_wait3A_417, %dma_wait3A_418] : memref<32x512xf32, #tpu.memory_space<vmem>> -> memref<1x512xf32, #tpu.memory_space<vmem>>
    %dma_wait3A_420 = tpu.memref_squeeze %dma_wait3A_419 : memref<1x512xf32, #tpu.memory_space<vmem>> -> memref<512xf32, #tpu.memory_space<vmem>>
    %dma_wait3A_421 = arith.constant 600000 : i32
    %dma_wait3A_422 = tpu.memref_slice %arg3[%dma_wait3A_421] : memref<960000xf32, #tpu.memory_space<hbm>> -> memref<30000xf32, #tpu.memory_space<hbm>>
    %dma_wait3A_423 = arith.constant 0 : i32
    %dma_wait3A_424 = tpu.memref_slice %dma_wait3A_422[%dma_wait3A_423] : memref<30000xf32, #tpu.memory_space<hbm>> -> memref<30000xf32, #tpu.memory_space<hbm>>
    tpu.wait_indirect_dma semaphore(%arg7 : memref<!tpu.dma_semaphore, #tpu.memory_space<semaphore_mem>>) src(%dma_wait3A_424 : memref<30000xf32, #tpu.memory_space<hbm>>) dst(%dma_wait3A_420 : memref<512xf32, #tpu.memory_space<vmem>>)
    %dma_wait3A_425 = arith.constant 21 : i32
    %dma_wait3A_426 = arith.constant 0 : i32
    %dma_wait3A_427 = tpu.memref_slice %arg6[%dma_wait3A_425, %dma_wait3A_426] : memref<32x512xf32, #tpu.memory_space<vmem>> -> memref<1x512xf32, #tpu.memory_space<vmem>>
    %dma_wait3A_428 = tpu.memref_squeeze %dma_wait3A_427 : memref<1x512xf32, #tpu.memory_space<vmem>> -> memref<512xf32, #tpu.memory_space<vmem>>
    %dma_wait3A_429 = arith.constant 630000 : i32
    %dma_wait3A_430 = tpu.memref_slice %arg3[%dma_wait3A_429] : memref<960000xf32, #tpu.memory_space<hbm>> -> memref<30000xf32, #tpu.memory_space<hbm>>
    %dma_wait3A_431 = arith.constant 0 : i32
    %dma_wait3A_432 = tpu.memref_slice %dma_wait3A_430[%dma_wait3A_431] : memref<30000xf32, #tpu.memory_space<hbm>> -> memref<30000xf32, #tpu.memory_space<hbm>>
    tpu.wait_indirect_dma semaphore(%arg7 : memref<!tpu.dma_semaphore, #tpu.memory_space<semaphore_mem>>) src(%dma_wait3A_432 : memref<30000xf32, #tpu.memory_space<hbm>>) dst(%dma_wait3A_428 : memref<512xf32, #tpu.memory_space<vmem>>)
    %dma_wait3A_433 = arith.constant 22 : i32
    %dma_wait3A_434 = arith.constant 0 : i32
    %dma_wait3A_435 = tpu.memref_slice %arg6[%dma_wait3A_433, %dma_wait3A_434] : memref<32x512xf32, #tpu.memory_space<vmem>> -> memref<1x512xf32, #tpu.memory_space<vmem>>
    %dma_wait3A_436 = tpu.memref_squeeze %dma_wait3A_435 : memref<1x512xf32, #tpu.memory_space<vmem>> -> memref<512xf32, #tpu.memory_space<vmem>>
    %dma_wait3A_437 = arith.constant 660000 : i32
    %dma_wait3A_438 = tpu.memref_slice %arg3[%dma_wait3A_437] : memref<960000xf32, #tpu.memory_space<hbm>> -> memref<30000xf32, #tpu.memory_space<hbm>>
    %dma_wait3A_439 = arith.constant 0 : i32
    %dma_wait3A_440 = tpu.memref_slice %dma_wait3A_438[%dma_wait3A_439] : memref<30000xf32, #tpu.memory_space<hbm>> -> memref<30000xf32, #tpu.memory_space<hbm>>
    tpu.wait_indirect_dma semaphore(%arg7 : memref<!tpu.dma_semaphore, #tpu.memory_space<semaphore_mem>>) src(%dma_wait3A_440 : memref<30000xf32, #tpu.memory_space<hbm>>) dst(%dma_wait3A_436 : memref<512xf32, #tpu.memory_space<vmem>>)
    %dma_wait3A_441 = arith.constant 23 : i32
    %dma_wait3A_442 = arith.constant 0 : i32
    %dma_wait3A_443 = tpu.memref_slice %arg6[%dma_wait3A_441, %dma_wait3A_442] : memref<32x512xf32, #tpu.memory_space<vmem>> -> memref<1x512xf32, #tpu.memory_space<vmem>>
    %dma_wait3A_444 = tpu.memref_squeeze %dma_wait3A_443 : memref<1x512xf32, #tpu.memory_space<vmem>> -> memref<512xf32, #tpu.memory_space<vmem>>
    %dma_wait3A_445 = arith.constant 690000 : i32
    %dma_wait3A_446 = tpu.memref_slice %arg3[%dma_wait3A_445] : memref<960000xf32, #tpu.memory_space<hbm>> -> memref<30000xf32, #tpu.memory_space<hbm>>
    %dma_wait3A_447 = arith.constant 0 : i32
    %dma_wait3A_448 = tpu.memref_slice %dma_wait3A_446[%dma_wait3A_447] : memref<30000xf32, #tpu.memory_space<hbm>> -> memref<30000xf32, #tpu.memory_space<hbm>>
    tpu.wait_indirect_dma semaphore(%arg7 : memref<!tpu.dma_semaphore, #tpu.memory_space<semaphore_mem>>) src(%dma_wait3A_448 : memref<30000xf32, #tpu.memory_space<hbm>>) dst(%dma_wait3A_444 : memref<512xf32, #tpu.memory_space<vmem>>)
    %dma_wait3A_449 = arith.constant 24 : i32
    %dma_wait3A_450 = arith.constant 0 : i32
    %dma_wait3A_451 = tpu.memref_slice %arg6[%dma_wait3A_449, %dma_wait3A_450] : memref<32x512xf32, #tpu.memory_space<vmem>> -> memref<1x512xf32, #tpu.memory_space<vmem>>
    %dma_wait3A_452 = tpu.memref_squeeze %dma_wait3A_451 : memref<1x512xf32, #tpu.memory_space<vmem>> -> memref<512xf32, #tpu.memory_space<vmem>>
    %dma_wait3A_453 = arith.constant 720000 : i32
    %dma_wait3A_454 = tpu.memref_slice %arg3[%dma_wait3A_453] : memref<960000xf32, #tpu.memory_space<hbm>> -> memref<30000xf32, #tpu.memory_space<hbm>>
    %dma_wait3A_455 = arith.constant 0 : i32
    %dma_wait3A_456 = tpu.memref_slice %dma_wait3A_454[%dma_wait3A_455] : memref<30000xf32, #tpu.memory_space<hbm>> -> memref<30000xf32, #tpu.memory_space<hbm>>
    tpu.wait_indirect_dma semaphore(%arg7 : memref<!tpu.dma_semaphore, #tpu.memory_space<semaphore_mem>>) src(%dma_wait3A_456 : memref<30000xf32, #tpu.memory_space<hbm>>) dst(%dma_wait3A_452 : memref<512xf32, #tpu.memory_space<vmem>>)
    %dma_wait3A_457 = arith.constant 25 : i32
    %dma_wait3A_458 = arith.constant 0 : i32
    %dma_wait3A_459 = tpu.memref_slice %arg6[%dma_wait3A_457, %dma_wait3A_458] : memref<32x512xf32, #tpu.memory_space<vmem>> -> memref<1x512xf32, #tpu.memory_space<vmem>>
    %dma_wait3A_460 = tpu.memref_squeeze %dma_wait3A_459 : memref<1x512xf32, #tpu.memory_space<vmem>> -> memref<512xf32, #tpu.memory_space<vmem>>
    %dma_wait3A_461 = arith.constant 750000 : i32
    %dma_wait3A_462 = tpu.memref_slice %arg3[%dma_wait3A_461] : memref<960000xf32, #tpu.memory_space<hbm>> -> memref<30000xf32, #tpu.memory_space<hbm>>
    %dma_wait3A_463 = arith.constant 0 : i32
    %dma_wait3A_464 = tpu.memref_slice %dma_wait3A_462[%dma_wait3A_463] : memref<30000xf32, #tpu.memory_space<hbm>> -> memref<30000xf32, #tpu.memory_space<hbm>>
    tpu.wait_indirect_dma semaphore(%arg7 : memref<!tpu.dma_semaphore, #tpu.memory_space<semaphore_mem>>) src(%dma_wait3A_464 : memref<30000xf32, #tpu.memory_space<hbm>>) dst(%dma_wait3A_460 : memref<512xf32, #tpu.memory_space<vmem>>)
    %dma_wait3A_465 = arith.constant 26 : i32
    %dma_wait3A_466 = arith.constant 0 : i32
    %dma_wait3A_467 = tpu.memref_slice %arg6[%dma_wait3A_465, %dma_wait3A_466] : memref<32x512xf32, #tpu.memory_space<vmem>> -> memref<1x512xf32, #tpu.memory_space<vmem>>
    %dma_wait3A_468 = tpu.memref_squeeze %dma_wait3A_467 : memref<1x512xf32, #tpu.memory_space<vmem>> -> memref<512xf32, #tpu.memory_space<vmem>>
    %dma_wait3A_469 = arith.constant 780000 : i32
    %dma_wait3A_470 = tpu.memref_slice %arg3[%dma_wait3A_469] : memref<960000xf32, #tpu.memory_space<hbm>> -> memref<30000xf32, #tpu.memory_space<hbm>>
    %dma_wait3A_471 = arith.constant 0 : i32
    %dma_wait3A_472 = tpu.memref_slice %dma_wait3A_470[%dma_wait3A_471] : memref<30000xf32, #tpu.memory_space<hbm>> -> memref<30000xf32, #tpu.memory_space<hbm>>
    tpu.wait_indirect_dma semaphore(%arg7 : memref<!tpu.dma_semaphore, #tpu.memory_space<semaphore_mem>>) src(%dma_wait3A_472 : memref<30000xf32, #tpu.memory_space<hbm>>) dst(%dma_wait3A_468 : memref<512xf32, #tpu.memory_space<vmem>>)
    %dma_wait3A_473 = arith.constant 27 : i32
    %dma_wait3A_474 = arith.constant 0 : i32
    %dma_wait3A_475 = tpu.memref_slice %arg6[%dma_wait3A_473, %dma_wait3A_474] : memref<32x512xf32, #tpu.memory_space<vmem>> -> memref<1x512xf32, #tpu.memory_space<vmem>>
    %dma_wait3A_476 = tpu.memref_squeeze %dma_wait3A_475 : memref<1x512xf32, #tpu.memory_space<vmem>> -> memref<512xf32, #tpu.memory_space<vmem>>
    %dma_wait3A_477 = arith.constant 810000 : i32
    %dma_wait3A_478 = tpu.memref_slice %arg3[%dma_wait3A_477] : memref<960000xf32, #tpu.memory_space<hbm>> -> memref<30000xf32, #tpu.memory_space<hbm>>
    %dma_wait3A_479 = arith.constant 0 : i32
    %dma_wait3A_480 = tpu.memref_slice %dma_wait3A_478[%dma_wait3A_479] : memref<30000xf32, #tpu.memory_space<hbm>> -> memref<30000xf32, #tpu.memory_space<hbm>>
    tpu.wait_indirect_dma semaphore(%arg7 : memref<!tpu.dma_semaphore, #tpu.memory_space<semaphore_mem>>) src(%dma_wait3A_480 : memref<30000xf32, #tpu.memory_space<hbm>>) dst(%dma_wait3A_476 : memref<512xf32, #tpu.memory_space<vmem>>)
    %dma_wait3A_481 = arith.constant 28 : i32
    %dma_wait3A_482 = arith.constant 0 : i32
    %dma_wait3A_483 = tpu.memref_slice %arg6[%dma_wait3A_481, %dma_wait3A_482] : memref<32x512xf32, #tpu.memory_space<vmem>> -> memref<1x512xf32, #tpu.memory_space<vmem>>
    %dma_wait3A_484 = tpu.memref_squeeze %dma_wait3A_483 : memref<1x512xf32, #tpu.memory_space<vmem>> -> memref<512xf32, #tpu.memory_space<vmem>>
    %dma_wait3A_485 = arith.constant 840000 : i32
    %dma_wait3A_486 = tpu.memref_slice %arg3[%dma_wait3A_485] : memref<960000xf32, #tpu.memory_space<hbm>> -> memref<30000xf32, #tpu.memory_space<hbm>>
    %dma_wait3A_487 = arith.constant 0 : i32
    %dma_wait3A_488 = tpu.memref_slice %dma_wait3A_486[%dma_wait3A_487] : memref<30000xf32, #tpu.memory_space<hbm>> -> memref<30000xf32, #tpu.memory_space<hbm>>
    tpu.wait_indirect_dma semaphore(%arg7 : memref<!tpu.dma_semaphore, #tpu.memory_space<semaphore_mem>>) src(%dma_wait3A_488 : memref<30000xf32, #tpu.memory_space<hbm>>) dst(%dma_wait3A_484 : memref<512xf32, #tpu.memory_space<vmem>>)
    %dma_wait3A_489 = arith.constant 29 : i32
    %dma_wait3A_490 = arith.constant 0 : i32
    %dma_wait3A_491 = tpu.memref_slice %arg6[%dma_wait3A_489, %dma_wait3A_490] : memref<32x512xf32, #tpu.memory_space<vmem>> -> memref<1x512xf32, #tpu.memory_space<vmem>>
    %dma_wait3A_492 = tpu.memref_squeeze %dma_wait3A_491 : memref<1x512xf32, #tpu.memory_space<vmem>> -> memref<512xf32, #tpu.memory_space<vmem>>
    %dma_wait3A_493 = arith.constant 870000 : i32
    %dma_wait3A_494 = tpu.memref_slice %arg3[%dma_wait3A_493] : memref<960000xf32, #tpu.memory_space<hbm>> -> memref<30000xf32, #tpu.memory_space<hbm>>
    %dma_wait3A_495 = arith.constant 0 : i32
    %dma_wait3A_496 = tpu.memref_slice %dma_wait3A_494[%dma_wait3A_495] : memref<30000xf32, #tpu.memory_space<hbm>> -> memref<30000xf32, #tpu.memory_space<hbm>>
    tpu.wait_indirect_dma semaphore(%arg7 : memref<!tpu.dma_semaphore, #tpu.memory_space<semaphore_mem>>) src(%dma_wait3A_496 : memref<30000xf32, #tpu.memory_space<hbm>>) dst(%dma_wait3A_492 : memref<512xf32, #tpu.memory_space<vmem>>)
    %dma_wait3A_497 = arith.constant 30 : i32
    %dma_wait3A_498 = arith.constant 0 : i32
    %dma_wait3A_499 = tpu.memref_slice %arg6[%dma_wait3A_497, %dma_wait3A_498] : memref<32x512xf32, #tpu.memory_space<vmem>> -> memref<1x512xf32, #tpu.memory_space<vmem>>
    %dma_wait3A_500 = tpu.memref_squeeze %dma_wait3A_499 : memref<1x512xf32, #tpu.memory_space<vmem>> -> memref<512xf32, #tpu.memory_space<vmem>>
    %dma_wait3A_501 = arith.constant 900000 : i32
    %dma_wait3A_502 = tpu.memref_slice %arg3[%dma_wait3A_501] : memref<960000xf32, #tpu.memory_space<hbm>> -> memref<30000xf32, #tpu.memory_space<hbm>>
    %dma_wait3A_503 = arith.constant 0 : i32
    %dma_wait3A_504 = tpu.memref_slice %dma_wait3A_502[%dma_wait3A_503] : memref<30000xf32, #tpu.memory_space<hbm>> -> memref<30000xf32, #tpu.memory_space<hbm>>
    tpu.wait_indirect_dma semaphore(%arg7 : memref<!tpu.dma_semaphore, #tpu.memory_space<semaphore_mem>>) src(%dma_wait3A_504 : memref<30000xf32, #tpu.memory_space<hbm>>) dst(%dma_wait3A_500 : memref<512xf32, #tpu.memory_space<vmem>>)
    %dma_wait3A_505 = arith.constant 31 : i32
    %dma_wait3A_506 = arith.constant 0 : i32
    %dma_wait3A_507 = tpu.memref_slice %arg6[%dma_wait3A_505, %dma_wait3A_506] : memref<32x512xf32, #tpu.memory_space<vmem>> -> memref<1x512xf32, #tpu.memory_space<vmem>>
    %dma_wait3A_508 = tpu.memref_squeeze %dma_wait3A_507 : memref<1x512xf32, #tpu.memory_space<vmem>> -> memref<512xf32, #tpu.memory_space<vmem>>
    %dma_wait3A_509 = arith.constant 930000 : i32
    %dma_wait3A_510 = tpu.memref_slice %arg3[%dma_wait3A_509] : memref<960000xf32, #tpu.memory_space<hbm>> -> memref<30000xf32, #tpu.memory_space<hbm>>
    %dma_wait3A_511 = arith.constant 0 : i32
    %dma_wait3A_512 = tpu.memref_slice %dma_wait3A_510[%dma_wait3A_511] : memref<30000xf32, #tpu.memory_space<hbm>> -> memref<30000xf32, #tpu.memory_space<hbm>>
    tpu.wait_indirect_dma semaphore(%arg7 : memref<!tpu.dma_semaphore, #tpu.memory_space<semaphore_mem>>) src(%dma_wait3A_512 : memref<30000xf32, #tpu.memory_space<hbm>>) dst(%dma_wait3A_508 : memref<512xf32, #tpu.memory_space<vmem>>)
    "tpu.region"() ({
      %run_scoped3A = tpu.sem_alloc : memref<!tpu.dma_semaphore, #tpu.memory_space<semaphore_mem>>
      %dma_start3A_513 = arith.constant 0 : i32
      %dma_start3A_514 = tpu.memref_slice %arg4[%dma_start3A_513, %mul3A_2] : memref<32x16384xf32, #tpu.memory_space<hbm>> -> memref<32x512xf32, #tpu.memory_space<hbm>>
      %dma_start3A_515 = arith.constant 0 : i32
      %dma_start3A_516 = tpu.memref_slice %arg4[%dma_start3A_515, %mul3A_2] : memref<32x16384xf32, #tpu.memory_space<hbm>> -> memref<32x512xf32, #tpu.memory_space<hbm>>
      tpu.enqueue_dma source(%arg6 : memref<32x512xf32, #tpu.memory_space<vmem>>) target(%dma_start3A_516 : memref<32x512xf32, #tpu.memory_space<hbm>>) target_semaphore(%run_scoped3A : memref<!tpu.dma_semaphore, #tpu.memory_space<semaphore_mem>>)
      %dma_wait3A_517 = arith.constant 0 : i32
      %dma_wait3A_518 = tpu.memref_slice %arg4[%dma_wait3A_517, %mul3A_2] : memref<32x16384xf32, #tpu.memory_space<hbm>> -> memref<32x512xf32, #tpu.memory_space<hbm>>
      %dma_wait3A_519 = arith.constant 0 : i32
      %dma_wait3A_520 = tpu.memref_slice %arg4[%dma_wait3A_519, %mul3A_2] : memref<32x16384xf32, #tpu.memory_space<hbm>> -> memref<32x512xf32, #tpu.memory_space<hbm>>
      tpu.wait_dma2 semaphore(%run_scoped3A : memref<!tpu.dma_semaphore, #tpu.memory_space<semaphore_mem>>) src(%arg6 : memref<32x512xf32, #tpu.memory_space<vmem>>) dst(%dma_wait3A_520 : memref<32x512xf32, #tpu.memory_space<hbm>>)
      tpu.yield
    }) : () -> ()
    return
  }
}

#map = affine_map<(d0, d1) -> (0)>
#map1 = affine_map<(d0, d1) -> (0, 0)>
module attributes {stable_mosaic.version = 14 : i64} {
  func.func @body(%arg0: i32, %arg1: i32, %arg2: memref<16384xi32, #tpu.memory_space<hbm>>, %arg3: memref<1600000xf32, #tpu.memory_space<hbm>>, %arg4: memref<8x16384xf32, #tpu.memory_space<hbm>>, %arg5: memref<512xi32, #tpu.memory_space<vmem>>, %arg6: memref<8x512xf32, #tpu.memory_space<vmem>>, %arg7: memref<!tpu.dma_semaphore, #tpu.memory_space<semaphore_mem>>) attributes {dimension_semantics = [#tpu.dimension_semantics<core_parallel>, #tpu.dimension_semantics<subcore_parallel>], iteration_bounds = array<i64: 2, 16>, scalar_prefetch = 0 : i64, scratch_operands = 3 : i64, tpu.core_type = #tpu.core_type<sc_vector_subcore>, window_params = [{transform_indices = #map}, {transform_indices = #map}, {transform_indices = #map1}]} {
    %mul3A = arith.constant 2 : i32
    %mul3A_0 = arith.muli %arg1, %mul3A : i32
    %add3A = arith.addi %mul3A_0, %arg0 : i32
    %mul3A_1 = arith.constant 512 : i32
    %mul3A_2 = arith.muli %add3A, %mul3A_1 : i32
    "tpu.region"() ({
      %run_scoped3A = tpu.sem_alloc : memref<!tpu.dma_semaphore, #tpu.memory_space<semaphore_mem>>
      %dma_start3A_129 = tpu.memref_slice %arg2[%mul3A_2] : memref<16384xi32, #tpu.memory_space<hbm>> -> memref<512xi32, #tpu.memory_space<hbm>>
      %dma_start3A_130 = tpu.memref_slice %arg2[%mul3A_2] : memref<16384xi32, #tpu.memory_space<hbm>> -> memref<512xi32, #tpu.memory_space<hbm>>
      tpu.enqueue_dma source(%dma_start3A_130 : memref<512xi32, #tpu.memory_space<hbm>>) target(%arg5 : memref<512xi32, #tpu.memory_space<vmem>>) target_semaphore(%run_scoped3A : memref<!tpu.dma_semaphore, #tpu.memory_space<semaphore_mem>>)
      %dma_wait3A_131 = tpu.memref_slice %arg2[%mul3A_2] : memref<16384xi32, #tpu.memory_space<hbm>> -> memref<512xi32, #tpu.memory_space<hbm>>
      %dma_wait3A_132 = tpu.memref_slice %arg2[%mul3A_2] : memref<16384xi32, #tpu.memory_space<hbm>> -> memref<512xi32, #tpu.memory_space<hbm>>
      tpu.wait_dma2 semaphore(%run_scoped3A : memref<!tpu.dma_semaphore, #tpu.memory_space<semaphore_mem>>) src(%dma_wait3A_132 : memref<512xi32, #tpu.memory_space<hbm>>) dst(%arg5 : memref<512xi32, #tpu.memory_space<vmem>>)
      tpu.yield
    }) : () -> ()
    %dma_start3A = arith.constant 0 : i32
    %dma_start3A_3 = arith.constant 0 : i32
    %dma_start3A_4 = tpu.memref_slice %arg6[%dma_start3A, %dma_start3A_3] : memref<8x512xf32, #tpu.memory_space<vmem>> -> memref<1x512xf32, #tpu.memory_space<vmem>>
    %dma_start3A_5 = tpu.memref_squeeze %dma_start3A_4 : memref<1x512xf32, #tpu.memory_space<vmem>> -> memref<512xf32, #tpu.memory_space<vmem>>
    %dma_start3A_6 = arith.constant 0 : i32
    %dma_start3A_7 = tpu.memref_slice %arg3[%dma_start3A_6] : memref<1600000xf32, #tpu.memory_space<hbm>> -> memref<200000xf32, #tpu.memory_space<hbm>>
    %dma_start3A_8 = arith.constant 0 : i32
    %dma_start3A_9 = tpu.memref_slice %dma_start3A_7[%dma_start3A_8] : memref<200000xf32, #tpu.memory_space<hbm>> -> memref<200000xf32, #tpu.memory_space<hbm>>
    tpu.enqueue_indirect_dma source(%dma_start3A_9 : memref<200000xf32, #tpu.memory_space<hbm>>) target(%dma_start3A_5 : memref<512xf32, #tpu.memory_space<vmem>>) offsets(%arg5 : memref<512xi32, #tpu.memory_space<vmem>>) semaphore(%arg7 : memref<!tpu.dma_semaphore, #tpu.memory_space<semaphore_mem>>)
    %dma_start3A_10 = arith.constant 1 : i32
    %dma_start3A_11 = arith.constant 0 : i32
    %dma_start3A_12 = tpu.memref_slice %arg6[%dma_start3A_10, %dma_start3A_11] : memref<8x512xf32, #tpu.memory_space<vmem>> -> memref<1x512xf32, #tpu.memory_space<vmem>>
    %dma_start3A_13 = tpu.memref_squeeze %dma_start3A_12 : memref<1x512xf32, #tpu.memory_space<vmem>> -> memref<512xf32, #tpu.memory_space<vmem>>
    %dma_start3A_14 = arith.constant 200000 : i32
    %dma_start3A_15 = tpu.memref_slice %arg3[%dma_start3A_14] : memref<1600000xf32, #tpu.memory_space<hbm>> -> memref<200000xf32, #tpu.memory_space<hbm>>
    %dma_start3A_16 = arith.constant 0 : i32
    %dma_start3A_17 = tpu.memref_slice %dma_start3A_15[%dma_start3A_16] : memref<200000xf32, #tpu.memory_space<hbm>> -> memref<200000xf32, #tpu.memory_space<hbm>>
    tpu.enqueue_indirect_dma source(%dma_start3A_17 : memref<200000xf32, #tpu.memory_space<hbm>>) target(%dma_start3A_13 : memref<512xf32, #tpu.memory_space<vmem>>) offsets(%arg5 : memref<512xi32, #tpu.memory_space<vmem>>) semaphore(%arg7 : memref<!tpu.dma_semaphore, #tpu.memory_space<semaphore_mem>>)
    %dma_start3A_18 = arith.constant 2 : i32
    %dma_start3A_19 = arith.constant 0 : i32
    %dma_start3A_20 = tpu.memref_slice %arg6[%dma_start3A_18, %dma_start3A_19] : memref<8x512xf32, #tpu.memory_space<vmem>> -> memref<1x512xf32, #tpu.memory_space<vmem>>
    %dma_start3A_21 = tpu.memref_squeeze %dma_start3A_20 : memref<1x512xf32, #tpu.memory_space<vmem>> -> memref<512xf32, #tpu.memory_space<vmem>>
    %dma_start3A_22 = arith.constant 400000 : i32
    %dma_start3A_23 = tpu.memref_slice %arg3[%dma_start3A_22] : memref<1600000xf32, #tpu.memory_space<hbm>> -> memref<200000xf32, #tpu.memory_space<hbm>>
    %dma_start3A_24 = arith.constant 0 : i32
    %dma_start3A_25 = tpu.memref_slice %dma_start3A_23[%dma_start3A_24] : memref<200000xf32, #tpu.memory_space<hbm>> -> memref<200000xf32, #tpu.memory_space<hbm>>
    tpu.enqueue_indirect_dma source(%dma_start3A_25 : memref<200000xf32, #tpu.memory_space<hbm>>) target(%dma_start3A_21 : memref<512xf32, #tpu.memory_space<vmem>>) offsets(%arg5 : memref<512xi32, #tpu.memory_space<vmem>>) semaphore(%arg7 : memref<!tpu.dma_semaphore, #tpu.memory_space<semaphore_mem>>)
    %dma_start3A_26 = arith.constant 3 : i32
    %dma_start3A_27 = arith.constant 0 : i32
    %dma_start3A_28 = tpu.memref_slice %arg6[%dma_start3A_26, %dma_start3A_27] : memref<8x512xf32, #tpu.memory_space<vmem>> -> memref<1x512xf32, #tpu.memory_space<vmem>>
    %dma_start3A_29 = tpu.memref_squeeze %dma_start3A_28 : memref<1x512xf32, #tpu.memory_space<vmem>> -> memref<512xf32, #tpu.memory_space<vmem>>
    %dma_start3A_30 = arith.constant 600000 : i32
    %dma_start3A_31 = tpu.memref_slice %arg3[%dma_start3A_30] : memref<1600000xf32, #tpu.memory_space<hbm>> -> memref<200000xf32, #tpu.memory_space<hbm>>
    %dma_start3A_32 = arith.constant 0 : i32
    %dma_start3A_33 = tpu.memref_slice %dma_start3A_31[%dma_start3A_32] : memref<200000xf32, #tpu.memory_space<hbm>> -> memref<200000xf32, #tpu.memory_space<hbm>>
    tpu.enqueue_indirect_dma source(%dma_start3A_33 : memref<200000xf32, #tpu.memory_space<hbm>>) target(%dma_start3A_29 : memref<512xf32, #tpu.memory_space<vmem>>) offsets(%arg5 : memref<512xi32, #tpu.memory_space<vmem>>) semaphore(%arg7 : memref<!tpu.dma_semaphore, #tpu.memory_space<semaphore_mem>>)
    %dma_start3A_34 = arith.constant 4 : i32
    %dma_start3A_35 = arith.constant 0 : i32
    %dma_start3A_36 = tpu.memref_slice %arg6[%dma_start3A_34, %dma_start3A_35] : memref<8x512xf32, #tpu.memory_space<vmem>> -> memref<1x512xf32, #tpu.memory_space<vmem>>
    %dma_start3A_37 = tpu.memref_squeeze %dma_start3A_36 : memref<1x512xf32, #tpu.memory_space<vmem>> -> memref<512xf32, #tpu.memory_space<vmem>>
    %dma_start3A_38 = arith.constant 800000 : i32
    %dma_start3A_39 = tpu.memref_slice %arg3[%dma_start3A_38] : memref<1600000xf32, #tpu.memory_space<hbm>> -> memref<200000xf32, #tpu.memory_space<hbm>>
    %dma_start3A_40 = arith.constant 0 : i32
    %dma_start3A_41 = tpu.memref_slice %dma_start3A_39[%dma_start3A_40] : memref<200000xf32, #tpu.memory_space<hbm>> -> memref<200000xf32, #tpu.memory_space<hbm>>
    tpu.enqueue_indirect_dma source(%dma_start3A_41 : memref<200000xf32, #tpu.memory_space<hbm>>) target(%dma_start3A_37 : memref<512xf32, #tpu.memory_space<vmem>>) offsets(%arg5 : memref<512xi32, #tpu.memory_space<vmem>>) semaphore(%arg7 : memref<!tpu.dma_semaphore, #tpu.memory_space<semaphore_mem>>)
    %dma_start3A_42 = arith.constant 5 : i32
    %dma_start3A_43 = arith.constant 0 : i32
    %dma_start3A_44 = tpu.memref_slice %arg6[%dma_start3A_42, %dma_start3A_43] : memref<8x512xf32, #tpu.memory_space<vmem>> -> memref<1x512xf32, #tpu.memory_space<vmem>>
    %dma_start3A_45 = tpu.memref_squeeze %dma_start3A_44 : memref<1x512xf32, #tpu.memory_space<vmem>> -> memref<512xf32, #tpu.memory_space<vmem>>
    %dma_start3A_46 = arith.constant 1000000 : i32
    %dma_start3A_47 = tpu.memref_slice %arg3[%dma_start3A_46] : memref<1600000xf32, #tpu.memory_space<hbm>> -> memref<200000xf32, #tpu.memory_space<hbm>>
    %dma_start3A_48 = arith.constant 0 : i32
    %dma_start3A_49 = tpu.memref_slice %dma_start3A_47[%dma_start3A_48] : memref<200000xf32, #tpu.memory_space<hbm>> -> memref<200000xf32, #tpu.memory_space<hbm>>
    tpu.enqueue_indirect_dma source(%dma_start3A_49 : memref<200000xf32, #tpu.memory_space<hbm>>) target(%dma_start3A_45 : memref<512xf32, #tpu.memory_space<vmem>>) offsets(%arg5 : memref<512xi32, #tpu.memory_space<vmem>>) semaphore(%arg7 : memref<!tpu.dma_semaphore, #tpu.memory_space<semaphore_mem>>)
    %dma_start3A_50 = arith.constant 6 : i32
    %dma_start3A_51 = arith.constant 0 : i32
    %dma_start3A_52 = tpu.memref_slice %arg6[%dma_start3A_50, %dma_start3A_51] : memref<8x512xf32, #tpu.memory_space<vmem>> -> memref<1x512xf32, #tpu.memory_space<vmem>>
    %dma_start3A_53 = tpu.memref_squeeze %dma_start3A_52 : memref<1x512xf32, #tpu.memory_space<vmem>> -> memref<512xf32, #tpu.memory_space<vmem>>
    %dma_start3A_54 = arith.constant 1200000 : i32
    %dma_start3A_55 = tpu.memref_slice %arg3[%dma_start3A_54] : memref<1600000xf32, #tpu.memory_space<hbm>> -> memref<200000xf32, #tpu.memory_space<hbm>>
    %dma_start3A_56 = arith.constant 0 : i32
    %dma_start3A_57 = tpu.memref_slice %dma_start3A_55[%dma_start3A_56] : memref<200000xf32, #tpu.memory_space<hbm>> -> memref<200000xf32, #tpu.memory_space<hbm>>
    tpu.enqueue_indirect_dma source(%dma_start3A_57 : memref<200000xf32, #tpu.memory_space<hbm>>) target(%dma_start3A_53 : memref<512xf32, #tpu.memory_space<vmem>>) offsets(%arg5 : memref<512xi32, #tpu.memory_space<vmem>>) semaphore(%arg7 : memref<!tpu.dma_semaphore, #tpu.memory_space<semaphore_mem>>)
    %dma_start3A_58 = arith.constant 7 : i32
    %dma_start3A_59 = arith.constant 0 : i32
    %dma_start3A_60 = tpu.memref_slice %arg6[%dma_start3A_58, %dma_start3A_59] : memref<8x512xf32, #tpu.memory_space<vmem>> -> memref<1x512xf32, #tpu.memory_space<vmem>>
    %dma_start3A_61 = tpu.memref_squeeze %dma_start3A_60 : memref<1x512xf32, #tpu.memory_space<vmem>> -> memref<512xf32, #tpu.memory_space<vmem>>
    %dma_start3A_62 = arith.constant 1400000 : i32
    %dma_start3A_63 = tpu.memref_slice %arg3[%dma_start3A_62] : memref<1600000xf32, #tpu.memory_space<hbm>> -> memref<200000xf32, #tpu.memory_space<hbm>>
    %dma_start3A_64 = arith.constant 0 : i32
    %dma_start3A_65 = tpu.memref_slice %dma_start3A_63[%dma_start3A_64] : memref<200000xf32, #tpu.memory_space<hbm>> -> memref<200000xf32, #tpu.memory_space<hbm>>
    tpu.enqueue_indirect_dma source(%dma_start3A_65 : memref<200000xf32, #tpu.memory_space<hbm>>) target(%dma_start3A_61 : memref<512xf32, #tpu.memory_space<vmem>>) offsets(%arg5 : memref<512xi32, #tpu.memory_space<vmem>>) semaphore(%arg7 : memref<!tpu.dma_semaphore, #tpu.memory_space<semaphore_mem>>)
    %dma_wait3A = arith.constant 0 : i32
    %dma_wait3A_66 = arith.constant 0 : i32
    %dma_wait3A_67 = tpu.memref_slice %arg6[%dma_wait3A, %dma_wait3A_66] : memref<8x512xf32, #tpu.memory_space<vmem>> -> memref<1x512xf32, #tpu.memory_space<vmem>>
    %dma_wait3A_68 = tpu.memref_squeeze %dma_wait3A_67 : memref<1x512xf32, #tpu.memory_space<vmem>> -> memref<512xf32, #tpu.memory_space<vmem>>
    %dma_wait3A_69 = arith.constant 0 : i32
    %dma_wait3A_70 = tpu.memref_slice %arg3[%dma_wait3A_69] : memref<1600000xf32, #tpu.memory_space<hbm>> -> memref<200000xf32, #tpu.memory_space<hbm>>
    %dma_wait3A_71 = arith.constant 0 : i32
    %dma_wait3A_72 = tpu.memref_slice %dma_wait3A_70[%dma_wait3A_71] : memref<200000xf32, #tpu.memory_space<hbm>> -> memref<200000xf32, #tpu.memory_space<hbm>>
    tpu.wait_indirect_dma semaphore(%arg7 : memref<!tpu.dma_semaphore, #tpu.memory_space<semaphore_mem>>) src(%dma_wait3A_72 : memref<200000xf32, #tpu.memory_space<hbm>>) dst(%dma_wait3A_68 : memref<512xf32, #tpu.memory_space<vmem>>)
    %dma_wait3A_73 = arith.constant 1 : i32
    %dma_wait3A_74 = arith.constant 0 : i32
    %dma_wait3A_75 = tpu.memref_slice %arg6[%dma_wait3A_73, %dma_wait3A_74] : memref<8x512xf32, #tpu.memory_space<vmem>> -> memref<1x512xf32, #tpu.memory_space<vmem>>
    %dma_wait3A_76 = tpu.memref_squeeze %dma_wait3A_75 : memref<1x512xf32, #tpu.memory_space<vmem>> -> memref<512xf32, #tpu.memory_space<vmem>>
    %dma_wait3A_77 = arith.constant 200000 : i32
    %dma_wait3A_78 = tpu.memref_slice %arg3[%dma_wait3A_77] : memref<1600000xf32, #tpu.memory_space<hbm>> -> memref<200000xf32, #tpu.memory_space<hbm>>
    %dma_wait3A_79 = arith.constant 0 : i32
    %dma_wait3A_80 = tpu.memref_slice %dma_wait3A_78[%dma_wait3A_79] : memref<200000xf32, #tpu.memory_space<hbm>> -> memref<200000xf32, #tpu.memory_space<hbm>>
    tpu.wait_indirect_dma semaphore(%arg7 : memref<!tpu.dma_semaphore, #tpu.memory_space<semaphore_mem>>) src(%dma_wait3A_80 : memref<200000xf32, #tpu.memory_space<hbm>>) dst(%dma_wait3A_76 : memref<512xf32, #tpu.memory_space<vmem>>)
    %dma_wait3A_81 = arith.constant 2 : i32
    %dma_wait3A_82 = arith.constant 0 : i32
    %dma_wait3A_83 = tpu.memref_slice %arg6[%dma_wait3A_81, %dma_wait3A_82] : memref<8x512xf32, #tpu.memory_space<vmem>> -> memref<1x512xf32, #tpu.memory_space<vmem>>
    %dma_wait3A_84 = tpu.memref_squeeze %dma_wait3A_83 : memref<1x512xf32, #tpu.memory_space<vmem>> -> memref<512xf32, #tpu.memory_space<vmem>>
    %dma_wait3A_85 = arith.constant 400000 : i32
    %dma_wait3A_86 = tpu.memref_slice %arg3[%dma_wait3A_85] : memref<1600000xf32, #tpu.memory_space<hbm>> -> memref<200000xf32, #tpu.memory_space<hbm>>
    %dma_wait3A_87 = arith.constant 0 : i32
    %dma_wait3A_88 = tpu.memref_slice %dma_wait3A_86[%dma_wait3A_87] : memref<200000xf32, #tpu.memory_space<hbm>> -> memref<200000xf32, #tpu.memory_space<hbm>>
    tpu.wait_indirect_dma semaphore(%arg7 : memref<!tpu.dma_semaphore, #tpu.memory_space<semaphore_mem>>) src(%dma_wait3A_88 : memref<200000xf32, #tpu.memory_space<hbm>>) dst(%dma_wait3A_84 : memref<512xf32, #tpu.memory_space<vmem>>)
    %dma_wait3A_89 = arith.constant 3 : i32
    %dma_wait3A_90 = arith.constant 0 : i32
    %dma_wait3A_91 = tpu.memref_slice %arg6[%dma_wait3A_89, %dma_wait3A_90] : memref<8x512xf32, #tpu.memory_space<vmem>> -> memref<1x512xf32, #tpu.memory_space<vmem>>
    %dma_wait3A_92 = tpu.memref_squeeze %dma_wait3A_91 : memref<1x512xf32, #tpu.memory_space<vmem>> -> memref<512xf32, #tpu.memory_space<vmem>>
    %dma_wait3A_93 = arith.constant 600000 : i32
    %dma_wait3A_94 = tpu.memref_slice %arg3[%dma_wait3A_93] : memref<1600000xf32, #tpu.memory_space<hbm>> -> memref<200000xf32, #tpu.memory_space<hbm>>
    %dma_wait3A_95 = arith.constant 0 : i32
    %dma_wait3A_96 = tpu.memref_slice %dma_wait3A_94[%dma_wait3A_95] : memref<200000xf32, #tpu.memory_space<hbm>> -> memref<200000xf32, #tpu.memory_space<hbm>>
    tpu.wait_indirect_dma semaphore(%arg7 : memref<!tpu.dma_semaphore, #tpu.memory_space<semaphore_mem>>) src(%dma_wait3A_96 : memref<200000xf32, #tpu.memory_space<hbm>>) dst(%dma_wait3A_92 : memref<512xf32, #tpu.memory_space<vmem>>)
    %dma_wait3A_97 = arith.constant 4 : i32
    %dma_wait3A_98 = arith.constant 0 : i32
    %dma_wait3A_99 = tpu.memref_slice %arg6[%dma_wait3A_97, %dma_wait3A_98] : memref<8x512xf32, #tpu.memory_space<vmem>> -> memref<1x512xf32, #tpu.memory_space<vmem>>
    %dma_wait3A_100 = tpu.memref_squeeze %dma_wait3A_99 : memref<1x512xf32, #tpu.memory_space<vmem>> -> memref<512xf32, #tpu.memory_space<vmem>>
    %dma_wait3A_101 = arith.constant 800000 : i32
    %dma_wait3A_102 = tpu.memref_slice %arg3[%dma_wait3A_101] : memref<1600000xf32, #tpu.memory_space<hbm>> -> memref<200000xf32, #tpu.memory_space<hbm>>
    %dma_wait3A_103 = arith.constant 0 : i32
    %dma_wait3A_104 = tpu.memref_slice %dma_wait3A_102[%dma_wait3A_103] : memref<200000xf32, #tpu.memory_space<hbm>> -> memref<200000xf32, #tpu.memory_space<hbm>>
    tpu.wait_indirect_dma semaphore(%arg7 : memref<!tpu.dma_semaphore, #tpu.memory_space<semaphore_mem>>) src(%dma_wait3A_104 : memref<200000xf32, #tpu.memory_space<hbm>>) dst(%dma_wait3A_100 : memref<512xf32, #tpu.memory_space<vmem>>)
    %dma_wait3A_105 = arith.constant 5 : i32
    %dma_wait3A_106 = arith.constant 0 : i32
    %dma_wait3A_107 = tpu.memref_slice %arg6[%dma_wait3A_105, %dma_wait3A_106] : memref<8x512xf32, #tpu.memory_space<vmem>> -> memref<1x512xf32, #tpu.memory_space<vmem>>
    %dma_wait3A_108 = tpu.memref_squeeze %dma_wait3A_107 : memref<1x512xf32, #tpu.memory_space<vmem>> -> memref<512xf32, #tpu.memory_space<vmem>>
    %dma_wait3A_109 = arith.constant 1000000 : i32
    %dma_wait3A_110 = tpu.memref_slice %arg3[%dma_wait3A_109] : memref<1600000xf32, #tpu.memory_space<hbm>> -> memref<200000xf32, #tpu.memory_space<hbm>>
    %dma_wait3A_111 = arith.constant 0 : i32
    %dma_wait3A_112 = tpu.memref_slice %dma_wait3A_110[%dma_wait3A_111] : memref<200000xf32, #tpu.memory_space<hbm>> -> memref<200000xf32, #tpu.memory_space<hbm>>
    tpu.wait_indirect_dma semaphore(%arg7 : memref<!tpu.dma_semaphore, #tpu.memory_space<semaphore_mem>>) src(%dma_wait3A_112 : memref<200000xf32, #tpu.memory_space<hbm>>) dst(%dma_wait3A_108 : memref<512xf32, #tpu.memory_space<vmem>>)
    %dma_wait3A_113 = arith.constant 6 : i32
    %dma_wait3A_114 = arith.constant 0 : i32
    %dma_wait3A_115 = tpu.memref_slice %arg6[%dma_wait3A_113, %dma_wait3A_114] : memref<8x512xf32, #tpu.memory_space<vmem>> -> memref<1x512xf32, #tpu.memory_space<vmem>>
    %dma_wait3A_116 = tpu.memref_squeeze %dma_wait3A_115 : memref<1x512xf32, #tpu.memory_space<vmem>> -> memref<512xf32, #tpu.memory_space<vmem>>
    %dma_wait3A_117 = arith.constant 1200000 : i32
    %dma_wait3A_118 = tpu.memref_slice %arg3[%dma_wait3A_117] : memref<1600000xf32, #tpu.memory_space<hbm>> -> memref<200000xf32, #tpu.memory_space<hbm>>
    %dma_wait3A_119 = arith.constant 0 : i32
    %dma_wait3A_120 = tpu.memref_slice %dma_wait3A_118[%dma_wait3A_119] : memref<200000xf32, #tpu.memory_space<hbm>> -> memref<200000xf32, #tpu.memory_space<hbm>>
    tpu.wait_indirect_dma semaphore(%arg7 : memref<!tpu.dma_semaphore, #tpu.memory_space<semaphore_mem>>) src(%dma_wait3A_120 : memref<200000xf32, #tpu.memory_space<hbm>>) dst(%dma_wait3A_116 : memref<512xf32, #tpu.memory_space<vmem>>)
    %dma_wait3A_121 = arith.constant 7 : i32
    %dma_wait3A_122 = arith.constant 0 : i32
    %dma_wait3A_123 = tpu.memref_slice %arg6[%dma_wait3A_121, %dma_wait3A_122] : memref<8x512xf32, #tpu.memory_space<vmem>> -> memref<1x512xf32, #tpu.memory_space<vmem>>
    %dma_wait3A_124 = tpu.memref_squeeze %dma_wait3A_123 : memref<1x512xf32, #tpu.memory_space<vmem>> -> memref<512xf32, #tpu.memory_space<vmem>>
    %dma_wait3A_125 = arith.constant 1400000 : i32
    %dma_wait3A_126 = tpu.memref_slice %arg3[%dma_wait3A_125] : memref<1600000xf32, #tpu.memory_space<hbm>> -> memref<200000xf32, #tpu.memory_space<hbm>>
    %dma_wait3A_127 = arith.constant 0 : i32
    %dma_wait3A_128 = tpu.memref_slice %dma_wait3A_126[%dma_wait3A_127] : memref<200000xf32, #tpu.memory_space<hbm>> -> memref<200000xf32, #tpu.memory_space<hbm>>
    tpu.wait_indirect_dma semaphore(%arg7 : memref<!tpu.dma_semaphore, #tpu.memory_space<semaphore_mem>>) src(%dma_wait3A_128 : memref<200000xf32, #tpu.memory_space<hbm>>) dst(%dma_wait3A_124 : memref<512xf32, #tpu.memory_space<vmem>>)
    "tpu.region"() ({
      %run_scoped3A = tpu.sem_alloc : memref<!tpu.dma_semaphore, #tpu.memory_space<semaphore_mem>>
      %dma_start3A_129 = arith.constant 0 : i32
      %dma_start3A_130 = tpu.memref_slice %arg4[%dma_start3A_129, %mul3A_2] : memref<8x16384xf32, #tpu.memory_space<hbm>> -> memref<8x512xf32, #tpu.memory_space<hbm>>
      %dma_start3A_131 = arith.constant 0 : i32
      %dma_start3A_132 = tpu.memref_slice %arg4[%dma_start3A_131, %mul3A_2] : memref<8x16384xf32, #tpu.memory_space<hbm>> -> memref<8x512xf32, #tpu.memory_space<hbm>>
      tpu.enqueue_dma source(%arg6 : memref<8x512xf32, #tpu.memory_space<vmem>>) target(%dma_start3A_132 : memref<8x512xf32, #tpu.memory_space<hbm>>) target_semaphore(%run_scoped3A : memref<!tpu.dma_semaphore, #tpu.memory_space<semaphore_mem>>)
      %dma_wait3A_133 = arith.constant 0 : i32
      %dma_wait3A_134 = tpu.memref_slice %arg4[%dma_wait3A_133, %mul3A_2] : memref<8x16384xf32, #tpu.memory_space<hbm>> -> memref<8x512xf32, #tpu.memory_space<hbm>>
      %dma_wait3A_135 = arith.constant 0 : i32
      %dma_wait3A_136 = tpu.memref_slice %arg4[%dma_wait3A_135, %mul3A_2] : memref<8x16384xf32, #tpu.memory_space<hbm>> -> memref<8x512xf32, #tpu.memory_space<hbm>>
      tpu.wait_dma2 semaphore(%run_scoped3A : memref<!tpu.dma_semaphore, #tpu.memory_space<semaphore_mem>>) src(%arg6 : memref<8x512xf32, #tpu.memory_space<vmem>>) dst(%dma_wait3A_136 : memref<8x512xf32, #tpu.memory_space<hbm>>)
      tpu.yield
    }) : () -> ()
    return
  }
}

#map = affine_map<(d0, d1) -> (0)>
#map1 = affine_map<(d0, d1) -> (0, 0)>
module attributes {stable_mosaic.version = 14 : i64} {
  func.func @body(%arg0: i32, %arg1: i32, %arg2: memref<16384xi32, #tpu.memory_space<hbm>>, %arg3: memref<1600000xf32, #tpu.memory_space<hbm>>, %arg4: memref<8x16384xf32, #tpu.memory_space<hbm>>, %arg5: memref<512xi32, #tpu.memory_space<vmem>>, %arg6: memref<8x512xf32, #tpu.memory_space<vmem>>, %arg7: memref<!tpu.dma_semaphore, #tpu.memory_space<semaphore_mem>>) attributes {dimension_semantics = [#tpu.dimension_semantics<core_parallel>, #tpu.dimension_semantics<subcore_parallel>], iteration_bounds = array<i64: 2, 16>, scalar_prefetch = 0 : i64, scratch_operands = 3 : i64, tpu.core_type = #tpu.core_type<sc_vector_subcore>, window_params = [{transform_indices = #map}, {transform_indices = #map}, {transform_indices = #map1}]} {
    %mul3A = arith.constant 2 : i32
    %mul3A_0 = arith.muli %arg1, %mul3A : i32
    %add3A = arith.addi %mul3A_0, %arg0 : i32
    %mul3A_1 = arith.constant 512 : i32
    %mul3A_2 = arith.muli %add3A, %mul3A_1 : i32
    "tpu.region"() ({
      %run_scoped3A = tpu.sem_alloc : memref<!tpu.dma_semaphore, #tpu.memory_space<semaphore_mem>>
      %dma_start3A_129 = tpu.memref_slice %arg2[%mul3A_2] : memref<16384xi32, #tpu.memory_space<hbm>> -> memref<512xi32, #tpu.memory_space<hbm>>
      %dma_start3A_130 = tpu.memref_slice %arg2[%mul3A_2] : memref<16384xi32, #tpu.memory_space<hbm>> -> memref<512xi32, #tpu.memory_space<hbm>>
      tpu.enqueue_dma source(%dma_start3A_130 : memref<512xi32, #tpu.memory_space<hbm>>) target(%arg5 : memref<512xi32, #tpu.memory_space<vmem>>) target_semaphore(%run_scoped3A : memref<!tpu.dma_semaphore, #tpu.memory_space<semaphore_mem>>)
      %dma_wait3A_131 = tpu.memref_slice %arg2[%mul3A_2] : memref<16384xi32, #tpu.memory_space<hbm>> -> memref<512xi32, #tpu.memory_space<hbm>>
      %dma_wait3A_132 = tpu.memref_slice %arg2[%mul3A_2] : memref<16384xi32, #tpu.memory_space<hbm>> -> memref<512xi32, #tpu.memory_space<hbm>>
      tpu.wait_dma2 semaphore(%run_scoped3A : memref<!tpu.dma_semaphore, #tpu.memory_space<semaphore_mem>>) src(%dma_wait3A_132 : memref<512xi32, #tpu.memory_space<hbm>>) dst(%arg5 : memref<512xi32, #tpu.memory_space<vmem>>)
      tpu.yield
    }) : () -> ()
    %dma_start3A = arith.constant 0 : i32
    %dma_start3A_3 = arith.constant 0 : i32
    %dma_start3A_4 = tpu.memref_slice %arg6[%dma_start3A, %dma_start3A_3] : memref<8x512xf32, #tpu.memory_space<vmem>> -> memref<1x512xf32, #tpu.memory_space<vmem>>
    %dma_start3A_5 = tpu.memref_squeeze %dma_start3A_4 : memref<1x512xf32, #tpu.memory_space<vmem>> -> memref<512xf32, #tpu.memory_space<vmem>>
    %dma_start3A_6 = arith.constant 0 : i32
    %dma_start3A_7 = tpu.memref_slice %arg3[%dma_start3A_6] : memref<1600000xf32, #tpu.memory_space<hbm>> -> memref<200000xf32, #tpu.memory_space<hbm>>
    %dma_start3A_8 = arith.constant 0 : i32
    %dma_start3A_9 = tpu.memref_slice %dma_start3A_7[%dma_start3A_8] : memref<200000xf32, #tpu.memory_space<hbm>> -> memref<200000xf32, #tpu.memory_space<hbm>>
    tpu.enqueue_indirect_dma source(%dma_start3A_9 : memref<200000xf32, #tpu.memory_space<hbm>>) target(%dma_start3A_5 : memref<512xf32, #tpu.memory_space<vmem>>) offsets(%arg5 : memref<512xi32, #tpu.memory_space<vmem>>) semaphore(%arg7 : memref<!tpu.dma_semaphore, #tpu.memory_space<semaphore_mem>>)
    %dma_start3A_10 = arith.constant 1 : i32
    %dma_start3A_11 = arith.constant 0 : i32
    %dma_start3A_12 = tpu.memref_slice %arg6[%dma_start3A_10, %dma_start3A_11] : memref<8x512xf32, #tpu.memory_space<vmem>> -> memref<1x512xf32, #tpu.memory_space<vmem>>
    %dma_start3A_13 = tpu.memref_squeeze %dma_start3A_12 : memref<1x512xf32, #tpu.memory_space<vmem>> -> memref<512xf32, #tpu.memory_space<vmem>>
    %dma_start3A_14 = arith.constant 200000 : i32
    %dma_start3A_15 = tpu.memref_slice %arg3[%dma_start3A_14] : memref<1600000xf32, #tpu.memory_space<hbm>> -> memref<200000xf32, #tpu.memory_space<hbm>>
    %dma_start3A_16 = arith.constant 0 : i32
    %dma_start3A_17 = tpu.memref_slice %dma_start3A_15[%dma_start3A_16] : memref<200000xf32, #tpu.memory_space<hbm>> -> memref<200000xf32, #tpu.memory_space<hbm>>
    tpu.enqueue_indirect_dma source(%dma_start3A_17 : memref<200000xf32, #tpu.memory_space<hbm>>) target(%dma_start3A_13 : memref<512xf32, #tpu.memory_space<vmem>>) offsets(%arg5 : memref<512xi32, #tpu.memory_space<vmem>>) semaphore(%arg7 : memref<!tpu.dma_semaphore, #tpu.memory_space<semaphore_mem>>)
    %dma_start3A_18 = arith.constant 2 : i32
    %dma_start3A_19 = arith.constant 0 : i32
    %dma_start3A_20 = tpu.memref_slice %arg6[%dma_start3A_18, %dma_start3A_19] : memref<8x512xf32, #tpu.memory_space<vmem>> -> memref<1x512xf32, #tpu.memory_space<vmem>>
    %dma_start3A_21 = tpu.memref_squeeze %dma_start3A_20 : memref<1x512xf32, #tpu.memory_space<vmem>> -> memref<512xf32, #tpu.memory_space<vmem>>
    %dma_start3A_22 = arith.constant 400000 : i32
    %dma_start3A_23 = tpu.memref_slice %arg3[%dma_start3A_22] : memref<1600000xf32, #tpu.memory_space<hbm>> -> memref<200000xf32, #tpu.memory_space<hbm>>
    %dma_start3A_24 = arith.constant 0 : i32
    %dma_start3A_25 = tpu.memref_slice %dma_start3A_23[%dma_start3A_24] : memref<200000xf32, #tpu.memory_space<hbm>> -> memref<200000xf32, #tpu.memory_space<hbm>>
    tpu.enqueue_indirect_dma source(%dma_start3A_25 : memref<200000xf32, #tpu.memory_space<hbm>>) target(%dma_start3A_21 : memref<512xf32, #tpu.memory_space<vmem>>) offsets(%arg5 : memref<512xi32, #tpu.memory_space<vmem>>) semaphore(%arg7 : memref<!tpu.dma_semaphore, #tpu.memory_space<semaphore_mem>>)
    %dma_start3A_26 = arith.constant 3 : i32
    %dma_start3A_27 = arith.constant 0 : i32
    %dma_start3A_28 = tpu.memref_slice %arg6[%dma_start3A_26, %dma_start3A_27] : memref<8x512xf32, #tpu.memory_space<vmem>> -> memref<1x512xf32, #tpu.memory_space<vmem>>
    %dma_start3A_29 = tpu.memref_squeeze %dma_start3A_28 : memref<1x512xf32, #tpu.memory_space<vmem>> -> memref<512xf32, #tpu.memory_space<vmem>>
    %dma_start3A_30 = arith.constant 600000 : i32
    %dma_start3A_31 = tpu.memref_slice %arg3[%dma_start3A_30] : memref<1600000xf32, #tpu.memory_space<hbm>> -> memref<200000xf32, #tpu.memory_space<hbm>>
    %dma_start3A_32 = arith.constant 0 : i32
    %dma_start3A_33 = tpu.memref_slice %dma_start3A_31[%dma_start3A_32] : memref<200000xf32, #tpu.memory_space<hbm>> -> memref<200000xf32, #tpu.memory_space<hbm>>
    tpu.enqueue_indirect_dma source(%dma_start3A_33 : memref<200000xf32, #tpu.memory_space<hbm>>) target(%dma_start3A_29 : memref<512xf32, #tpu.memory_space<vmem>>) offsets(%arg5 : memref<512xi32, #tpu.memory_space<vmem>>) semaphore(%arg7 : memref<!tpu.dma_semaphore, #tpu.memory_space<semaphore_mem>>)
    %dma_start3A_34 = arith.constant 4 : i32
    %dma_start3A_35 = arith.constant 0 : i32
    %dma_start3A_36 = tpu.memref_slice %arg6[%dma_start3A_34, %dma_start3A_35] : memref<8x512xf32, #tpu.memory_space<vmem>> -> memref<1x512xf32, #tpu.memory_space<vmem>>
    %dma_start3A_37 = tpu.memref_squeeze %dma_start3A_36 : memref<1x512xf32, #tpu.memory_space<vmem>> -> memref<512xf32, #tpu.memory_space<vmem>>
    %dma_start3A_38 = arith.constant 800000 : i32
    %dma_start3A_39 = tpu.memref_slice %arg3[%dma_start3A_38] : memref<1600000xf32, #tpu.memory_space<hbm>> -> memref<200000xf32, #tpu.memory_space<hbm>>
    %dma_start3A_40 = arith.constant 0 : i32
    %dma_start3A_41 = tpu.memref_slice %dma_start3A_39[%dma_start3A_40] : memref<200000xf32, #tpu.memory_space<hbm>> -> memref<200000xf32, #tpu.memory_space<hbm>>
    tpu.enqueue_indirect_dma source(%dma_start3A_41 : memref<200000xf32, #tpu.memory_space<hbm>>) target(%dma_start3A_37 : memref<512xf32, #tpu.memory_space<vmem>>) offsets(%arg5 : memref<512xi32, #tpu.memory_space<vmem>>) semaphore(%arg7 : memref<!tpu.dma_semaphore, #tpu.memory_space<semaphore_mem>>)
    %dma_start3A_42 = arith.constant 5 : i32
    %dma_start3A_43 = arith.constant 0 : i32
    %dma_start3A_44 = tpu.memref_slice %arg6[%dma_start3A_42, %dma_start3A_43] : memref<8x512xf32, #tpu.memory_space<vmem>> -> memref<1x512xf32, #tpu.memory_space<vmem>>
    %dma_start3A_45 = tpu.memref_squeeze %dma_start3A_44 : memref<1x512xf32, #tpu.memory_space<vmem>> -> memref<512xf32, #tpu.memory_space<vmem>>
    %dma_start3A_46 = arith.constant 1000000 : i32
    %dma_start3A_47 = tpu.memref_slice %arg3[%dma_start3A_46] : memref<1600000xf32, #tpu.memory_space<hbm>> -> memref<200000xf32, #tpu.memory_space<hbm>>
    %dma_start3A_48 = arith.constant 0 : i32
    %dma_start3A_49 = tpu.memref_slice %dma_start3A_47[%dma_start3A_48] : memref<200000xf32, #tpu.memory_space<hbm>> -> memref<200000xf32, #tpu.memory_space<hbm>>
    tpu.enqueue_indirect_dma source(%dma_start3A_49 : memref<200000xf32, #tpu.memory_space<hbm>>) target(%dma_start3A_45 : memref<512xf32, #tpu.memory_space<vmem>>) offsets(%arg5 : memref<512xi32, #tpu.memory_space<vmem>>) semaphore(%arg7 : memref<!tpu.dma_semaphore, #tpu.memory_space<semaphore_mem>>)
    %dma_start3A_50 = arith.constant 6 : i32
    %dma_start3A_51 = arith.constant 0 : i32
    %dma_start3A_52 = tpu.memref_slice %arg6[%dma_start3A_50, %dma_start3A_51] : memref<8x512xf32, #tpu.memory_space<vmem>> -> memref<1x512xf32, #tpu.memory_space<vmem>>
    %dma_start3A_53 = tpu.memref_squeeze %dma_start3A_52 : memref<1x512xf32, #tpu.memory_space<vmem>> -> memref<512xf32, #tpu.memory_space<vmem>>
    %dma_start3A_54 = arith.constant 1200000 : i32
    %dma_start3A_55 = tpu.memref_slice %arg3[%dma_start3A_54] : memref<1600000xf32, #tpu.memory_space<hbm>> -> memref<200000xf32, #tpu.memory_space<hbm>>
    %dma_start3A_56 = arith.constant 0 : i32
    %dma_start3A_57 = tpu.memref_slice %dma_start3A_55[%dma_start3A_56] : memref<200000xf32, #tpu.memory_space<hbm>> -> memref<200000xf32, #tpu.memory_space<hbm>>
    tpu.enqueue_indirect_dma source(%dma_start3A_57 : memref<200000xf32, #tpu.memory_space<hbm>>) target(%dma_start3A_53 : memref<512xf32, #tpu.memory_space<vmem>>) offsets(%arg5 : memref<512xi32, #tpu.memory_space<vmem>>) semaphore(%arg7 : memref<!tpu.dma_semaphore, #tpu.memory_space<semaphore_mem>>)
    %dma_start3A_58 = arith.constant 7 : i32
    %dma_start3A_59 = arith.constant 0 : i32
    %dma_start3A_60 = tpu.memref_slice %arg6[%dma_start3A_58, %dma_start3A_59] : memref<8x512xf32, #tpu.memory_space<vmem>> -> memref<1x512xf32, #tpu.memory_space<vmem>>
    %dma_start3A_61 = tpu.memref_squeeze %dma_start3A_60 : memref<1x512xf32, #tpu.memory_space<vmem>> -> memref<512xf32, #tpu.memory_space<vmem>>
    %dma_start3A_62 = arith.constant 1400000 : i32
    %dma_start3A_63 = tpu.memref_slice %arg3[%dma_start3A_62] : memref<1600000xf32, #tpu.memory_space<hbm>> -> memref<200000xf32, #tpu.memory_space<hbm>>
    %dma_start3A_64 = arith.constant 0 : i32
    %dma_start3A_65 = tpu.memref_slice %dma_start3A_63[%dma_start3A_64] : memref<200000xf32, #tpu.memory_space<hbm>> -> memref<200000xf32, #tpu.memory_space<hbm>>
    tpu.enqueue_indirect_dma source(%dma_start3A_65 : memref<200000xf32, #tpu.memory_space<hbm>>) target(%dma_start3A_61 : memref<512xf32, #tpu.memory_space<vmem>>) offsets(%arg5 : memref<512xi32, #tpu.memory_space<vmem>>) semaphore(%arg7 : memref<!tpu.dma_semaphore, #tpu.memory_space<semaphore_mem>>)
    %dma_wait3A = arith.constant 0 : i32
    %dma_wait3A_66 = arith.constant 0 : i32
    %dma_wait3A_67 = tpu.memref_slice %arg6[%dma_wait3A, %dma_wait3A_66] : memref<8x512xf32, #tpu.memory_space<vmem>> -> memref<1x512xf32, #tpu.memory_space<vmem>>
    %dma_wait3A_68 = tpu.memref_squeeze %dma_wait3A_67 : memref<1x512xf32, #tpu.memory_space<vmem>> -> memref<512xf32, #tpu.memory_space<vmem>>
    %dma_wait3A_69 = arith.constant 0 : i32
    %dma_wait3A_70 = tpu.memref_slice %arg3[%dma_wait3A_69] : memref<1600000xf32, #tpu.memory_space<hbm>> -> memref<200000xf32, #tpu.memory_space<hbm>>
    %dma_wait3A_71 = arith.constant 0 : i32
    %dma_wait3A_72 = tpu.memref_slice %dma_wait3A_70[%dma_wait3A_71] : memref<200000xf32, #tpu.memory_space<hbm>> -> memref<200000xf32, #tpu.memory_space<hbm>>
    tpu.wait_indirect_dma semaphore(%arg7 : memref<!tpu.dma_semaphore, #tpu.memory_space<semaphore_mem>>) src(%dma_wait3A_72 : memref<200000xf32, #tpu.memory_space<hbm>>) dst(%dma_wait3A_68 : memref<512xf32, #tpu.memory_space<vmem>>)
    %dma_wait3A_73 = arith.constant 1 : i32
    %dma_wait3A_74 = arith.constant 0 : i32
    %dma_wait3A_75 = tpu.memref_slice %arg6[%dma_wait3A_73, %dma_wait3A_74] : memref<8x512xf32, #tpu.memory_space<vmem>> -> memref<1x512xf32, #tpu.memory_space<vmem>>
    %dma_wait3A_76 = tpu.memref_squeeze %dma_wait3A_75 : memref<1x512xf32, #tpu.memory_space<vmem>> -> memref<512xf32, #tpu.memory_space<vmem>>
    %dma_wait3A_77 = arith.constant 200000 : i32
    %dma_wait3A_78 = tpu.memref_slice %arg3[%dma_wait3A_77] : memref<1600000xf32, #tpu.memory_space<hbm>> -> memref<200000xf32, #tpu.memory_space<hbm>>
    %dma_wait3A_79 = arith.constant 0 : i32
    %dma_wait3A_80 = tpu.memref_slice %dma_wait3A_78[%dma_wait3A_79] : memref<200000xf32, #tpu.memory_space<hbm>> -> memref<200000xf32, #tpu.memory_space<hbm>>
    tpu.wait_indirect_dma semaphore(%arg7 : memref<!tpu.dma_semaphore, #tpu.memory_space<semaphore_mem>>) src(%dma_wait3A_80 : memref<200000xf32, #tpu.memory_space<hbm>>) dst(%dma_wait3A_76 : memref<512xf32, #tpu.memory_space<vmem>>)
    %dma_wait3A_81 = arith.constant 2 : i32
    %dma_wait3A_82 = arith.constant 0 : i32
    %dma_wait3A_83 = tpu.memref_slice %arg6[%dma_wait3A_81, %dma_wait3A_82] : memref<8x512xf32, #tpu.memory_space<vmem>> -> memref<1x512xf32, #tpu.memory_space<vmem>>
    %dma_wait3A_84 = tpu.memref_squeeze %dma_wait3A_83 : memref<1x512xf32, #tpu.memory_space<vmem>> -> memref<512xf32, #tpu.memory_space<vmem>>
    %dma_wait3A_85 = arith.constant 400000 : i32
    %dma_wait3A_86 = tpu.memref_slice %arg3[%dma_wait3A_85] : memref<1600000xf32, #tpu.memory_space<hbm>> -> memref<200000xf32, #tpu.memory_space<hbm>>
    %dma_wait3A_87 = arith.constant 0 : i32
    %dma_wait3A_88 = tpu.memref_slice %dma_wait3A_86[%dma_wait3A_87] : memref<200000xf32, #tpu.memory_space<hbm>> -> memref<200000xf32, #tpu.memory_space<hbm>>
    tpu.wait_indirect_dma semaphore(%arg7 : memref<!tpu.dma_semaphore, #tpu.memory_space<semaphore_mem>>) src(%dma_wait3A_88 : memref<200000xf32, #tpu.memory_space<hbm>>) dst(%dma_wait3A_84 : memref<512xf32, #tpu.memory_space<vmem>>)
    %dma_wait3A_89 = arith.constant 3 : i32
    %dma_wait3A_90 = arith.constant 0 : i32
    %dma_wait3A_91 = tpu.memref_slice %arg6[%dma_wait3A_89, %dma_wait3A_90] : memref<8x512xf32, #tpu.memory_space<vmem>> -> memref<1x512xf32, #tpu.memory_space<vmem>>
    %dma_wait3A_92 = tpu.memref_squeeze %dma_wait3A_91 : memref<1x512xf32, #tpu.memory_space<vmem>> -> memref<512xf32, #tpu.memory_space<vmem>>
    %dma_wait3A_93 = arith.constant 600000 : i32
    %dma_wait3A_94 = tpu.memref_slice %arg3[%dma_wait3A_93] : memref<1600000xf32, #tpu.memory_space<hbm>> -> memref<200000xf32, #tpu.memory_space<hbm>>
    %dma_wait3A_95 = arith.constant 0 : i32
    %dma_wait3A_96 = tpu.memref_slice %dma_wait3A_94[%dma_wait3A_95] : memref<200000xf32, #tpu.memory_space<hbm>> -> memref<200000xf32, #tpu.memory_space<hbm>>
    tpu.wait_indirect_dma semaphore(%arg7 : memref<!tpu.dma_semaphore, #tpu.memory_space<semaphore_mem>>) src(%dma_wait3A_96 : memref<200000xf32, #tpu.memory_space<hbm>>) dst(%dma_wait3A_92 : memref<512xf32, #tpu.memory_space<vmem>>)
    %dma_wait3A_97 = arith.constant 4 : i32
    %dma_wait3A_98 = arith.constant 0 : i32
    %dma_wait3A_99 = tpu.memref_slice %arg6[%dma_wait3A_97, %dma_wait3A_98] : memref<8x512xf32, #tpu.memory_space<vmem>> -> memref<1x512xf32, #tpu.memory_space<vmem>>
    %dma_wait3A_100 = tpu.memref_squeeze %dma_wait3A_99 : memref<1x512xf32, #tpu.memory_space<vmem>> -> memref<512xf32, #tpu.memory_space<vmem>>
    %dma_wait3A_101 = arith.constant 800000 : i32
    %dma_wait3A_102 = tpu.memref_slice %arg3[%dma_wait3A_101] : memref<1600000xf32, #tpu.memory_space<hbm>> -> memref<200000xf32, #tpu.memory_space<hbm>>
    %dma_wait3A_103 = arith.constant 0 : i32
    %dma_wait3A_104 = tpu.memref_slice %dma_wait3A_102[%dma_wait3A_103] : memref<200000xf32, #tpu.memory_space<hbm>> -> memref<200000xf32, #tpu.memory_space<hbm>>
    tpu.wait_indirect_dma semaphore(%arg7 : memref<!tpu.dma_semaphore, #tpu.memory_space<semaphore_mem>>) src(%dma_wait3A_104 : memref<200000xf32, #tpu.memory_space<hbm>>) dst(%dma_wait3A_100 : memref<512xf32, #tpu.memory_space<vmem>>)
    %dma_wait3A_105 = arith.constant 5 : i32
    %dma_wait3A_106 = arith.constant 0 : i32
    %dma_wait3A_107 = tpu.memref_slice %arg6[%dma_wait3A_105, %dma_wait3A_106] : memref<8x512xf32, #tpu.memory_space<vmem>> -> memref<1x512xf32, #tpu.memory_space<vmem>>
    %dma_wait3A_108 = tpu.memref_squeeze %dma_wait3A_107 : memref<1x512xf32, #tpu.memory_space<vmem>> -> memref<512xf32, #tpu.memory_space<vmem>>
    %dma_wait3A_109 = arith.constant 1000000 : i32
    %dma_wait3A_110 = tpu.memref_slice %arg3[%dma_wait3A_109] : memref<1600000xf32, #tpu.memory_space<hbm>> -> memref<200000xf32, #tpu.memory_space<hbm>>
    %dma_wait3A_111 = arith.constant 0 : i32
    %dma_wait3A_112 = tpu.memref_slice %dma_wait3A_110[%dma_wait3A_111] : memref<200000xf32, #tpu.memory_space<hbm>> -> memref<200000xf32, #tpu.memory_space<hbm>>
    tpu.wait_indirect_dma semaphore(%arg7 : memref<!tpu.dma_semaphore, #tpu.memory_space<semaphore_mem>>) src(%dma_wait3A_112 : memref<200000xf32, #tpu.memory_space<hbm>>) dst(%dma_wait3A_108 : memref<512xf32, #tpu.memory_space<vmem>>)
    %dma_wait3A_113 = arith.constant 6 : i32
    %dma_wait3A_114 = arith.constant 0 : i32
    %dma_wait3A_115 = tpu.memref_slice %arg6[%dma_wait3A_113, %dma_wait3A_114] : memref<8x512xf32, #tpu.memory_space<vmem>> -> memref<1x512xf32, #tpu.memory_space<vmem>>
    %dma_wait3A_116 = tpu.memref_squeeze %dma_wait3A_115 : memref<1x512xf32, #tpu.memory_space<vmem>> -> memref<512xf32, #tpu.memory_space<vmem>>
    %dma_wait3A_117 = arith.constant 1200000 : i32
    %dma_wait3A_118 = tpu.memref_slice %arg3[%dma_wait3A_117] : memref<1600000xf32, #tpu.memory_space<hbm>> -> memref<200000xf32, #tpu.memory_space<hbm>>
    %dma_wait3A_119 = arith.constant 0 : i32
    %dma_wait3A_120 = tpu.memref_slice %dma_wait3A_118[%dma_wait3A_119] : memref<200000xf32, #tpu.memory_space<hbm>> -> memref<200000xf32, #tpu.memory_space<hbm>>
    tpu.wait_indirect_dma semaphore(%arg7 : memref<!tpu.dma_semaphore, #tpu.memory_space<semaphore_mem>>) src(%dma_wait3A_120 : memref<200000xf32, #tpu.memory_space<hbm>>) dst(%dma_wait3A_116 : memref<512xf32, #tpu.memory_space<vmem>>)
    %dma_wait3A_121 = arith.constant 7 : i32
    %dma_wait3A_122 = arith.constant 0 : i32
    %dma_wait3A_123 = tpu.memref_slice %arg6[%dma_wait3A_121, %dma_wait3A_122] : memref<8x512xf32, #tpu.memory_space<vmem>> -> memref<1x512xf32, #tpu.memory_space<vmem>>
    %dma_wait3A_124 = tpu.memref_squeeze %dma_wait3A_123 : memref<1x512xf32, #tpu.memory_space<vmem>> -> memref<512xf32, #tpu.memory_space<vmem>>
    %dma_wait3A_125 = arith.constant 1400000 : i32
    %dma_wait3A_126 = tpu.memref_slice %arg3[%dma_wait3A_125] : memref<1600000xf32, #tpu.memory_space<hbm>> -> memref<200000xf32, #tpu.memory_space<hbm>>
    %dma_wait3A_127 = arith.constant 0 : i32
    %dma_wait3A_128 = tpu.memref_slice %dma_wait3A_126[%dma_wait3A_127] : memref<200000xf32, #tpu.memory_space<hbm>> -> memref<200000xf32, #tpu.memory_space<hbm>>
    tpu.wait_indirect_dma semaphore(%arg7 : memref<!tpu.dma_semaphore, #tpu.memory_space<semaphore_mem>>) src(%dma_wait3A_128 : memref<200000xf32, #tpu.memory_space<hbm>>) dst(%dma_wait3A_124 : memref<512xf32, #tpu.memory_space<vmem>>)
    "tpu.region"() ({
      %run_scoped3A = tpu.sem_alloc : memref<!tpu.dma_semaphore, #tpu.memory_space<semaphore_mem>>
      %dma_start3A_129 = arith.constant 0 : i32
      %dma_start3A_130 = tpu.memref_slice %arg4[%dma_start3A_129, %mul3A_2] : memref<8x16384xf32, #tpu.memory_space<hbm>> -> memref<8x512xf32, #tpu.memory_space<hbm>>
      %dma_start3A_131 = arith.constant 0 : i32
      %dma_start3A_132 = tpu.memref_slice %arg4[%dma_start3A_131, %mul3A_2] : memref<8x16384xf32, #tpu.memory_space<hbm>> -> memref<8x512xf32, #tpu.memory_space<hbm>>
      tpu.enqueue_dma source(%arg6 : memref<8x512xf32, #tpu.memory_space<vmem>>) target(%dma_start3A_132 : memref<8x512xf32, #tpu.memory_space<hbm>>) target_semaphore(%run_scoped3A : memref<!tpu.dma_semaphore, #tpu.memory_space<semaphore_mem>>)
      %dma_wait3A_133 = arith.constant 0 : i32
      %dma_wait3A_134 = tpu.memref_slice %arg4[%dma_wait3A_133, %mul3A_2] : memref<8x16384xf32, #tpu.memory_space<hbm>> -> memref<8x512xf32, #tpu.memory_space<hbm>>
      %dma_wait3A_135 = arith.constant 0 : i32
      %dma_wait3A_136 = tpu.memref_slice %arg4[%dma_wait3A_135, %mul3A_2] : memref<8x16384xf32, #tpu.memory_space<hbm>> -> memref<8x512xf32, #tpu.memory_space<hbm>>
      tpu.wait_dma2 semaphore(%run_scoped3A : memref<!tpu.dma_semaphore, #tpu.memory_space<semaphore_mem>>) src(%arg6 : memref<8x512xf32, #tpu.memory_space<vmem>>) dst(%dma_wait3A_136 : memref<8x512xf32, #tpu.memory_space<hbm>>)
      tpu.yield
    }) : () -> ()
    return
  }
}

module attributes {stable_mosaic.version = 14 : i64} {
  func.func @_mlp_body(%arg0: i32, %arg1: memref<8x2048xf32, #tpu.memory_space<vmem>>, %arg2: memref<8x2048xf32, #tpu.memory_space<vmem>>, %arg3: memref<8x2048xf32, #tpu.memory_space<vmem>>, %arg4: memref<8x2048xf32, #tpu.memory_space<vmem>>, %arg5: memref<32x2048xf32, #tpu.memory_space<vmem>>, %arg6: memref<8x64xf32, #tpu.memory_space<vmem>>, %arg7: memref<8x64xf32, #tpu.memory_space<vmem>>, %arg8: memref<8x64xf32, #tpu.memory_space<vmem>>, %arg9: memref<8x64xf32, #tpu.memory_space<vmem>>, %arg10: memref<32x64xf32, #tpu.memory_space<vmem>>, %arg11: memref<64x1xf32, #tpu.memory_space<vmem>>, %arg12: memref<64x1xf32, #tpu.memory_space<vmem>>, %arg13: memref<1x1xf32, #tpu.memory_space<vmem>>, %arg14: memref<1x2048xf32, #tpu.memory_space<vmem>>) attributes {dimension_semantics = [#tpu.dimension_semantics<arbitrary>], iteration_bounds = array<i64: 8>, scalar_prefetch = 0 : i64, scratch_operands = 0 : i64, tpu.core_type = #tpu.core_type<tc>, window_params = [{transform_indices = @transform_0, window_bounds = array<i64: 8, 2048>}, {transform_indices = @transform_1, window_bounds = array<i64: 8, 2048>}, {transform_indices = @transform_2, window_bounds = array<i64: 8, 2048>}, {transform_indices = @transform_3, window_bounds = array<i64: 8, 2048>}, {transform_indices = @transform_4, window_bounds = array<i64: 32, 2048>}, {pipeline_mode = #tpu.pipeline_mode<synchronous>, transform_indices = @transform_5, window_bounds = array<i64: 8, 64>}, {pipeline_mode = #tpu.pipeline_mode<synchronous>, transform_indices = @transform_6, window_bounds = array<i64: 8, 64>}, {pipeline_mode = #tpu.pipeline_mode<synchronous>, transform_indices = @transform_7, window_bounds = array<i64: 8, 64>}, {pipeline_mode = #tpu.pipeline_mode<synchronous>, transform_indices = @transform_8, window_bounds = array<i64: 8, 64>}, {pipeline_mode = #tpu.pipeline_mode<synchronous>, transform_indices = @transform_9, window_bounds = array<i64: 32, 64>}, {pipeline_mode = #tpu.pipeline_mode<synchronous>, transform_indices = @transform_10, window_bounds = array<i64: 64, 1>}, {pipeline_mode = #tpu.pipeline_mode<synchronous>, transform_indices = @transform_11, window_bounds = array<i64: 64, 1>}, {pipeline_mode = #tpu.pipeline_mode<synchronous>, transform_indices = @transform_12, window_bounds = array<i64: 1, 1>}, {transform_indices = @transform_13, window_bounds = array<i64: 1, 2048>}]} {
    %get3A = arith.constant 0 : index
    %get3A_0 = arith.constant 0 : index
    %get3A_1 = vector.load %arg10[%get3A, %get3A_0] : memref<32x64xf32, #tpu.memory_space<vmem>>, vector<32x64xf32>
    %get3A_2 = arith.constant 0 : index
    %get3A_3 = arith.constant 0 : index
    %get3A_4 = vector.load %arg5[%get3A_2, %get3A_3] : memref<32x2048xf32, #tpu.memory_space<vmem>>, vector<32x2048xf32>
    %dot_general3A = arith.constant dense<0.000000e+00> : vector<64x2048xf32>
    %dot_general3A_5 = tpu.matmul %get3A_1, %get3A_4, %dot_general3A {dimension_numbers = #tpu.dot_dimension_numbers<[0], [0], [1], [1], [0, 1, 1, 1], [], []>, transpose_lhs_hint = false} : vector<32x64xf32>, vector<32x2048xf32>, vector<64x2048xf32> -> vector<64x2048xf32>
    %get3A_6 = arith.constant 0 : index
    %get3A_7 = arith.constant 0 : index
    %get3A_8 = vector.load %arg6[%get3A_6, %get3A_7] : memref<8x64xf32, #tpu.memory_space<vmem>>, vector<8x64xf32>
    %get3A_9 = arith.constant 0 : index
    %get3A_10 = arith.constant 0 : index
    %get3A_11 = vector.load %arg1[%get3A_9, %get3A_10] : memref<8x2048xf32, #tpu.memory_space<vmem>>, vector<8x2048xf32>
    %dot_general3A_12 = arith.constant dense<0.000000e+00> : vector<64x2048xf32>
    %dot_general3A_13 = tpu.matmul %get3A_8, %get3A_11, %dot_general3A_12 {dimension_numbers = #tpu.dot_dimension_numbers<[0], [0], [1], [1], [0, 1, 1, 1], [], []>, transpose_lhs_hint = false} : vector<8x64xf32>, vector<8x2048xf32>, vector<64x2048xf32> -> vector<64x2048xf32>
    %add3A = arith.addf %dot_general3A_5, %dot_general3A_13 : vector<64x2048xf32>
    %get3A_14 = arith.constant 0 : index
    %get3A_15 = arith.constant 0 : index
    %get3A_16 = vector.load %arg7[%get3A_14, %get3A_15] : memref<8x64xf32, #tpu.memory_space<vmem>>, vector<8x64xf32>
    %get3A_17 = arith.constant 0 : index
    %get3A_18 = arith.constant 0 : index
    %get3A_19 = vector.load %arg2[%get3A_17, %get3A_18] : memref<8x2048xf32, #tpu.memory_space<vmem>>, vector<8x2048xf32>
    %dot_general3A_20 = arith.constant dense<0.000000e+00> : vector<64x2048xf32>
    %dot_general3A_21 = tpu.matmul %get3A_16, %get3A_19, %dot_general3A_20 {dimension_numbers = #tpu.dot_dimension_numbers<[0], [0], [1], [1], [0, 1, 1, 1], [], []>, transpose_lhs_hint = false} : vector<8x64xf32>, vector<8x2048xf32>, vector<64x2048xf32> -> vector<64x2048xf32>
    %add3A_22 = arith.addf %add3A, %dot_general3A_21 : vector<64x2048xf32>
    %get3A_23 = arith.constant 0 : index
    %get3A_24 = arith.constant 0 : index
    %get3A_25 = vector.load %arg8[%get3A_23, %get3A_24] : memref<8x64xf32, #tpu.memory_space<vmem>>, vector<8x64xf32>
    %get3A_26 = arith.constant 0 : index
    %get3A_27 = arith.constant 0 : index
    %get3A_28 = vector.load %arg3[%get3A_26, %get3A_27] : memref<8x2048xf32, #tpu.memory_space<vmem>>, vector<8x2048xf32>
    %dot_general3A_29 = arith.constant dense<0.000000e+00> : vector<64x2048xf32>
    %dot_general3A_30 = tpu.matmul %get3A_25, %get3A_28, %dot_general3A_29 {dimension_numbers = #tpu.dot_dimension_numbers<[0], [0], [1], [1], [0, 1, 1, 1], [], []>, transpose_lhs_hint = false} : vector<8x64xf32>, vector<8x2048xf32>, vector<64x2048xf32> -> vector<64x2048xf32>
    %add3A_31 = arith.addf %add3A_22, %dot_general3A_30 : vector<64x2048xf32>
    %get3A_32 = arith.constant 0 : index
    %get3A_33 = arith.constant 0 : index
    %get3A_34 = vector.load %arg9[%get3A_32, %get3A_33] : memref<8x64xf32, #tpu.memory_space<vmem>>, vector<8x64xf32>
    %get3A_35 = arith.constant 0 : index
    %get3A_36 = arith.constant 0 : index
    %get3A_37 = vector.load %arg4[%get3A_35, %get3A_36] : memref<8x2048xf32, #tpu.memory_space<vmem>>, vector<8x2048xf32>
    %dot_general3A_38 = arith.constant dense<0.000000e+00> : vector<64x2048xf32>
    %dot_general3A_39 = tpu.matmul %get3A_34, %get3A_37, %dot_general3A_38 {dimension_numbers = #tpu.dot_dimension_numbers<[0], [0], [1], [1], [0, 1, 1, 1], [], []>, transpose_lhs_hint = false} : vector<8x64xf32>, vector<8x2048xf32>, vector<64x2048xf32> -> vector<64x2048xf32>
    %add3A_40 = arith.addf %add3A_31, %dot_general3A_39 : vector<64x2048xf32>
    %get3A_41 = arith.constant 0 : index
    %get3A_42 = arith.constant 0 : index
    %get3A_43 = vector.load %arg11[%get3A_41, %get3A_42] : memref<64x1xf32, #tpu.memory_space<vmem>>, vector<64x1xf32>
    %add3A_44 = vector.broadcast %get3A_43 : vector<64x1xf32> to vector<64x2048xf32>
    %add3A_45 = arith.addf %add3A_40, %add3A_44 : vector<64x2048xf32>
    %max3A = arith.constant 0.000000e+00 : f32
    %max3A_46 = vector.broadcast %max3A : f32 to vector<64x2048xf32>
    %max3A_47 = arith.maximumf %add3A_45, %max3A_46 : vector<64x2048xf32>
    %get3A_48 = arith.constant 0 : index
    %get3A_49 = arith.constant 0 : index
    %get3A_50 = vector.load %arg12[%get3A_48, %get3A_49] : memref<64x1xf32, #tpu.memory_space<vmem>>, vector<64x1xf32>
    %dot_general3A_51 = arith.constant dense<0.000000e+00> : vector<1x2048xf32>
    %dot_general3A_52 = tpu.matmul %get3A_50, %max3A_47, %dot_general3A_51 {dimension_numbers = #tpu.dot_dimension_numbers<[0], [0], [1], [1], [0, 1, 1, 1], [], []>, transpose_lhs_hint = false} : vector<64x1xf32>, vector<64x2048xf32>, vector<1x2048xf32> -> vector<1x2048xf32>
    %get3A_53 = arith.constant 0 : index
    %get3A_54 = arith.constant 0 : index
    %get3A_55 = vector.load %arg13[%get3A_53, %get3A_54] : memref<1x1xf32, #tpu.memory_space<vmem>>, vector<1x1xf32>
    %add3A_56 = vector.broadcast %get3A_55 : vector<1x1xf32> to vector<1x2048xf32>
    %add3A_57 = arith.addf %dot_general3A_52, %add3A_56 : vector<1x2048xf32>
    %swap3A = arith.constant 0 : index
    %swap3A_58 = arith.constant 0 : index
    %swap3A_59 = vector.load %arg14[%swap3A, %swap3A_58] : memref<1x2048xf32, #tpu.memory_space<vmem>>, vector<1x2048xf32>
    tpu.vector_store %arg14[%swap3A, %swap3A_58], %add3A_57 {strides = array<i32>} : memref<1x2048xf32, #tpu.memory_space<vmem>>, vector<1x2048xf32>,
    return
  }
  func.func @transform_0(%arg0: i32) -> (i32, i32) {
    %c0_i32 = arith.constant 0 : i32
    %c0_i32_0 = arith.constant 0 : i32
    return %c0_i32, %arg0 : i32, i32
  }
  func.func @transform_1(%arg0: i32) -> (i32, i32) {
    %c0_i32 = arith.constant 0 : i32
    %c0_i32_0 = arith.constant 0 : i32
    return %c0_i32, %arg0 : i32, i32
  }
  func.func @transform_2(%arg0: i32) -> (i32, i32) {
    %c0_i32 = arith.constant 0 : i32
    %c0_i32_0 = arith.constant 0 : i32
    return %c0_i32, %arg0 : i32, i32
  }
  func.func @transform_3(%arg0: i32) -> (i32, i32) {
    %c0_i32 = arith.constant 0 : i32
    %c0_i32_0 = arith.constant 0 : i32
    return %c0_i32, %arg0 : i32, i32
  }
  func.func @transform_4(%arg0: i32) -> (i32, i32) {
    %c0_i32 = arith.constant 0 : i32
    %c0_i32_0 = arith.constant 0 : i32
    return %c0_i32, %arg0 : i32, i32
  }
  func.func @transform_5(%arg0: i32) -> (i32, i32) {
    %c0_i32 = arith.constant 0 : i32
    %c0_i32_0 = arith.constant 0 : i32
    %c0_i32_1 = arith.constant 0 : i32
    return %c0_i32, %c0_i32_0 : i32, i32
  }
  func.func @transform_6(%arg0: i32) -> (i32, i32) {
    %c0_i32 = arith.constant 0 : i32
    %c0_i32_0 = arith.constant 0 : i32
    %c0_i32_1 = arith.constant 0 : i32
    return %c0_i32, %c0_i32_0 : i32, i32
  }
  func.func @transform_7(%arg0: i32) -> (i32, i32) {
    %c0_i32 = arith.constant 0 : i32
    %c0_i32_0 = arith.constant 0 : i32
    %c0_i32_1 = arith.constant 0 : i32
    return %c0_i32, %c0_i32_0 : i32, i32
  }
  func.func @transform_8(%arg0: i32) -> (i32, i32) {
    %c0_i32 = arith.constant 0 : i32
    %c0_i32_0 = arith.constant 0 : i32
    %c0_i32_1 = arith.constant 0 : i32
    return %c0_i32, %c0_i32_0 : i32, i32
  }
  func.func @transform_9(%arg0: i32) -> (i32, i32) {
    %c0_i32 = arith.constant 0 : i32
    %c0_i32_0 = arith.constant 0 : i32
    %c0_i32_1 = arith.constant 0 : i32
    return %c0_i32, %c0_i32_0 : i32, i32
  }
  func.func @transform_10(%arg0: i32) -> (i32, i32) {
    %c0_i32 = arith.constant 0 : i32
    %c0_i32_0 = arith.constant 0 : i32
    %c0_i32_1 = arith.constant 0 : i32
    return %c0_i32, %c0_i32_0 : i32, i32
  }
  func.func @transform_11(%arg0: i32) -> (i32, i32) {
    %c0_i32 = arith.constant 0 : i32
    %c0_i32_0 = arith.constant 0 : i32
    %c0_i32_1 = arith.constant 0 : i32
    return %c0_i32, %c0_i32_0 : i32, i32
  }
  func.func @transform_12(%arg0: i32) -> (i32, i32) {
    %c0_i32 = arith.constant 0 : i32
    %c0_i32_0 = arith.constant 0 : i32
    %c0_i32_1 = arith.constant 0 : i32
    return %c0_i32, %c0_i32_0 : i32, i32
  }
  func.func @transform_13(%arg0: i32) -> (i32, i32) {
    %c0_i32 = arith.constant 0 : i32
    %c0_i32_0 = arith.constant 0 : i32
    return %c0_i32, %arg0 : i32, i32
  }
}

</mosaic_0001>

<sc_bundles>
// kernel: kernel.11.cloned.1.call-start
scs
__scs_entry_jumppad:
0x0: {  	(pc) =	sbr.rel $0x88, $3  }
0x1: {  	(tag) =	ssettag $0x0;
	lr =	simm.s32 $0x1  }
0x2: {  	[smem:$0x3F99] =	sst lr;
	_ =	strace $0xD0000000  }
0x3: {  	_ = 	snop  }
0x4: {  	_ = 	snop  }
0x5: {  	_ = 	snop  }
0x6: {  	_ = 	snop  }
0x7: {  	_ = 	snop  }
__scs_overlays_trampoline_lowered:
0x8: {  	[smem:$0x3FA8] =	sst s0  }
0x9: {  	[smem:$0x3FA9] =	sst s1  }
0xa: {  	[smem:$0x3FAA] =	sst s2  }
0xb: {  	[smem:$0x3FAB] =	sst s3  }
0xc: {  	[smem:$0x3FAC] =	sst s4  }
0xd: {  	[smem:$0x3FAD] =	sst s5  }
0xe: {  	[smem:$0x3FAE] =	sst s6  }
0xf: {  	[smem:$0x3FAF] =	sst s7  }
0x10: {  	[smem:$0x3FB0] =	sst s8  }
0x11: {  	[smem:$0x3FB1] =	sst s9;
	s0 =	simm.s32 @!p0 $0x0  }
0x12: {  	s1 =	sld [smem:$0x3F97];
	s0 =	simm.s32 @p0 $0x1  }
0x13: {  	[smem:$0x3FB2] =	sst s0;
	s0 =	simm.s32 @!p1 $0x0  }
0x14: {  	s2 =	sld [smem:$0x3F96];
	s0 =	simm.s32 @p1 $0x1  }
0x15: {  	[smem:$0x3FB3] =	sst s0;
	s0 =	simm.s32 @!p2 $0x0  }
0x16: {  	s3 =	sld [smem:$0x3FDB];
	s0 =	simm.s32 @p2 $0x1  }
0x17: {  	s4 =	simm.s32 $0x1BF5;
	[smem:$0x3FB5] =	sst s0  }
0x18: {  	s0 =	sld [smem:$0x3F98];
	_ =	swait.ge [sflag:s4], $0x0  }
0x19: {  	s7 =	sld [smem:$0x3F99]  }
0x1a: {  	s8 =	sadd.s32 $0xFFFFE003, lr  }
0x1b: {  	s9 =	sadd.s32 $0xFFFFFEF7, lr;
	s5 =	simm.s32 $0xFFFFFFFF;
	p2 =	slt.u32 s8, $0xFFFFF086  }
0x1c: {  	p1 =	slt.u32 s9, $0xF7A;
	s5 =	simm.s32 @!p2 $0x0  }
0x1d: {  	s5 =	simm.s32 @p1 $0x1;
	p0 =	seq.s32 s7, s2  }
0x1e: {  	s7 =	smul.u32 @!p0 $0xF7A, s2;
	p2 =	seq.s32 @!p0 s5, $0x0  }
0x1f: {  	s9 =	smul.u32 $0xF7A, s1;
	s8 =	simm.s32 @!p0 $0x1BF5;
	p2 =	por !p2, p0  }
0x20: {  	[sflag:s8] =	ssyncset.s32 @!p0 $0xFFFFF086;
	s6 =	sadd.s32 @!p0 s3, s7;
	s7 =	simm.s32 @!p0 $0x108  }
0x21: {  	s3 =	sadd.s32 s3, s9;
	s6 =	sadd.s32 @!p0 $0x88, s6;
	s7 =	simm.s32 @p2 $0x1082  }
0x22: {  	[simem:s7], [sflag:s8] =	dma.local @!p0 [hbm:s6], $0xF7A  }
0x23: {  	s9 =	sor.u32 $0xD0000000, s2;
	s6 =	simm.s32 $0x108;
	_ =	swait.ge @!p0 [sflag:s8], $0x0  }
0x24: {  	s3 =	sadd.s32 $0x88, s3;
	s6 =	simm.s32 @!p1 $0x1082;
	[sflag:s4] =	ssyncset.s32 $0xFFFFF086  }
0x25: {  	[simem:s6], [sflag:s4] =	dma.local [hbm:s3], $0xF7A  }
0x26: {  	[smem:$0x3F99] =	sst s1;
	(tag) =	ssettag s2;
	_ =	strace s9  }
0x27: {  	s1 =	sld [smem:$0x3FA9]  }
0x28: {  	s2 =	sld [smem:$0x3FAA]  }
0x29: {  	s4 =	sld [smem:$0x3FAC]  }
0x2a: {  	p0 =	seq.s32 s5, $0x0;
	s5 =	sld [smem:$0x3FAD]  }
0x2b: {  	s6 =	sld [smem:$0x3FAE]  }
0x2c: {  	s7 =	sld [smem:$0x3FAF]  }
0x2d: {  	s3 =	simm.s32 $0x108;
	s8 =	sld [smem:$0x3FB0]  }
0x2e: {  	s3 =	simm.s32 @!p0 $0x1082;
	s9 =	sld [smem:$0x3FB1]  }
0x2f: {  	lr =	sadd.s32 s0, s3;
	s0 =	sld [smem:$0x3FA8]  }
0x30: {  	s3 =	sld [smem:$0x3FAB]  }
0x31: {  	[smem:$0x3FB4] =	sst s10  }
0x32: {  	s10 =	sld [smem:$0x3FB2];
	_ =	sdelay $0x3  }
0x33: {  	p0 =	seq.s32 s10, $0x1;
	s10 =	sld [smem:$0x3FB4];
	_ =	sdelay $0x3  }
0x34: {  	[smem:$0x3FB4] =	sst s10  }
0x35: {  	s10 =	sld [smem:$0x3FB3];
	_ =	sdelay $0x3  }
0x36: {  	p1 =	seq.s32 s10, $0x1;
	s10 =	sld [smem:$0x3FB4];
	_ =	sdelay $0x3  }
0x37: {  	[smem:$0x3FB4] =	sst s10  }
0x38: {  	s10 =	sld [smem:$0x3FB5]  }
0x39: {  	_ = 	snop;
	(pc) =	sbr.ind lr, $3  }
0x3a: {  	_ = 	snop  }
0x3b: {  	_ = 	snop  }
0x3c: {  	p2 =	seq.s32 s10, $0x1;
	s10 =	sld [smem:$0x3FB4]  }
0x3d: {  	_ =	shalt  }
0x3e: {  	_ =	shalt  }
0x3f: {  	_ =	shalt  }
0x40: {  	_ =	shalt  }
0x41: {  	_ =	shalt  }
0x42: {  	_ =	shalt  }
0x43: {  	_ =	shalt  }
0x44: {  	_ =	shalt  }
0x45: {  	_ =	shalt  }
0x46: {  	_ =	shalt  }
0x47: {  	_ =	shalt  }
0x48: {  	_ =	shalt  }
0x49: {  	_ =	shalt  }
0x4a: {  	_ =	shalt  }
0x4b: {  	_ =	shalt  }
0x4c: {  	_ =	shalt  }
0x4d: {  	_ =	shalt  }
0x4e: {  	_ =	shalt  }
0x4f: {  	_ =	shalt  }
0x50: {  	_ =	shalt  }
0x51: {  	_ =	shalt  }
0x52: {  	_ =	shalt  }
0x53: {  	_ =	shalt  }
0x54: {  	_ =	shalt  }
0x55: {  	_ =	shalt  }
0x56: {  	_ =	shalt  }
0x57: {  	_ =	shalt  }
0x58: {  	_ =	shalt  }
0x59: {  	_ =	shalt  }
0x5a: {  	_ =	shalt  }
0x5b: {  	_ =	shalt  }
0x5c: {  	_ =	shalt  }
0x5d: {  	_ =	shalt  }
0x5e: {  	_ =	shalt  }
0x5f: {  	_ =	shalt  }
0x60: {  	_ =	shalt  }
0x61: {  	_ =	shalt  }
0x62: {  	_ =	shalt  }
0x63: {  	_ =	shalt  }
0x64: {  	_ =	shalt  }
0x65: {  	_ =	shalt  }
0x66: {  	_ =	shalt  }
0x67: {  	_ =	shalt  }
0x68: {  	_ =	shalt  }
0x69: {  	_ =	shalt  }
0x6a: {  	_ =	shalt  }
0x6b: {  	_ =	shalt  }
0x6c: {  	_ =	shalt  }
0x6d: {  	_ =	shalt  }
0x6e: {  	_ =	shalt  }
0x6f: {  	_ =	shalt  }
0x70: {  	_ =	shalt  }
0x71: {  	_ =	shalt  }
0x72: {  	_ =	shalt  }
0x73: {  	_ =	shalt  }
0x74: {  	_ =	shalt  }
0x75: {  	_ =	shalt  }
0x76: {  	_ =	shalt  }
0x77: {  	_ =	shalt  }
0x78: {  	_ =	shalt  }
0x79: {  	_ =	shalt  }
0x7a: {  	_ =	shalt  }
0x7b: {  	_ =	shalt  }
0x7c: {  	_ =	shalt  }
0x7d: {  	_ =	shalt  }
0x7e: {  	_ =	shalt  }
0x7f: {  	_ =	shalt  }
0x80: {  	_ =	shalt  }
0x81: {  	_ =	shalt  }
0x82: {  	_ =	shalt  }
0x83: {  	_ =	shalt  }
0x84: {  	_ =	shalt  }
0x85: {  	_ =	shalt  }
0x86: {  	_ =	shalt  }
0x87: {  	_ =	shalt  }
.Lfunc_end0:
.L_simem_size_0:
called_computation.1_lowered:
.L_overlay_start_0:
0x88: {  	s2 =	sld [smem:$0x3FD9]  }
0x89: {  	s3 =	sld [smem:$0x3FFE];
	_ =	sdelay $0x1  }
0x8a: {  	s1 =	srdreg.scid  }
0x8b: {  	s0 =	sand.u32 $0x1, s1  }
0x8c: {  	s17 =	sshll.u32 s0, $0xA;
	s2 =	sadd.s32 s3, s2  }
0x8d: {  	s2 =	sadd.s32 s2, s17  }
0x8e: {  	[smem:$0x3FC0] =	sst s2  }
0x8f: {  	_ = 	snop  }
0x90: {  	s18 =	sld [smem:$0x3FC9];
	(tm) =	ssettm $0x1  }
0x91: {  	s19 =	sld [smem:$0x3FFB];
	_ =	sdelay $0x3  }
0x92: {  	_ =	strace s19  }
0x93: {  	s2 =	sld [smem:$0x3FFC];
	_ =	sdelay $0x3  }
0x94: {  	_ =	strace s2  }
0x95: {  	s2 =	sld [smem:$0x3FFD];
	_ =	sdelay $0x3  }
0x96: {  	_ =	strace s2  }
0x97: {  	_ =	strace $0x8FFFFFFF  }
0x98: {  	s20 =	sld [smem:$0x3FDB];
	_ =	sdelay $0x1  }
0x99: {  	s4 =	simm.s32 $_scs_section_size  }
0x9a: {  	s5 =	simm.s32 $_size__tile_overlayer_lowered;
	s6 =	simm.s32 $_tile_overlayer_lowered  }
0x9b: {  	s7 =	simm.s32 $0x1BFF;
	s21 =	sshll.u32 s6, $0x1;
	s4 =	sadd.s32 s4, s20  }
0x9c: {  	s22 =	simm.s32 $0x0;
	s5 =	sshll.u32 s5, $0x1;
	s6 =	sadd.s32 s21, s4  }
0x9d: {  	[timem:s22], [sflag:s7] =	dma.local [hbm:s6], s5  }
0x9e: {  	_ =	swait.ge [sflag:s7], s5  }
0x9f: {  	s5 =	ssub.s32 $0x0, s5;
	[sflag:s7] =	ssyncset.done $0x0  }
0xa0: {  	[sflag:s7] =	ssyncadd.s32 s5;
	_ =	sdelay $0x1  }
0xa1: {  	s23 =	simm.s32 $0x1B8B  }
0xa2: {  	_ =	swait.ge [sflag:s23], $0x1  }
0xa3: {  	[sflag:s23] =	ssyncset.done $0x0  }
0xa4: {  	[sflag:s23] =	ssyncadd.s32 $0xFFFFFFFF  }
0xa5: {  	s5 =	sld [smem:$0x0]  }
0xa6: {  	s6 =	sand.u32 $0xFFFFFFFE, s1  }
0xa7: {  	p0 =	sne.s32 s1, s6  }
0xa8: {  	s6 =	sshll.u32 @p0 s6, $0xE  }
0xa9: {  	s6 =	sadd.s32 @p0 $0x11B8D, s6;
	s7 =	sshll.u32 @p0 s5, $0x11  }
0xaa: {  	s6 =	sor.u32 @p0 s7, s6  }
0xab: {  	[sflag:s6] =	ssyncadd.remote.s32 @p0 $0x1;
	_ =	sdelay $0x1  }
0xac: {  	s6 =	simm.s32 @p0 $0x1B8D  }
0xad: {  	_ =	swait.eq @p0 [sflag:s6], $0x1  }
0xae: {  	[sflag:s6] =	ssyncadd.s32 @p0 $0xFFFFFFFF  }
0xaf: {  	s7 =	sshll.u32 @!p0 s1, $0xE  }
0xb0: {  	s7 =	sor.u32 @!p0 $0x4000, s7;
	s6 =	simm.s32 @!p0 $0x1B8D  }
0xb1: {  	s5 =	sshll.u32 @!p0 s5, $0x11;
	s7 =	sadd.s32 @!p0 $0x11B8D, s7;
	_ =	swait.eq @!p0 [sflag:s6], $0x1  }
0xb2: {  	s5 =	sor.u32 @!p0 s5, s7;
	[sflag:s6] =	ssyncadd.s32 @!p0 $0xFFFFFFFF  }
0xb3: {  	s25 =	simm.s32 $0x1B8E;
	s24 =	sld [smem:$0x3FFE];
	[sflag:s5] =	ssyncadd.remote.s32 @!p0 $0x1  }
0xb4: {  	s26 =	simm.s32 $execute0_lowered;
	[smem:$0x3FD2] =	sst s25  }
0xb5: {  	s6 =	sshll.u32 s26, $0x1;
	_ =	strace $0x80000049;
	[dreg:$0x1] =	wrdreg $0xFFFFFFFF  }
0xb6: {  	s28 =	simm.s32 $_size_execute0_lowered;
	s4 =	sadd.s32 s4, s6;
	[dreg:$0x0] =	wrdreg $0x0  }
0xb7: {  	s6 =	sshll.u32 s28, $0x1;
	[dreg:$0x2] =	wrdreg s4  }
0xb8: {  	[dreg:$0x3] =	wrdreg s6  }
0xb9: {  	[dreg:$0x4] =	wrdreg $0xC0  }
0xba: {  	_ =	task [dreg:s22], $0x5FFFF  }
0xbb: {  	[dreg:$0x1] =	wrdreg $0xFFFFFFFF  }
0xbc: {  	[dreg:$0x0] =	wrdreg $0x60  }
0xbd: {  	[dreg:$0x2] =	wrdreg s18  }
0xbe: {  	[dreg:$0x3] =	wrdreg s24  }
0xbf: {  	[dreg:$0x4] =	wrdreg $0xA  }
0xc0: {  	_ =	task.clear_ibuf [dreg:s22], $0x5FFFF;
	_ =	strace $0x90000049  }
0xc1: {  	s29 =	simm.s32 $0xA;
	_ =	strace $0x8000004B  }
0xc2: {  	_ =	swait.ge [sflag:s29], $0x1  }
0xc3: {  	[sflag:s29] =	ssyncadd.s32 $0xFFFFFFFF  }
0xc4: {  	_ =	strace $0x9000004B  }
0xc5: {  	_ =	sfence  }
0xc6: {  	s30 =	sld [smem:$0x0];
	_ =	sdelay $0x2  }
0xc7: {  	s31 =	sshll.u32 s1, $0xD;
	s1 =	sshrl.u32 s1, $0x2  }
0xc8: {  	s4 =	sand.u32 $0x4000, s31;
	s1 =	sadd.s32 s1, s30  }
0xc9: {  	s0 =	sor.u32 s4, s0;
	s1 =	sshll.u32 s1, $0x11  }
0xca: {  	s0 =	sor.u32 s1, s0  }
0xcb: {  	s0 =	sadd.s32 $0x8F2B, s0  }
0xcc: {  	[sflag:s0] =	ssyncadd.remote.s32 $0x1  }
0xcd: {  	_ =	sfence.sel $0xFFFF  }
0xce: {  	[dreg:$0x0] =	wrdreg $0xFFFFFFFF;
	(pc) =	sbr.abs _section_cstart, $3  }
0xcf: {  	[dreg:$0x1] =	wrdreg $0xFFFFFFFF  }
0xd0: {  	_ =	task.clear_ibuf [dreg:s22], $0x2FFFF;
	_ =	strace $0x9FFFFFFF  }
0xd1: {  	(tm) =	ssettm $0x7FFFFFFF  }
tec
execute0_lowered:
.L_overlay_start_1:
0x0: {  	(tag) =	ssettag $0x1  }
0x1: {  	s3 =	rddreg [dreg:$0x0]  }
0x2: {  	s22 =	rddreg [dreg:$0x1];
	s2 =	srdreg.scid  }
0x3: {  	s0 =	rddreg [dreg:$0x2];
	s1 =	stileid.u32;
	s23 =	sand.u32 $0x1, s2  }
0x4: {  	s2 =	simm.s32 $0x0;
	s4 =	sshll.u32 s1, $0x7;
	s5 =	sshll.u32 s23, $0x6  }
0x5: {  	[smem:$0x7FF] =	sst s2;
	s24 =	sor.u32 s5, s4  }
0x6: {  	_ =	strace $0x8000004A;
	s4 =	sadd.s32 s3, s24;
	s3 =	simm.s32 $0x2  }
0x7: {  	[tilespmem:s2], [sflag:$0x2] =	stream.linear.gather [hbm4b:s4+s2], $0x200, $0x38;
	[tilespmem:$0x1200] =	vst v63  }
0x8: {  	_ =	swait.ge [sflag:s3], $0x200  }
0x9: {  	[sflag:s3] =	ssyncset.done $0x0  }
0xa: {  	s6 =	simm.s32 $0x200;
	s5 =	sadd.s32 $0x2F400, s22;
	[sflag:s3] =	ssyncadd.s32 $0xFFFFFE00  }
0xb: {  	[tilespmem:s6], [sflag:$0x1] =	stream.indirect.gather [hbm4b:s5+s6], $0x1, s2, s6, $0xb8;
	[tilespmem:$0x1200] =	vst v63  }
0xc: {  	s8 =	simm.s32 $0x400;
	s7 =	sadd.s32 $0x355A8, s22  }
0xd: {  	[tilespmem:s8], [sflag:$0x1] =	stream.indirect.gather [hbm4b:s7+s6], $0x1, s2, s6, $0xb8;
	[tilespmem:$0x1200] =	vst v63  }
0xe: {  	s10 =	simm.s32 $0x600;
	s9 =	sadd.s32 $0x3B750, s22  }
0xf: {  	[tilespmem:s10], [sflag:$0x1] =	stream.indirect.gather [hbm4b:s9+s6], $0x1, s2, s6, $0xb8;
	[tilespmem:$0x1200] =	vst v63  }
0x10: {  	s12 =	simm.s32 $0x800;
	s11 =	sadd.s32 $0x418F8, s22  }
0x11: {  	[tilespmem:s12], [sflag:$0x1] =	stream.indirect.gather [hbm4b:s11+s6], $0x1, s2, s6, $0xb8;
	[tilespmem:$0x1200] =	vst v63  }
0x12: {  	s14 =	simm.s32 $0xA00;
	s13 =	sadd.s32 $0x47AA0, s22  }
0x13: {  	[tilespmem:s14], [sflag:$0x1] =	stream.indirect.gather [hbm4b:s13+s6], $0x1, s2, s6, $0xb8;
	[tilespmem:$0x1200] =	vst v63  }
0x14: {  	s16 =	simm.s32 $0xC00;
	s15 =	sadd.s32 $0x4DC48, s22  }
0x15: {  	[tilespmem:s16], [sflag:$0x1] =	stream.indirect.gather [hbm4b:s15+s6], $0x1, s2, s6, $0xb8;
	[tilespmem:$0x1200] =	vst v63  }
0x16: {  	s18 =	simm.s32 $0xE00;
	s17 =	sadd.s32 $0x53DF0, s22  }
0x17: {  	[tilespmem:s18], [sflag:$0x1] =	stream.indirect.gather [hbm4b:s17+s6], $0x1, s2, s6, $0xb8;
	[tilespmem:$0x1200] =	vst v63  }
0x18: {  	s20 =	simm.s32 $0x1000;
	s21 =	simm.s32 $0x1;
	s19 =	sadd.s32 $0x59F98, s22  }
0x19: {  	[tilespmem:s20], [sflag:$0x1] =	stream.indirect.gather [hbm4b:s19+s6], $0x1, s2, s6, $0xb8;
	[tilespmem:$0x1200] =	vst v63  }
0x1a: {  	_ =	swait.ge [sflag:s21], $0x200  }
0x1b: {  	[sflag:s21] =	ssyncset.done $0x0  }
0x1c: {  	[sflag:s21] =	ssyncadd.s32 $0xFFFFFE00  }
0x1d: {  	_ =	swait.ge [sflag:s21], $0x200  }
0x1e: {  	[sflag:s21] =	ssyncset.done $0x0  }
0x1f: {  	[sflag:s21] =	ssyncadd.s32 $0xFFFFFE00  }
0x20: {  	_ =	swait.ge [sflag:s21], $0x200  }
0x21: {  	[sflag:s21] =	ssyncset.done $0x0  }
0x22: {  	[sflag:s21] =	ssyncadd.s32 $0xFFFFFE00  }
0x23: {  	_ =	swait.ge [sflag:s21], $0x200  }
0x24: {  	[sflag:s21] =	ssyncset.done $0x0  }
0x25: {  	[sflag:s21] =	ssyncadd.s32 $0xFFFFFE00  }
0x26: {  	_ =	swait.ge [sflag:s21], $0x200  }
0x27: {  	[sflag:s21] =	ssyncset.done $0x0  }
0x28: {  	[sflag:s21] =	ssyncadd.s32 $0xFFFFFE00  }
0x29: {  	_ =	swait.ge [sflag:s21], $0x200  }
0x2a: {  	[sflag:s21] =	ssyncset.done $0x0  }
0x2b: {  	s23 =	ssub.s32 $0x2, s23;
	[sflag:s21] =	ssyncadd.s32 $0xFFFFFE00  }
0x2c: {  	s31 =	sshrl.u32 s23, $0x1;
	_ =	swait.ge [sflag:s21], $0x200  }
0x2d: {  	s23 =	ssub.s32 s23, s31;
	[sflag:s21] =	ssyncset.done $0x0  }
0x2e: {  	s22 =	sadd.s32 s24, s22;
	s24 =	smax.u32 s23, $0x1;
	[sflag:s21] =	ssyncadd.s32 $0xFFFFFE00  }
0x2f: {  	p0 =	sne.s32 s24, $0x1;
	_ =	swait.ge [sflag:s21], $0x200  }
.Ltmp0:
0x30: {  	[sflag:s21] =	ssyncset.done $0x0;
	(pc) =	sbr.rel @!p0 .LBB2_2-.Ltmp0, $4  }
0x31: {  	s22 =	sadd.s32 $0x60200, s22;
	s23 =	simm.s32 $0x4000;
	[sflag:s21] =	ssyncadd.s32 $0xFFFFFE00  }
0x32: {  	[hbm4b:s22+s6] =	stream.strided.scatter [tilespmem:s6], [sflag:$0x2], $0x1000, s23, s6, $0x38;
	[tilespmem:$0x1200] =	vst v63  }
0x33: {  	_ =	swait.ge [sflag:s3], $0x1000  }
0x34: {  	s24 =	sadd.s32 $0xFFFFFFFF, s24;
	[sflag:s3] =	ssyncset.done $0x0  }
.LBB2_1:
0x35: {  	p0 =	sne.s32 s24, $0x1;
	s24 =	sadd.s32 $0xFFFFFFFF, s24;
	[sflag:s3] =	ssyncadd.s32 $0xFFFFF000  }
0x36: {  	[tilespmem:s2], [sflag:$0x2] =	stream.linear.gather [hbm4b:s4+s2], $0x200, $0x38;
	[tilespmem:$0x1200] =	vst v63  }
0x37: {  	_ =	swait.ge [sflag:s3], $0x200  }
0x38: {  	[sflag:s3] =	ssyncset.done $0x0  }
0x39: {  	[sflag:s3] =	ssyncadd.s32 $0xFFFFFE00  }
0x3a: {  	[tilespmem:s6], [sflag:$0x1] =	stream.indirect.gather [hbm4b:s5+s6], $0x1, s2, s6, $0xb8;
	[tilespmem:$0x1200] =	vst v63  }
0x3b: {  	_ = 	snop  }
0x3c: {  	[tilespmem:s8], [sflag:$0x1] =	stream.indirect.gather [hbm4b:s7+s6], $0x1, s2, s6, $0xb8;
	[tilespmem:$0x1200] =	vst v63  }
0x3d: {  	_ = 	snop  }
0x3e: {  	[tilespmem:s10], [sflag:$0x1] =	stream.indirect.gather [hbm4b:s9+s6], $0x1, s2, s6, $0xb8;
	[tilespmem:$0x1200] =	vst v63  }
0x3f: {  	_ = 	snop  }
0x40: {  	[tilespmem:s12], [sflag:$0x1] =	stream.indirect.gather [hbm4b:s11+s6], $0x1, s2, s6, $0xb8;
	[tilespmem:$0x1200] =	vst v63  }
0x41: {  	_ = 	snop  }
0x42: {  	[tilespmem:s14], [sflag:$0x1] =	stream.indirect.gather [hbm4b:s13+s6], $0x1, s2, s6, $0xb8;
	[tilespmem:$0x1200] =	vst v63  }
0x43: {  	_ = 	snop  }
0x44: {  	[tilespmem:s16], [sflag:$0x1] =	stream.indirect.gather [hbm4b:s15+s6], $0x1, s2, s6, $0xb8;
	[tilespmem:$0x1200] =	vst v63  }
0x45: {  	_ = 	snop  }
0x46: {  	[tilespmem:s18], [sflag:$0x1] =	stream.indirect.gather [hbm4b:s17+s6], $0x1, s2, s6, $0xb8;
	[tilespmem:$0x1200] =	vst v63  }
0x47: {  	_ = 	snop  }
0x48: {  	[tilespmem:s20], [sflag:$0x1] =	stream.indirect.gather [hbm4b:s19+s6], $0x1, s2, s6, $0xb8;
	[tilespmem:$0x1200] =	vst v63  }
0x49: {  	_ =	swait.ge [sflag:s21], $0x200  }
0x4a: {  	[sflag:s21] =	ssyncset.done $0x0  }
0x4b: {  	[sflag:s21] =	ssyncadd.s32 $0xFFFFFE00  }
0x4c: {  	_ =	swait.ge [sflag:s21], $0x200  }
0x4d: {  	[sflag:s21] =	ssyncset.done $0x0  }
0x4e: {  	[sflag:s21] =	ssyncadd.s32 $0xFFFFFE00  }
0x4f: {  	_ =	swait.ge [sflag:s21], $0x200  }
0x50: {  	[sflag:s21] =	ssyncset.done $0x0  }
0x51: {  	[sflag:s21] =	ssyncadd.s32 $0xFFFFFE00  }
0x52: {  	_ =	swait.ge [sflag:s21], $0x200  }
0x53: {  	[sflag:s21] =	ssyncset.done $0x0  }
0x54: {  	[sflag:s21] =	ssyncadd.s32 $0xFFFFFE00  }
0x55: {  	_ =	swait.ge [sflag:s21], $0x200  }
0x56: {  	[sflag:s21] =	ssyncset.done $0x0  }
0x57: {  	[sflag:s21] =	ssyncadd.s32 $0xFFFFFE00  }
0x58: {  	_ =	swait.ge [sflag:s21], $0x200  }
0x59: {  	[sflag:s21] =	ssyncset.done $0x0  }
0x5a: {  	[sflag:s21] =	ssyncadd.s32 $0xFFFFFE00  }
0x5b: {  	_ =	swait.ge [sflag:s21], $0x200  }
0x5c: {  	[sflag:s21] =	ssyncset.done $0x0  }
0x5d: {  	[sflag:s21] =	ssyncadd.s32 $0xFFFFFE00  }
0x5e: {  	_ =	swait.ge [sflag:s21], $0x200  }
.Ltmp1:
0x5f: {  	[sflag:s21] =	ssyncset.done $0x0;
	(pc) =	sbr.rel @p0 .LBB2_1-.Ltmp1, $4  }
0x60: {  	[sflag:s21] =	ssyncadd.s32 $0xFFFFFE00  }
0x61: {  	[hbm4b:s22+s6] =	stream.strided.scatter [tilespmem:s6], [sflag:$0x2], $0x1000, s23, s6, $0x38;
	[tilespmem:$0x1200] =	vst v63  }
0x62: {  	_ =	swait.ge [sflag:s3], $0x1000  }
0x63: {  	[sflag:s3] =	ssyncset.done $0x0  }
.LBB2_2:
0x64: {  	[sflag:s3] =	ssyncadd.s32 $0xFFFFF000  }
0x65: {  	_ =	sfence.sel $0x180000  }
0x66: {  	[bflag:$0x0] =	sbarrier.arrive $0xFFFF  }
0x67: {  	p0 =	sne.s32 s1, $0x0;
	_ =	strace $0x9000004A  }
0x68: {  	s0 =	sadd.s32 @!p0 $0x100000, s0;
	[bflag:$0x2] =	sbarrier.arrive $0xFFFF  }
0x69: {  	[sflag:s0] =	ssyncadd.tile.s32 @!p0 $0x1;
	_ =	shalt  }
.Lfunc_end2:
_tile_overlayer_lowered:
.L_overlay_start_2:
0x6a: {  	(tag) =	ssettag $0x2  }
0x6b: {  	s0 =	rddreg [dreg:$0x0];
	s2 =	stileid.u32  }
0x6c: {  	s1 =	rddreg [dreg:$0x1];
	p0 =	sne.s32 s2, $0x0  }
0x6d: {  	s3 =	rddreg [dreg:$0x2];
	[bflag:$0x3] =	sbarrier.arrive $0xFFFF;
	s2 =	simm.s32 @!p0 $0x1C02  }
0x6e: {  	[timem:s3], [sflag:s2] =	dma.local @!p0 [hbm:s0], s1  }
0x6f: {  	s0 =	simm.s32 @!p0 $0x2  }
0x70: {  	_ =	swait.ge @!p0 [sflag:s0], s1  }
0x71: {  	s1 =	ssub.s32 @!p0 $0x0, s1;
	[sflag:s0] =	ssyncset.done @!p0 $0x0  }
0x72: {  	[sflag:s0] =	ssyncadd.s32 @!p0 s1  }
0x73: {  	[bflag:$0x3] =	sbarrier.arrive $0xFFFF  }
0x74: {  	_ =	shalt  }

// kernel: kernel.14.cloned.1.call-start
scs
__scs_entry_jumppad:
0x0: {  	(pc) =	sbr.rel $0x88, $3  }
0x1: {  	(tag) =	ssettag $0x0;
	lr =	simm.s32 $0x1  }
0x2: {  	[smem:$0x3F99] =	sst lr;
	_ =	strace $0xD0000000  }
0x3: {  	_ = 	snop  }
0x4: {  	_ = 	snop  }
0x5: {  	_ = 	snop  }
0x6: {  	_ = 	snop  }
0x7: {  	_ = 	snop  }
__scs_overlays_trampoline_lowered:
0x8: {  	[smem:$0x3FA8] =	sst s0  }
0x9: {  	[smem:$0x3FA9] =	sst s1  }
0xa: {  	[smem:$0x3FAA] =	sst s2  }
0xb: {  	[smem:$0x3FAB] =	sst s3  }
0xc: {  	[smem:$0x3FAC] =	sst s4  }
0xd: {  	[smem:$0x3FAD] =	sst s5  }
0xe: {  	[smem:$0x3FAE] =	sst s6  }
0xf: {  	[smem:$0x3FAF] =	sst s7  }
0x10: {  	[smem:$0x3FB0] =	sst s8  }
0x11: {  	[smem:$0x3FB1] =	sst s9;
	s0 =	simm.s32 @!p0 $0x0  }
0x12: {  	s1 =	sld [smem:$0x3F97];
	s0 =	simm.s32 @p0 $0x1  }
0x13: {  	[smem:$0x3FB2] =	sst s0;
	s0 =	simm.s32 @!p1 $0x0  }
0x14: {  	s2 =	sld [smem:$0x3F96];
	s0 =	simm.s32 @p1 $0x1  }
0x15: {  	[smem:$0x3FB3] =	sst s0;
	s0 =	simm.s32 @!p2 $0x0  }
0x16: {  	s3 =	sld [smem:$0x3FDB];
	s0 =	simm.s32 @p2 $0x1  }
0x17: {  	s4 =	simm.s32 $0x1BF5;
	[smem:$0x3FB5] =	sst s0  }
0x18: {  	s0 =	sld [smem:$0x3F98];
	_ =	swait.ge [sflag:s4], $0x0  }
0x19: {  	s7 =	sld [smem:$0x3F99]  }
0x1a: {  	s8 =	sadd.s32 $0xFFFFE003, lr  }
0x1b: {  	s9 =	sadd.s32 $0xFFFFFEF7, lr;
	s5 =	simm.s32 $0xFFFFFFFF;
	p2 =	slt.u32 s8, $0xFFFFF086  }
0x1c: {  	p1 =	slt.u32 s9, $0xF7A;
	s5 =	simm.s32 @!p2 $0x0  }
0x1d: {  	s5 =	simm.s32 @p1 $0x1;
	p0 =	seq.s32 s7, s2  }
0x1e: {  	s7 =	smul.u32 @!p0 $0xF7A, s2;
	p2 =	seq.s32 @!p0 s5, $0x0  }
0x1f: {  	s9 =	smul.u32 $0xF7A, s1;
	s8 =	simm.s32 @!p0 $0x1BF5;
	p2 =	por !p2, p0  }
0x20: {  	[sflag:s8] =	ssyncset.s32 @!p0 $0xFFFFF086;
	s6 =	sadd.s32 @!p0 s3, s7;
	s7 =	simm.s32 @!p0 $0x108  }
0x21: {  	s3 =	sadd.s32 s3, s9;
	s6 =	sadd.s32 @!p0 $0x88, s6;
	s7 =	simm.s32 @p2 $0x1082  }
0x22: {  	[simem:s7], [sflag:s8] =	dma.local @!p0 [hbm:s6], $0xF7A  }
0x23: {  	s9 =	sor.u32 $0xD0000000, s2;
	s6 =	simm.s32 $0x108;
	_ =	swait.ge @!p0 [sflag:s8], $0x0  }
0x24: {  	s3 =	sadd.s32 $0x88, s3;
	s6 =	simm.s32 @!p1 $0x1082;
	[sflag:s4] =	ssyncset.s32 $0xFFFFF086  }
0x25: {  	[simem:s6], [sflag:s4] =	dma.local [hbm:s3], $0xF7A  }
0x26: {  	[smem:$0x3F99] =	sst s1;
	(tag) =	ssettag s2;
	_ =	strace s9  }
0x27: {  	s1 =	sld [smem:$0x3FA9]  }
0x28: {  	s2 =	sld [smem:$0x3FAA]  }
0x29: {  	s4 =	sld [smem:$0x3FAC]  }
0x2a: {  	p0 =	seq.s32 s5, $0x0;
	s5 =	sld [smem:$0x3FAD]  }
0x2b: {  	s6 =	sld [smem:$0x3FAE]  }
0x2c: {  	s7 =	sld [smem:$0x3FAF]  }
0x2d: {  	s3 =	simm.s32 $0x108;
	s8 =	sld [smem:$0x3FB0]  }
0x2e: {  	s3 =	simm.s32 @!p0 $0x1082;
	s9 =	sld [smem:$0x3FB1]  }
0x2f: {  	lr =	sadd.s32 s0, s3;
	s0 =	sld [smem:$0x3FA8]  }
0x30: {  	s3 =	sld [smem:$0x3FAB]  }
0x31: {  	[smem:$0x3FB4] =	sst s10  }
0x32: {  	s10 =	sld [smem:$0x3FB2];
	_ =	sdelay $0x3  }
0x33: {  	p0 =	seq.s32 s10, $0x1;
	s10 =	sld [smem:$0x3FB4];
	_ =	sdelay $0x3  }
0x34: {  	[smem:$0x3FB4] =	sst s10  }
0x35: {  	s10 =	sld [smem:$0x3FB3];
	_ =	sdelay $0x3  }
0x36: {  	p1 =	seq.s32 s10, $0x1;
	s10 =	sld [smem:$0x3FB4];
	_ =	sdelay $0x3  }
0x37: {  	[smem:$0x3FB4] =	sst s10  }
0x38: {  	s10 =	sld [smem:$0x3FB5]  }
0x39: {  	_ = 	snop;
	(pc) =	sbr.ind lr, $3  }
0x3a: {  	_ = 	snop  }
0x3b: {  	_ = 	snop  }
0x3c: {  	p2 =	seq.s32 s10, $0x1;
	s10 =	sld [smem:$0x3FB4]  }
0x3d: {  	_ =	shalt  }
0x3e: {  	_ =	shalt  }
0x3f: {  	_ =	shalt  }
0x40: {  	_ =	shalt  }
0x41: {  	_ =	shalt  }
0x42: {  	_ =	shalt  }
0x43: {  	_ =	shalt  }
0x44: {  	_ =	shalt  }
0x45: {  	_ =	shalt  }
0x46: {  	_ =	shalt  }
0x47: {  	_ =	shalt  }
0x48: {  	_ =	shalt  }
0x49: {  	_ =	shalt  }
0x4a: {  	_ =	shalt  }
0x4b: {  	_ =	shalt  }
0x4c: {  	_ =	shalt  }
0x4d: {  	_ =	shalt  }
0x4e: {  	_ =	shalt  }
0x4f: {  	_ =	shalt  }
0x50: {  	_ =	shalt  }
0x51: {  	_ =	shalt  }
0x52: {  	_ =	shalt  }
0x53: {  	_ =	shalt  }
0x54: {  	_ =	shalt  }
0x55: {  	_ =	shalt  }
0x56: {  	_ =	shalt  }
0x57: {  	_ =	shalt  }
0x58: {  	_ =	shalt  }
0x59: {  	_ =	shalt  }
0x5a: {  	_ =	shalt  }
0x5b: {  	_ =	shalt  }
0x5c: {  	_ =	shalt  }
0x5d: {  	_ =	shalt  }
0x5e: {  	_ =	shalt  }
0x5f: {  	_ =	shalt  }
0x60: {  	_ =	shalt  }
0x61: {  	_ =	shalt  }
0x62: {  	_ =	shalt  }
0x63: {  	_ =	shalt  }
0x64: {  	_ =	shalt  }
0x65: {  	_ =	shalt  }
0x66: {  	_ =	shalt  }
0x67: {  	_ =	shalt  }
0x68: {  	_ =	shalt  }
0x69: {  	_ =	shalt  }
0x6a: {  	_ =	shalt  }
0x6b: {  	_ =	shalt  }
0x6c: {  	_ =	shalt  }
0x6d: {  	_ =	shalt  }
0x6e: {  	_ =	shalt  }
0x6f: {  	_ =	shalt  }
0x70: {  	_ =	shalt  }
0x71: {  	_ =	shalt  }
0x72: {  	_ =	shalt  }
0x73: {  	_ =	shalt  }
0x74: {  	_ =	shalt  }
0x75: {  	_ =	shalt  }
0x76: {  	_ =	shalt  }
0x77: {  	_ =	shalt  }
0x78: {  	_ =	shalt  }
0x79: {  	_ =	shalt  }
0x7a: {  	_ =	shalt  }
0x7b: {  	_ =	shalt  }
0x7c: {  	_ =	shalt  }
0x7d: {  	_ =	shalt  }
0x7e: {  	_ =	shalt  }
0x7f: {  	_ =	shalt  }
0x80: {  	_ =	shalt  }
0x81: {  	_ =	shalt  }
0x82: {  	_ =	shalt  }
0x83: {  	_ =	shalt  }
0x84: {  	_ =	shalt  }
0x85: {  	_ =	shalt  }
0x86: {  	_ =	shalt  }
0x87: {  	_ =	shalt  }
.Lfunc_end0:
.L_simem_size_0:
called_computation.2_lowered:
.L_overlay_start_0:
0x88: {  	s2 =	sld [smem:$0x3FD9]  }
0x89: {  	s3 =	sld [smem:$0x3FFE];
	_ =	sdelay $0x1  }
0x8a: {  	s1 =	srdreg.scid  }
0x8b: {  	s0 =	sand.u32 $0x1, s1  }
0x8c: {  	s17 =	sshll.u32 s0, $0xA;
	s2 =	sadd.s32 s3, s2  }
0x8d: {  	s2 =	sadd.s32 s2, s17  }
0x8e: {  	[smem:$0x3FC0] =	sst s2  }
0x8f: {  	_ = 	snop  }
0x90: {  	s18 =	sld [smem:$0x3FC9];
	(tm) =	ssettm $0x1  }
0x91: {  	s19 =	sld [smem:$0x3FFB];
	_ =	sdelay $0x3  }
0x92: {  	_ =	strace s19  }
0x93: {  	s2 =	sld [smem:$0x3FFC];
	_ =	sdelay $0x3  }
0x94: {  	_ =	strace s2  }
0x95: {  	s2 =	sld [smem:$0x3FFD];
	_ =	sdelay $0x3  }
0x96: {  	_ =	strace s2  }
0x97: {  	_ =	strace $0x8FFFFFFF  }
0x98: {  	s20 =	sld [smem:$0x3FDB];
	_ =	sdelay $0x1  }
0x99: {  	s4 =	simm.s32 $_scs_section_size  }
0x9a: {  	s5 =	simm.s32 $_size__tile_overlayer_lowered;
	s6 =	simm.s32 $_tile_overlayer_lowered  }
0x9b: {  	s7 =	simm.s32 $0x1BFF;
	s21 =	sshll.u32 s6, $0x1;
	s4 =	sadd.s32 s4, s20  }
0x9c: {  	s22 =	simm.s32 $0x0;
	s5 =	sshll.u32 s5, $0x1;
	s6 =	sadd.s32 s21, s4  }
0x9d: {  	[timem:s22], [sflag:s7] =	dma.local [hbm:s6], s5  }
0x9e: {  	_ =	swait.ge [sflag:s7], s5  }
0x9f: {  	s5 =	ssub.s32 $0x0, s5;
	[sflag:s7] =	ssyncset.done $0x0  }
0xa0: {  	[sflag:s7] =	ssyncadd.s32 s5;
	_ =	sdelay $0x1  }
0xa1: {  	s23 =	simm.s32 $0x1B8B  }
0xa2: {  	_ =	swait.ge [sflag:s23], $0x1  }
0xa3: {  	[sflag:s23] =	ssyncset.done $0x0  }
0xa4: {  	[sflag:s23] =	ssyncadd.s32 $0xFFFFFFFF  }
0xa5: {  	s5 =	sld [smem:$0x0]  }
0xa6: {  	s6 =	sand.u32 $0xFFFFFFFE, s1  }
0xa7: {  	p0 =	sne.s32 s1, s6  }
0xa8: {  	s6 =	sshll.u32 @p0 s6, $0xE  }
0xa9: {  	s6 =	sadd.s32 @p0 $0x11B8D, s6;
	s7 =	sshll.u32 @p0 s5, $0x11  }
0xaa: {  	s6 =	sor.u32 @p0 s7, s6  }
0xab: {  	[sflag:s6] =	ssyncadd.remote.s32 @p0 $0x1;
	_ =	sdelay $0x1  }
0xac: {  	s6 =	simm.s32 @p0 $0x1B8D  }
0xad: {  	_ =	swait.eq @p0 [sflag:s6], $0x1  }
0xae: {  	[sflag:s6] =	ssyncadd.s32 @p0 $0xFFFFFFFF  }
0xaf: {  	s7 =	sshll.u32 @!p0 s1, $0xE  }
0xb0: {  	s7 =	sor.u32 @!p0 $0x4000, s7;
	s6 =	simm.s32 @!p0 $0x1B8D  }
0xb1: {  	s5 =	sshll.u32 @!p0 s5, $0x11;
	s7 =	sadd.s32 @!p0 $0x11B8D, s7;
	_ =	swait.eq @!p0 [sflag:s6], $0x1  }
0xb2: {  	s5 =	sor.u32 @!p0 s5, s7;
	[sflag:s6] =	ssyncadd.s32 @!p0 $0xFFFFFFFF  }
0xb3: {  	s25 =	simm.s32 $0x1B8E;
	s24 =	sld [smem:$0x3FFE];
	[sflag:s5] =	ssyncadd.remote.s32 @!p0 $0x1  }
0xb4: {  	s26 =	simm.s32 $execute0_lowered;
	[smem:$0x3FD2] =	sst s25  }
0xb5: {  	s6 =	sshll.u32 s26, $0x1;
	_ =	strace $0x8000004C;
	[dreg:$0x1] =	wrdreg $0xFFFFFFFF  }
0xb6: {  	s28 =	simm.s32 $_size_execute0_lowered;
	s4 =	sadd.s32 s4, s6;
	[dreg:$0x0] =	wrdreg $0x0  }
0xb7: {  	s6 =	sshll.u32 s28, $0x1;
	[dreg:$0x2] =	wrdreg s4  }
0xb8: {  	[dreg:$0x3] =	wrdreg s6  }
0xb9: {  	[dreg:$0x4] =	wrdreg $0xC0  }
0xba: {  	_ =	task [dreg:s22], $0x5FFFF  }
0xbb: {  	[dreg:$0x1] =	wrdreg $0xFFFFFFFF  }
0xbc: {  	[dreg:$0x0] =	wrdreg $0x60  }
0xbd: {  	[dreg:$0x2] =	wrdreg s18  }
0xbe: {  	[dreg:$0x3] =	wrdreg s24  }
0xbf: {  	[dreg:$0x4] =	wrdreg $0xB  }
0xc0: {  	_ =	task.clear_ibuf [dreg:s22], $0x5FFFF;
	_ =	strace $0x9000004C  }
0xc1: {  	s29 =	simm.s32 $0xB;
	_ =	strace $0x8000004E  }
0xc2: {  	_ =	swait.ge [sflag:s29], $0x1  }
0xc3: {  	[sflag:s29] =	ssyncadd.s32 $0xFFFFFFFF  }
0xc4: {  	_ =	strace $0x9000004E  }
0xc5: {  	_ =	sfence  }
0xc6: {  	s30 =	sld [smem:$0x0];
	_ =	sdelay $0x2  }
0xc7: {  	s31 =	sshll.u32 s1, $0xD;
	s1 =	sshrl.u32 s1, $0x2  }
0xc8: {  	s4 =	sand.u32 $0x4000, s31;
	s1 =	sadd.s32 s1, s30  }
0xc9: {  	s0 =	sor.u32 s4, s0;
	s1 =	sshll.u32 s1, $0x11  }
0xca: {  	s0 =	sor.u32 s1, s0  }
0xcb: {  	s0 =	sadd.s32 $0x8F2B, s0  }
0xcc: {  	[sflag:s0] =	ssyncadd.remote.s32 $0x1  }
0xcd: {  	_ =	sfence.sel $0xFFFF  }
0xce: {  	[dreg:$0x0] =	wrdreg $0xFFFFFFFF;
	(pc) =	sbr.abs _section_cstart, $3  }
0xcf: {  	[dreg:$0x1] =	wrdreg $0xFFFFFFFF  }
0xd0: {  	_ =	task.clear_ibuf [dreg:s22], $0x2FFFF;
	_ =	strace $0x9FFFFFFF  }
0xd1: {  	(tm) =	ssettm $0x7FFFFFFF  }
tec
execute0_lowered:
.L_overlay_start_1:
0x0: {  	(tag) =	ssettag $0x1  }
0x1: {  	s3 =	rddreg [dreg:$0x0]  }
0x2: {  	s22 =	rddreg [dreg:$0x1];
	s2 =	srdreg.scid  }
0x3: {  	s0 =	rddreg [dreg:$0x2];
	s1 =	stileid.u32;
	s23 =	sand.u32 $0x1, s2  }
0x4: {  	s2 =	simm.s32 $0x0;
	s4 =	sshll.u32 s1, $0x7;
	s5 =	sshll.u32 s23, $0x6  }
0x5: {  	[smem:$0x7FF] =	sst s2;
	s24 =	sor.u32 s5, s4  }
0x6: {  	_ =	strace $0x8000004D;
	s4 =	sadd.s32 s3, s24;
	s3 =	simm.s32 $0x2  }
0x7: {  	[tilespmem:s2], [sflag:$0x2] =	stream.linear.gather [hbm4b:s4+s2], $0x200, $0x38;
	[tilespmem:$0x1200] =	vst v63  }
0x8: {  	_ =	swait.ge [sflag:s3], $0x200  }
0x9: {  	[sflag:s3] =	ssyncset.done $0x0  }
0xa: {  	s6 =	simm.s32 $0x200;
	s5 =	sadd.s32 $0x64200, s22;
	[sflag:s3] =	ssyncadd.s32 $0xFFFFFE00  }
0xb: {  	[tilespmem:s6], [sflag:$0x1] =	stream.indirect.gather [hbm4b:s5+s6], $0x1, s2, s6, $0xb8;
	[tilespmem:$0x1200] =	vst v63  }
0xc: {  	s8 =	simm.s32 $0x400;
	s7 =	sadd.s32 $0x6A3A8, s22  }
0xd: {  	[tilespmem:s8], [sflag:$0x1] =	stream.indirect.gather [hbm4b:s7+s6], $0x1, s2, s6, $0xb8;
	[tilespmem:$0x1200] =	vst v63  }
0xe: {  	s10 =	simm.s32 $0x600;
	s9 =	sadd.s32 $0x70550, s22  }
0xf: {  	[tilespmem:s10], [sflag:$0x1] =	stream.indirect.gather [hbm4b:s9+s6], $0x1, s2, s6, $0xb8;
	[tilespmem:$0x1200] =	vst v63  }
0x10: {  	s12 =	simm.s32 $0x800;
	s11 =	sadd.s32 $0x766F8, s22  }
0x11: {  	[tilespmem:s12], [sflag:$0x1] =	stream.indirect.gather [hbm4b:s11+s6], $0x1, s2, s6, $0xb8;
	[tilespmem:$0x1200] =	vst v63  }
0x12: {  	s14 =	simm.s32 $0xA00;
	s13 =	sadd.s32 $0x7C8A0, s22  }
0x13: {  	[tilespmem:s14], [sflag:$0x1] =	stream.indirect.gather [hbm4b:s13+s6], $0x1, s2, s6, $0xb8;
	[tilespmem:$0x1200] =	vst v63  }
0x14: {  	s16 =	simm.s32 $0xC00;
	s15 =	sadd.s32 $0x82A48, s22  }
0x15: {  	[tilespmem:s16], [sflag:$0x1] =	stream.indirect.gather [hbm4b:s15+s6], $0x1, s2, s6, $0xb8;
	[tilespmem:$0x1200] =	vst v63  }
0x16: {  	s18 =	simm.s32 $0xE00;
	s17 =	sadd.s32 $0x88BF0, s22  }
0x17: {  	[tilespmem:s18], [sflag:$0x1] =	stream.indirect.gather [hbm4b:s17+s6], $0x1, s2, s6, $0xb8;
	[tilespmem:$0x1200] =	vst v63  }
0x18: {  	s20 =	simm.s32 $0x1000;
	s21 =	simm.s32 $0x1;
	s19 =	sadd.s32 $0x8ED98, s22  }
0x19: {  	[tilespmem:s20], [sflag:$0x1] =	stream.indirect.gather [hbm4b:s19+s6], $0x1, s2, s6, $0xb8;
	[tilespmem:$0x1200] =	vst v63  }
0x1a: {  	_ =	swait.ge [sflag:s21], $0x200  }
0x1b: {  	[sflag:s21] =	ssyncset.done $0x0  }
0x1c: {  	[sflag:s21] =	ssyncadd.s32 $0xFFFFFE00  }
0x1d: {  	_ =	swait.ge [sflag:s21], $0x200  }
0x1e: {  	[sflag:s21] =	ssyncset.done $0x0  }
0x1f: {  	[sflag:s21] =	ssyncadd.s32 $0xFFFFFE00  }
0x20: {  	_ =	swait.ge [sflag:s21], $0x200  }
0x21: {  	[sflag:s21] =	ssyncset.done $0x0  }
0x22: {  	[sflag:s21] =	ssyncadd.s32 $0xFFFFFE00  }
0x23: {  	_ =	swait.ge [sflag:s21], $0x200  }
0x24: {  	[sflag:s21] =	ssyncset.done $0x0  }
0x25: {  	[sflag:s21] =	ssyncadd.s32 $0xFFFFFE00  }
0x26: {  	_ =	swait.ge [sflag:s21], $0x200  }
0x27: {  	[sflag:s21] =	ssyncset.done $0x0  }
0x28: {  	[sflag:s21] =	ssyncadd.s32 $0xFFFFFE00  }
0x29: {  	_ =	swait.ge [sflag:s21], $0x200  }
0x2a: {  	[sflag:s21] =	ssyncset.done $0x0  }
0x2b: {  	s23 =	ssub.s32 $0x2, s23;
	[sflag:s21] =	ssyncadd.s32 $0xFFFFFE00  }
0x2c: {  	s31 =	sshrl.u32 s23, $0x1;
	_ =	swait.ge [sflag:s21], $0x200  }
0x2d: {  	s23 =	ssub.s32 s23, s31;
	[sflag:s21] =	ssyncset.done $0x0  }
0x2e: {  	s22 =	sadd.s32 s24, s22;
	s24 =	smax.u32 s23, $0x1;
	[sflag:s21] =	ssyncadd.s32 $0xFFFFFE00  }
0x2f: {  	p0 =	sne.s32 s24, $0x1;
	_ =	swait.ge [sflag:s21], $0x200  }
.Ltmp0:
0x30: {  	[sflag:s21] =	ssyncset.done $0x0;
	(pc) =	sbr.rel @!p0 .LBB2_2-.Ltmp0, $4  }
0x31: {  	s22 =	sadd.s32 $0x95000, s22;
	s23 =	simm.s32 $0x4000;
	[sflag:s21] =	ssyncadd.s32 $0xFFFFFE00  }
0x32: {  	[hbm4b:s22+s6] =	stream.strided.scatter [tilespmem:s6], [sflag:$0x2], $0x1000, s23, s6, $0x38;
	[tilespmem:$0x1200] =	vst v63  }
0x33: {  	_ =	swait.ge [sflag:s3], $0x1000  }
0x34: {  	s24 =	sadd.s32 $0xFFFFFFFF, s24;
	[sflag:s3] =	ssyncset.done $0x0  }
.LBB2_1:
0x35: {  	p0 =	sne.s32 s24, $0x1;
	s24 =	sadd.s32 $0xFFFFFFFF, s24;
	[sflag:s3] =	ssyncadd.s32 $0xFFFFF000  }
0x36: {  	[tilespmem:s2], [sflag:$0x2] =	stream.linear.gather [hbm4b:s4+s2], $0x200, $0x38;
	[tilespmem:$0x1200] =	vst v63  }
0x37: {  	_ =	swait.ge [sflag:s3], $0x200  }
0x38: {  	[sflag:s3] =	ssyncset.done $0x0  }
0x39: {  	[sflag:s3] =	ssyncadd.s32 $0xFFFFFE00  }
0x3a: {  	[tilespmem:s6], [sflag:$0x1] =	stream.indirect.gather [hbm4b:s5+s6], $0x1, s2, s6, $0xb8;
	[tilespmem:$0x1200] =	vst v63  }
0x3b: {  	_ = 	snop  }
0x3c: {  	[tilespmem:s8], [sflag:$0x1] =	stream.indirect.gather [hbm4b:s7+s6], $0x1, s2, s6, $0xb8;
	[tilespmem:$0x1200] =	vst v63  }
0x3d: {  	_ = 	snop  }
0x3e: {  	[tilespmem:s10], [sflag:$0x1] =	stream.indirect.gather [hbm4b:s9+s6], $0x1, s2, s6, $0xb8;
	[tilespmem:$0x1200] =	vst v63  }
0x3f: {  	_ = 	snop  }
0x40: {  	[tilespmem:s12], [sflag:$0x1] =	stream.indirect.gather [hbm4b:s11+s6], $0x1, s2, s6, $0xb8;
	[tilespmem:$0x1200] =	vst v63  }
0x41: {  	_ = 	snop  }
0x42: {  	[tilespmem:s14], [sflag:$0x1] =	stream.indirect.gather [hbm4b:s13+s6], $0x1, s2, s6, $0xb8;
	[tilespmem:$0x1200] =	vst v63  }
0x43: {  	_ = 	snop  }
0x44: {  	[tilespmem:s16], [sflag:$0x1] =	stream.indirect.gather [hbm4b:s15+s6], $0x1, s2, s6, $0xb8;
	[tilespmem:$0x1200] =	vst v63  }
0x45: {  	_ = 	snop  }
0x46: {  	[tilespmem:s18], [sflag:$0x1] =	stream.indirect.gather [hbm4b:s17+s6], $0x1, s2, s6, $0xb8;
	[tilespmem:$0x1200] =	vst v63  }
0x47: {  	_ = 	snop  }
0x48: {  	[tilespmem:s20], [sflag:$0x1] =	stream.indirect.gather [hbm4b:s19+s6], $0x1, s2, s6, $0xb8;
	[tilespmem:$0x1200] =	vst v63  }
0x49: {  	_ =	swait.ge [sflag:s21], $0x200  }
0x4a: {  	[sflag:s21] =	ssyncset.done $0x0  }
0x4b: {  	[sflag:s21] =	ssyncadd.s32 $0xFFFFFE00  }
0x4c: {  	_ =	swait.ge [sflag:s21], $0x200  }
0x4d: {  	[sflag:s21] =	ssyncset.done $0x0  }
0x4e: {  	[sflag:s21] =	ssyncadd.s32 $0xFFFFFE00  }
0x4f: {  	_ =	swait.ge [sflag:s21], $0x200  }
0x50: {  	[sflag:s21] =	ssyncset.done $0x0  }
0x51: {  	[sflag:s21] =	ssyncadd.s32 $0xFFFFFE00  }
0x52: {  	_ =	swait.ge [sflag:s21], $0x200  }
0x53: {  	[sflag:s21] =	ssyncset.done $0x0  }
0x54: {  	[sflag:s21] =	ssyncadd.s32 $0xFFFFFE00  }
0x55: {  	_ =	swait.ge [sflag:s21], $0x200  }
0x56: {  	[sflag:s21] =	ssyncset.done $0x0  }
0x57: {  	[sflag:s21] =	ssyncadd.s32 $0xFFFFFE00  }
0x58: {  	_ =	swait.ge [sflag:s21], $0x200  }
0x59: {  	[sflag:s21] =	ssyncset.done $0x0  }
0x5a: {  	[sflag:s21] =	ssyncadd.s32 $0xFFFFFE00  }
0x5b: {  	_ =	swait.ge [sflag:s21], $0x200  }
0x5c: {  	[sflag:s21] =	ssyncset.done $0x0  }
0x5d: {  	[sflag:s21] =	ssyncadd.s32 $0xFFFFFE00  }
0x5e: {  	_ =	swait.ge [sflag:s21], $0x200  }
.Ltmp1:
0x5f: {  	[sflag:s21] =	ssyncset.done $0x0;
	(pc) =	sbr.rel @p0 .LBB2_1-.Ltmp1, $4  }
0x60: {  	[sflag:s21] =	ssyncadd.s32 $0xFFFFFE00  }
0x61: {  	[hbm4b:s22+s6] =	stream.strided.scatter [tilespmem:s6], [sflag:$0x2], $0x1000, s23, s6, $0x38;
	[tilespmem:$0x1200] =	vst v63  }
0x62: {  	_ =	swait.ge [sflag:s3], $0x1000  }
0x63: {  	[sflag:s3] =	ssyncset.done $0x0  }
.LBB2_2:
0x64: {  	[sflag:s3] =	ssyncadd.s32 $0xFFFFF000  }
0x65: {  	_ =	sfence.sel $0x180000  }
0x66: {  	[bflag:$0x0] =	sbarrier.arrive $0xFFFF  }
0x67: {  	p0 =	sne.s32 s1, $0x0;
	_ =	strace $0x9000004D  }
0x68: {  	s0 =	sadd.s32 @!p0 $0x100000, s0;
	[bflag:$0x2] =	sbarrier.arrive $0xFFFF  }
0x69: {  	[sflag:s0] =	ssyncadd.tile.s32 @!p0 $0x1;
	_ =	shalt  }
.Lfunc_end2:
_tile_overlayer_lowered:
.L_overlay_start_2:
0x6a: {  	(tag) =	ssettag $0x2  }
0x6b: {  	s0 =	rddreg [dreg:$0x0];
	s2 =	stileid.u32  }
0x6c: {  	s1 =	rddreg [dreg:$0x1];
	p0 =	sne.s32 s2, $0x0  }
0x6d: {  	s3 =	rddreg [dreg:$0x2];
	[bflag:$0x3] =	sbarrier.arrive $0xFFFF;
	s2 =	simm.s32 @!p0 $0x1C02  }
0x6e: {  	[timem:s3], [sflag:s2] =	dma.local @!p0 [hbm:s0], s1  }
0x6f: {  	s0 =	simm.s32 @!p0 $0x2  }
0x70: {  	_ =	swait.ge @!p0 [sflag:s0], s1  }
0x71: {  	s1 =	ssub.s32 @!p0 $0x0, s1;
	[sflag:s0] =	ssyncset.done @!p0 $0x0  }
0x72: {  	[sflag:s0] =	ssyncadd.s32 @!p0 s1  }
0x73: {  	[bflag:$0x3] =	sbarrier.arrive $0xFFFF  }
0x74: {  	_ =	shalt  }

// kernel: kernel.17.cloned.1.call-start
scs
__scs_entry_jumppad:
0x0: {  	(pc) =	sbr.rel $0x88, $3  }
0x1: {  	(tag) =	ssettag $0x0;
	lr =	simm.s32 $0x1  }
0x2: {  	[smem:$0x3F99] =	sst lr;
	_ =	strace $0xD0000000  }
0x3: {  	_ = 	snop  }
0x4: {  	_ = 	snop  }
0x5: {  	_ = 	snop  }
0x6: {  	_ = 	snop  }
0x7: {  	_ = 	snop  }
__scs_overlays_trampoline_lowered:
0x8: {  	[smem:$0x3FA8] =	sst s0  }
0x9: {  	[smem:$0x3FA9] =	sst s1  }
0xa: {  	[smem:$0x3FAA] =	sst s2  }
0xb: {  	[smem:$0x3FAB] =	sst s3  }
0xc: {  	[smem:$0x3FAC] =	sst s4  }
0xd: {  	[smem:$0x3FAD] =	sst s5  }
0xe: {  	[smem:$0x3FAE] =	sst s6  }
0xf: {  	[smem:$0x3FAF] =	sst s7  }
0x10: {  	[smem:$0x3FB0] =	sst s8  }
0x11: {  	[smem:$0x3FB1] =	sst s9;
	s0 =	simm.s32 @!p0 $0x0  }
0x12: {  	s1 =	sld [smem:$0x3F97];
	s0 =	simm.s32 @p0 $0x1  }
0x13: {  	[smem:$0x3FB2] =	sst s0;
	s0 =	simm.s32 @!p1 $0x0  }
0x14: {  	s2 =	sld [smem:$0x3F96];
	s0 =	simm.s32 @p1 $0x1  }
0x15: {  	[smem:$0x3FB3] =	sst s0;
	s0 =	simm.s32 @!p2 $0x0  }
0x16: {  	s3 =	sld [smem:$0x3FDB];
	s0 =	simm.s32 @p2 $0x1  }
0x17: {  	s4 =	simm.s32 $0x1BF5;
	[smem:$0x3FB5] =	sst s0  }
0x18: {  	s0 =	sld [smem:$0x3F98];
	_ =	swait.ge [sflag:s4], $0x0  }
0x19: {  	s7 =	sld [smem:$0x3F99]  }
0x1a: {  	s8 =	sadd.s32 $0xFFFFE003, lr  }
0x1b: {  	s9 =	sadd.s32 $0xFFFFFEF7, lr;
	s5 =	simm.s32 $0xFFFFFFFF;
	p2 =	slt.u32 s8, $0xFFFFF086  }
0x1c: {  	p1 =	slt.u32 s9, $0xF7A;
	s5 =	simm.s32 @!p2 $0x0  }
0x1d: {  	s5 =	simm.s32 @p1 $0x1;
	p0 =	seq.s32 s7, s2  }
0x1e: {  	s7 =	smul.u32 @!p0 $0xF7A, s2;
	p2 =	seq.s32 @!p0 s5, $0x0  }
0x1f: {  	s9 =	smul.u32 $0xF7A, s1;
	s8 =	simm.s32 @!p0 $0x1BF5;
	p2 =	por !p2, p0  }
0x20: {  	[sflag:s8] =	ssyncset.s32 @!p0 $0xFFFFF086;
	s6 =	sadd.s32 @!p0 s3, s7;
	s7 =	simm.s32 @!p0 $0x108  }
0x21: {  	s3 =	sadd.s32 s3, s9;
	s6 =	sadd.s32 @!p0 $0x88, s6;
	s7 =	simm.s32 @p2 $0x1082  }
0x22: {  	[simem:s7], [sflag:s8] =	dma.local @!p0 [hbm:s6], $0xF7A  }
0x23: {  	s9 =	sor.u32 $0xD0000000, s2;
	s6 =	simm.s32 $0x108;
	_ =	swait.ge @!p0 [sflag:s8], $0x0  }
0x24: {  	s3 =	sadd.s32 $0x88, s3;
	s6 =	simm.s32 @!p1 $0x1082;
	[sflag:s4] =	ssyncset.s32 $0xFFFFF086  }
0x25: {  	[simem:s6], [sflag:s4] =	dma.local [hbm:s3], $0xF7A  }
0x26: {  	[smem:$0x3F99] =	sst s1;
	(tag) =	ssettag s2;
	_ =	strace s9  }
0x27: {  	s1 =	sld [smem:$0x3FA9]  }
0x28: {  	s2 =	sld [smem:$0x3FAA]  }
0x29: {  	s4 =	sld [smem:$0x3FAC]  }
0x2a: {  	p0 =	seq.s32 s5, $0x0;
	s5 =	sld [smem:$0x3FAD]  }
0x2b: {  	s6 =	sld [smem:$0x3FAE]  }
0x2c: {  	s7 =	sld [smem:$0x3FAF]  }
0x2d: {  	s3 =	simm.s32 $0x108;
	s8 =	sld [smem:$0x3FB0]  }
0x2e: {  	s3 =	simm.s32 @!p0 $0x1082;
	s9 =	sld [smem:$0x3FB1]  }
0x2f: {  	lr =	sadd.s32 s0, s3;
	s0 =	sld [smem:$0x3FA8]  }
0x30: {  	s3 =	sld [smem:$0x3FAB]  }
0x31: {  	[smem:$0x3FB4] =	sst s10  }
0x32: {  	s10 =	sld [smem:$0x3FB2];
	_ =	sdelay $0x3  }
0x33: {  	p0 =	seq.s32 s10, $0x1;
	s10 =	sld [smem:$0x3FB4];
	_ =	sdelay $0x3  }
0x34: {  	[smem:$0x3FB4] =	sst s10  }
0x35: {  	s10 =	sld [smem:$0x3FB3];
	_ =	sdelay $0x3  }
0x36: {  	p1 =	seq.s32 s10, $0x1;
	s10 =	sld [smem:$0x3FB4];
	_ =	sdelay $0x3  }
0x37: {  	[smem:$0x3FB4] =	sst s10  }
0x38: {  	s10 =	sld [smem:$0x3FB5]  }
0x39: {  	_ = 	snop;
	(pc) =	sbr.ind lr, $3  }
0x3a: {  	_ = 	snop  }
0x3b: {  	_ = 	snop  }
0x3c: {  	p2 =	seq.s32 s10, $0x1;
	s10 =	sld [smem:$0x3FB4]  }
0x3d: {  	_ =	shalt  }
0x3e: {  	_ =	shalt  }
0x3f: {  	_ =	shalt  }
0x40: {  	_ =	shalt  }
0x41: {  	_ =	shalt  }
0x42: {  	_ =	shalt  }
0x43: {  	_ =	shalt  }
0x44: {  	_ =	shalt  }
0x45: {  	_ =	shalt  }
0x46: {  	_ =	shalt  }
0x47: {  	_ =	shalt  }
0x48: {  	_ =	shalt  }
0x49: {  	_ =	shalt  }
0x4a: {  	_ =	shalt  }
0x4b: {  	_ =	shalt  }
0x4c: {  	_ =	shalt  }
0x4d: {  	_ =	shalt  }
0x4e: {  	_ =	shalt  }
0x4f: {  	_ =	shalt  }
0x50: {  	_ =	shalt  }
0x51: {  	_ =	shalt  }
0x52: {  	_ =	shalt  }
0x53: {  	_ =	shalt  }
0x54: {  	_ =	shalt  }
0x55: {  	_ =	shalt  }
0x56: {  	_ =	shalt  }
0x57: {  	_ =	shalt  }
0x58: {  	_ =	shalt  }
0x59: {  	_ =	shalt  }
0x5a: {  	_ =	shalt  }
0x5b: {  	_ =	shalt  }
0x5c: {  	_ =	shalt  }
0x5d: {  	_ =	shalt  }
0x5e: {  	_ =	shalt  }
0x5f: {  	_ =	shalt  }
0x60: {  	_ =	shalt  }
0x61: {  	_ =	shalt  }
0x62: {  	_ =	shalt  }
0x63: {  	_ =	shalt  }
0x64: {  	_ =	shalt  }
0x65: {  	_ =	shalt  }
0x66: {  	_ =	shalt  }
0x67: {  	_ =	shalt  }
0x68: {  	_ =	shalt  }
0x69: {  	_ =	shalt  }
0x6a: {  	_ =	shalt  }
0x6b: {  	_ =	shalt  }
0x6c: {  	_ =	shalt  }
0x6d: {  	_ =	shalt  }
0x6e: {  	_ =	shalt  }
0x6f: {  	_ =	shalt  }
0x70: {  	_ =	shalt  }
0x71: {  	_ =	shalt  }
0x72: {  	_ =	shalt  }
0x73: {  	_ =	shalt  }
0x74: {  	_ =	shalt  }
0x75: {  	_ =	shalt  }
0x76: {  	_ =	shalt  }
0x77: {  	_ =	shalt  }
0x78: {  	_ =	shalt  }
0x79: {  	_ =	shalt  }
0x7a: {  	_ =	shalt  }
0x7b: {  	_ =	shalt  }
0x7c: {  	_ =	shalt  }
0x7d: {  	_ =	shalt  }
0x7e: {  	_ =	shalt  }
0x7f: {  	_ =	shalt  }
0x80: {  	_ =	shalt  }
0x81: {  	_ =	shalt  }
0x82: {  	_ =	shalt  }
0x83: {  	_ =	shalt  }
0x84: {  	_ =	shalt  }
0x85: {  	_ =	shalt  }
0x86: {  	_ =	shalt  }
0x87: {  	_ =	shalt  }
.Lfunc_end0:
.L_simem_size_0:
called_computation.3_lowered:
.L_overlay_start_0:
0x88: {  	s2 =	sld [smem:$0x3FD9]  }
0x89: {  	s3 =	sld [smem:$0x3FFE];
	_ =	sdelay $0x1  }
0x8a: {  	s1 =	srdreg.scid  }
0x8b: {  	s0 =	sand.u32 $0x1, s1  }
0x8c: {  	s17 =	sshll.u32 s0, $0xA;
	s2 =	sadd.s32 s3, s2  }
0x8d: {  	s2 =	sadd.s32 s2, s17  }
0x8e: {  	[smem:$0x3FC0] =	sst s2  }
0x8f: {  	_ = 	snop  }
0x90: {  	s18 =	sld [smem:$0x3FC9];
	(tm) =	ssettm $0x1  }
0x91: {  	s19 =	sld [smem:$0x3FFB];
	_ =	sdelay $0x3  }
0x92: {  	_ =	strace s19  }
0x93: {  	s2 =	sld [smem:$0x3FFC];
	_ =	sdelay $0x3  }
0x94: {  	_ =	strace s2  }
0x95: {  	s2 =	sld [smem:$0x3FFD];
	_ =	sdelay $0x3  }
0x96: {  	_ =	strace s2  }
0x97: {  	_ =	strace $0x8FFFFFFF  }
0x98: {  	s20 =	sld [smem:$0x3FDB];
	_ =	sdelay $0x1  }
0x99: {  	s4 =	simm.s32 $_scs_section_size  }
0x9a: {  	s5 =	simm.s32 $_size__tile_overlayer_lowered;
	s6 =	simm.s32 $_tile_overlayer_lowered  }
0x9b: {  	s7 =	simm.s32 $0x1BFF;
	s21 =	sshll.u32 s6, $0x1;
	s4 =	sadd.s32 s4, s20  }
0x9c: {  	s22 =	simm.s32 $0x0;
	s5 =	sshll.u32 s5, $0x1;
	s6 =	sadd.s32 s21, s4  }
0x9d: {  	[timem:s22], [sflag:s7] =	dma.local [hbm:s6], s5  }
0x9e: {  	_ =	swait.ge [sflag:s7], s5  }
0x9f: {  	s5 =	ssub.s32 $0x0, s5;
	[sflag:s7] =	ssyncset.done $0x0  }
0xa0: {  	[sflag:s7] =	ssyncadd.s32 s5;
	_ =	sdelay $0x1  }
0xa1: {  	s23 =	simm.s32 $0x1B8B  }
0xa2: {  	_ =	swait.ge [sflag:s23], $0x1  }
0xa3: {  	[sflag:s23] =	ssyncset.done $0x0  }
0xa4: {  	[sflag:s23] =	ssyncadd.s32 $0xFFFFFFFF  }
0xa5: {  	s5 =	sld [smem:$0x0]  }
0xa6: {  	s6 =	sand.u32 $0xFFFFFFFE, s1  }
0xa7: {  	p0 =	sne.s32 s1, s6  }
0xa8: {  	s6 =	sshll.u32 @p0 s6, $0xE  }
0xa9: {  	s6 =	sadd.s32 @p0 $0x11B8D, s6;
	s7 =	sshll.u32 @p0 s5, $0x11  }
0xaa: {  	s6 =	sor.u32 @p0 s7, s6  }
0xab: {  	[sflag:s6] =	ssyncadd.remote.s32 @p0 $0x1;
	_ =	sdelay $0x1  }
0xac: {  	s6 =	simm.s32 @p0 $0x1B8D  }
0xad: {  	_ =	swait.eq @p0 [sflag:s6], $0x1  }
0xae: {  	[sflag:s6] =	ssyncadd.s32 @p0 $0xFFFFFFFF  }
0xaf: {  	s7 =	sshll.u32 @!p0 s1, $0xE  }
0xb0: {  	s7 =	sor.u32 @!p0 $0x4000, s7;
	s6 =	simm.s32 @!p0 $0x1B8D  }
0xb1: {  	s5 =	sshll.u32 @!p0 s5, $0x11;
	s7 =	sadd.s32 @!p0 $0x11B8D, s7;
	_ =	swait.eq @!p0 [sflag:s6], $0x1  }
0xb2: {  	s5 =	sor.u32 @!p0 s5, s7;
	[sflag:s6] =	ssyncadd.s32 @!p0 $0xFFFFFFFF  }
0xb3: {  	s25 =	simm.s32 $0x1B8E;
	s24 =	sld [smem:$0x3FFE];
	[sflag:s5] =	ssyncadd.remote.s32 @!p0 $0x1  }
0xb4: {  	s26 =	simm.s32 $execute0_lowered;
	[smem:$0x3FD2] =	sst s25  }
0xb5: {  	s6 =	sshll.u32 s26, $0x1;
	_ =	strace $0x8000004F;
	[dreg:$0x1] =	wrdreg $0xFFFFFFFF  }
0xb6: {  	s28 =	simm.s32 $_size_execute0_lowered;
	s4 =	sadd.s32 s4, s6;
	[dreg:$0x0] =	wrdreg $0x0  }
0xb7: {  	s6 =	sshll.u32 s28, $0x1;
	[dreg:$0x2] =	wrdreg s4  }
0xb8: {  	[dreg:$0x3] =	wrdreg s6  }
0xb9: {  	[dreg:$0x4] =	wrdreg $0xC0  }
0xba: {  	_ =	task [dreg:s22], $0x5FFFF  }
0xbb: {  	[dreg:$0x1] =	wrdreg $0xFFFFFFFF  }
0xbc: {  	[dreg:$0x0] =	wrdreg $0x60  }
0xbd: {  	[dreg:$0x2] =	wrdreg s18  }
0xbe: {  	[dreg:$0x3] =	wrdreg s24  }
0xbf: {  	[dreg:$0x4] =	wrdreg $0xC  }
0xc0: {  	_ =	task.clear_ibuf [dreg:s22], $0x5FFFF;
	_ =	strace $0x9000004F  }
0xc1: {  	s29 =	simm.s32 $0xC;
	_ =	strace $0x80000051  }
0xc2: {  	_ =	swait.ge [sflag:s29], $0x1  }
0xc3: {  	[sflag:s29] =	ssyncadd.s32 $0xFFFFFFFF  }
0xc4: {  	_ =	strace $0x90000051  }
0xc5: {  	_ =	sfence  }
0xc6: {  	s30 =	sld [smem:$0x0];
	_ =	sdelay $0x2  }
0xc7: {  	s31 =	sshll.u32 s1, $0xD;
	s1 =	sshrl.u32 s1, $0x2  }
0xc8: {  	s4 =	sand.u32 $0x4000, s31;
	s1 =	sadd.s32 s1, s30  }
0xc9: {  	s0 =	sor.u32 s4, s0;
	s1 =	sshll.u32 s1, $0x11  }
0xca: {  	s0 =	sor.u32 s1, s0  }
0xcb: {  	s0 =	sadd.s32 $0x8F2B, s0  }
0xcc: {  	[sflag:s0] =	ssyncadd.remote.s32 $0x1  }
0xcd: {  	_ =	sfence.sel $0xFFFF  }
0xce: {  	[dreg:$0x0] =	wrdreg $0xFFFFFFFF;
	(pc) =	sbr.abs _section_cstart, $3  }
0xcf: {  	[dreg:$0x1] =	wrdreg $0xFFFFFFFF  }
0xd0: {  	_ =	task.clear_ibuf [dreg:s22], $0x2FFFF;
	_ =	strace $0x9FFFFFFF  }
0xd1: {  	(tm) =	ssettm $0x7FFFFFFF  }
tec
execute0_lowered:
.L_overlay_start_1:
0x0: {  	(tag) =	ssettag $0x1  }
0x1: {  	s3 =	rddreg [dreg:$0x0]  }
0x2: {  	s22 =	rddreg [dreg:$0x1];
	s2 =	srdreg.scid  }
0x3: {  	s0 =	rddreg [dreg:$0x2];
	s1 =	stileid.u32;
	s23 =	sand.u32 $0x1, s2  }
0x4: {  	s2 =	simm.s32 $0x0;
	s4 =	sshll.u32 s1, $0x7;
	s5 =	sshll.u32 s23, $0x6  }
0x5: {  	[smem:$0x7FF] =	sst s2;
	s24 =	sor.u32 s5, s4  }
0x6: {  	_ =	strace $0x80000050;
	s4 =	sadd.s32 s3, s24;
	s3 =	simm.s32 $0x2  }
0x7: {  	[tilespmem:s2], [sflag:$0x2] =	stream.linear.gather [hbm4b:s4+s2], $0x200, $0x38;
	[tilespmem:$0x1200] =	vst v63  }
0x8: {  	_ =	swait.ge [sflag:s3], $0x200  }
0x9: {  	[sflag:s3] =	ssyncset.done $0x0  }
0xa: {  	s6 =	simm.s32 $0x200;
	s5 =	sadd.s32 $0x99000, s22;
	[sflag:s3] =	ssyncadd.s32 $0xFFFFFE00  }
0xb: {  	[tilespmem:s6], [sflag:$0x1] =	stream.indirect.gather [hbm4b:s5+s6], $0x1, s2, s6, $0xb8;
	[tilespmem:$0x1200] =	vst v63  }
0xc: {  	s8 =	simm.s32 $0x400;
	s7 =	sadd.s32 $0x9F1A8, s22  }
0xd: {  	[tilespmem:s8], [sflag:$0x1] =	stream.indirect.gather [hbm4b:s7+s6], $0x1, s2, s6, $0xb8;
	[tilespmem:$0x1200] =	vst v63  }
0xe: {  	s10 =	simm.s32 $0x600;
	s9 =	sadd.s32 $0xA5350, s22  }
0xf: {  	[tilespmem:s10], [sflag:$0x1] =	stream.indirect.gather [hbm4b:s9+s6], $0x1, s2, s6, $0xb8;
	[tilespmem:$0x1200] =	vst v63  }
0x10: {  	s12 =	simm.s32 $0x800;
	s11 =	sadd.s32 $0xAB4F8, s22  }
0x11: {  	[tilespmem:s12], [sflag:$0x1] =	stream.indirect.gather [hbm4b:s11+s6], $0x1, s2, s6, $0xb8;
	[tilespmem:$0x1200] =	vst v63  }
0x12: {  	s14 =	simm.s32 $0xA00;
	s13 =	sadd.s32 $0xB16A0, s22  }
0x13: {  	[tilespmem:s14], [sflag:$0x1] =	stream.indirect.gather [hbm4b:s13+s6], $0x1, s2, s6, $0xb8;
	[tilespmem:$0x1200] =	vst v63  }
0x14: {  	s16 =	simm.s32 $0xC00;
	s15 =	sadd.s32 $0xB7848, s22  }
0x15: {  	[tilespmem:s16], [sflag:$0x1] =	stream.indirect.gather [hbm4b:s15+s6], $0x1, s2, s6, $0xb8;
	[tilespmem:$0x1200] =	vst v63  }
0x16: {  	s18 =	simm.s32 $0xE00;
	s17 =	sadd.s32 $0xBD9F0, s22  }
0x17: {  	[tilespmem:s18], [sflag:$0x1] =	stream.indirect.gather [hbm4b:s17+s6], $0x1, s2, s6, $0xb8;
	[tilespmem:$0x1200] =	vst v63  }
0x18: {  	s20 =	simm.s32 $0x1000;
	s21 =	simm.s32 $0x1;
	s19 =	sadd.s32 $0xC3B98, s22  }
0x19: {  	[tilespmem:s20], [sflag:$0x1] =	stream.indirect.gather [hbm4b:s19+s6], $0x1, s2, s6, $0xb8;
	[tilespmem:$0x1200] =	vst v63  }
0x1a: {  	_ =	swait.ge [sflag:s21], $0x200  }
0x1b: {  	[sflag:s21] =	ssyncset.done $0x0  }
0x1c: {  	[sflag:s21] =	ssyncadd.s32 $0xFFFFFE00  }
0x1d: {  	_ =	swait.ge [sflag:s21], $0x200  }
0x1e: {  	[sflag:s21] =	ssyncset.done $0x0  }
0x1f: {  	[sflag:s21] =	ssyncadd.s32 $0xFFFFFE00  }
0x20: {  	_ =	swait.ge [sflag:s21], $0x200  }
0x21: {  	[sflag:s21] =	ssyncset.done $0x0  }
0x22: {  	[sflag:s21] =	ssyncadd.s32 $0xFFFFFE00  }
0x23: {  	_ =	swait.ge [sflag:s21], $0x200  }
0x24: {  	[sflag:s21] =	ssyncset.done $0x0  }
0x25: {  	[sflag:s21] =	ssyncadd.s32 $0xFFFFFE00  }
0x26: {  	_ =	swait.ge [sflag:s21], $0x200  }
0x27: {  	[sflag:s21] =	ssyncset.done $0x0  }
0x28: {  	[sflag:s21] =	ssyncadd.s32 $0xFFFFFE00  }
0x29: {  	_ =	swait.ge [sflag:s21], $0x200  }
0x2a: {  	[sflag:s21] =	ssyncset.done $0x0  }
0x2b: {  	s23 =	ssub.s32 $0x2, s23;
	[sflag:s21] =	ssyncadd.s32 $0xFFFFFE00  }
0x2c: {  	s31 =	sshrl.u32 s23, $0x1;
	_ =	swait.ge [sflag:s21], $0x200  }
0x2d: {  	s23 =	ssub.s32 s23, s31;
	[sflag:s21] =	ssyncset.done $0x0  }
0x2e: {  	s22 =	sadd.s32 s24, s22;
	s24 =	smax.u32 s23, $0x1;
	[sflag:s21] =	ssyncadd.s32 $0xFFFFFE00  }
0x2f: {  	p0 =	sne.s32 s24, $0x1;
	_ =	swait.ge [sflag:s21], $0x200  }
.Ltmp0:
0x30: {  	[sflag:s21] =	ssyncset.done $0x0;
	(pc) =	sbr.rel @!p0 .LBB2_2-.Ltmp0, $4  }
0x31: {  	s22 =	sadd.s32 $0xC9E00, s22;
	s23 =	simm.s32 $0x4000;
	[sflag:s21] =	ssyncadd.s32 $0xFFFFFE00  }
0x32: {  	[hbm4b:s22+s6] =	stream.strided.scatter [tilespmem:s6], [sflag:$0x2], $0x1000, s23, s6, $0x38;
	[tilespmem:$0x1200] =	vst v63  }
0x33: {  	_ =	swait.ge [sflag:s3], $0x1000  }
0x34: {  	s24 =	sadd.s32 $0xFFFFFFFF, s24;
	[sflag:s3] =	ssyncset.done $0x0  }
.LBB2_1:
0x35: {  	p0 =	sne.s32 s24, $0x1;
	s24 =	sadd.s32 $0xFFFFFFFF, s24;
	[sflag:s3] =	ssyncadd.s32 $0xFFFFF000  }
0x36: {  	[tilespmem:s2], [sflag:$0x2] =	stream.linear.gather [hbm4b:s4+s2], $0x200, $0x38;
	[tilespmem:$0x1200] =	vst v63  }
0x37: {  	_ =	swait.ge [sflag:s3], $0x200  }
0x38: {  	[sflag:s3] =	ssyncset.done $0x0  }
0x39: {  	[sflag:s3] =	ssyncadd.s32 $0xFFFFFE00  }
0x3a: {  	[tilespmem:s6], [sflag:$0x1] =	stream.indirect.gather [hbm4b:s5+s6], $0x1, s2, s6, $0xb8;
	[tilespmem:$0x1200] =	vst v63  }
0x3b: {  	_ = 	snop  }
0x3c: {  	[tilespmem:s8], [sflag:$0x1] =	stream.indirect.gather [hbm4b:s7+s6], $0x1, s2, s6, $0xb8;
	[tilespmem:$0x1200] =	vst v63  }
0x3d: {  	_ = 	snop  }
0x3e: {  	[tilespmem:s10], [sflag:$0x1] =	stream.indirect.gather [hbm4b:s9+s6], $0x1, s2, s6, $0xb8;
	[tilespmem:$0x1200] =	vst v63  }
0x3f: {  	_ = 	snop  }
0x40: {  	[tilespmem:s12], [sflag:$0x1] =	stream.indirect.gather [hbm4b:s11+s6], $0x1, s2, s6, $0xb8;
	[tilespmem:$0x1200] =	vst v63  }
0x41: {  	_ = 	snop  }
0x42: {  	[tilespmem:s14], [sflag:$0x1] =	stream.indirect.gather [hbm4b:s13+s6], $0x1, s2, s6, $0xb8;
	[tilespmem:$0x1200] =	vst v63  }
0x43: {  	_ = 	snop  }
0x44: {  	[tilespmem:s16], [sflag:$0x1] =	stream.indirect.gather [hbm4b:s15+s6], $0x1, s2, s6, $0xb8;
	[tilespmem:$0x1200] =	vst v63  }
0x45: {  	_ = 	snop  }
0x46: {  	[tilespmem:s18], [sflag:$0x1] =	stream.indirect.gather [hbm4b:s17+s6], $0x1, s2, s6, $0xb8;
	[tilespmem:$0x1200] =	vst v63  }
0x47: {  	_ = 	snop  }
0x48: {  	[tilespmem:s20], [sflag:$0x1] =	stream.indirect.gather [hbm4b:s19+s6], $0x1, s2, s6, $0xb8;
	[tilespmem:$0x1200] =	vst v63  }
0x49: {  	_ =	swait.ge [sflag:s21], $0x200  }
0x4a: {  	[sflag:s21] =	ssyncset.done $0x0  }
0x4b: {  	[sflag:s21] =	ssyncadd.s32 $0xFFFFFE00  }
0x4c: {  	_ =	swait.ge [sflag:s21], $0x200  }
0x4d: {  	[sflag:s21] =	ssyncset.done $0x0  }
0x4e: {  	[sflag:s21] =	ssyncadd.s32 $0xFFFFFE00  }
0x4f: {  	_ =	swait.ge [sflag:s21], $0x200  }
0x50: {  	[sflag:s21] =	ssyncset.done $0x0  }
0x51: {  	[sflag:s21] =	ssyncadd.s32 $0xFFFFFE00  }
0x52: {  	_ =	swait.ge [sflag:s21], $0x200  }
0x53: {  	[sflag:s21] =	ssyncset.done $0x0  }
0x54: {  	[sflag:s21] =	ssyncadd.s32 $0xFFFFFE00  }
0x55: {  	_ =	swait.ge [sflag:s21], $0x200  }
0x56: {  	[sflag:s21] =	ssyncset.done $0x0  }
0x57: {  	[sflag:s21] =	ssyncadd.s32 $0xFFFFFE00  }
0x58: {  	_ =	swait.ge [sflag:s21], $0x200  }
0x59: {  	[sflag:s21] =	ssyncset.done $0x0  }
0x5a: {  	[sflag:s21] =	ssyncadd.s32 $0xFFFFFE00  }
0x5b: {  	_ =	swait.ge [sflag:s21], $0x200  }
0x5c: {  	[sflag:s21] =	ssyncset.done $0x0  }
0x5d: {  	[sflag:s21] =	ssyncadd.s32 $0xFFFFFE00  }
0x5e: {  	_ =	swait.ge [sflag:s21], $0x200  }
.Ltmp1:
0x5f: {  	[sflag:s21] =	ssyncset.done $0x0;
	(pc) =	sbr.rel @p0 .LBB2_1-.Ltmp1, $4  }
0x60: {  	[sflag:s21] =	ssyncadd.s32 $0xFFFFFE00  }
0x61: {  	[hbm4b:s22+s6] =	stream.strided.scatter [tilespmem:s6], [sflag:$0x2], $0x1000, s23, s6, $0x38;
	[tilespmem:$0x1200] =	vst v63  }
0x62: {  	_ =	swait.ge [sflag:s3], $0x1000  }
0x63: {  	[sflag:s3] =	ssyncset.done $0x0  }
.LBB2_2:
0x64: {  	[sflag:s3] =	ssyncadd.s32 $0xFFFFF000  }
0x65: {  	_ =	sfence.sel $0x180000  }
0x66: {  	[bflag:$0x0] =	sbarrier.arrive $0xFFFF  }
0x67: {  	p0 =	sne.s32 s1, $0x0;
	_ =	strace $0x90000050  }
0x68: {  	s0 =	sadd.s32 @!p0 $0x100000, s0;
	[bflag:$0x2] =	sbarrier.arrive $0xFFFF  }
0x69: {  	[sflag:s0] =	ssyncadd.tile.s32 @!p0 $0x1;
	_ =	shalt  }
.Lfunc_end2:
_tile_overlayer_lowered:
.L_overlay_start_2:
0x6a: {  	(tag) =	ssettag $0x2  }
0x6b: {  	s0 =	rddreg [dreg:$0x0];
	s2 =	stileid.u32  }
0x6c: {  	s1 =	rddreg [dreg:$0x1];
	p0 =	sne.s32 s2, $0x0  }
0x6d: {  	s3 =	rddreg [dreg:$0x2];
	[bflag:$0x3] =	sbarrier.arrive $0xFFFF;
	s2 =	simm.s32 @!p0 $0x1C02  }
0x6e: {  	[timem:s3], [sflag:s2] =	dma.local @!p0 [hbm:s0], s1  }
0x6f: {  	s0 =	simm.s32 @!p0 $0x2  }
0x70: {  	_ =	swait.ge @!p0 [sflag:s0], s1  }
0x71: {  	s1 =	ssub.s32 @!p0 $0x0, s1;
	[sflag:s0] =	ssyncset.done @!p0 $0x0  }
0x72: {  	[sflag:s0] =	ssyncadd.s32 @!p0 s1  }
0x73: {  	[bflag:$0x3] =	sbarrier.arrive $0xFFFF  }
0x74: {  	_ =	shalt  }

// kernel: kernel.20.cloned.1.call-start
scs
__scs_entry_jumppad:
0x0: {  	(pc) =	sbr.rel $0x88, $3  }
0x1: {  	(tag) =	ssettag $0x0;
	lr =	simm.s32 $0x1  }
0x2: {  	[smem:$0x3F99] =	sst lr;
	_ =	strace $0xD0000000  }
0x3: {  	_ = 	snop  }
0x4: {  	_ = 	snop  }
0x5: {  	_ = 	snop  }
0x6: {  	_ = 	snop  }
0x7: {  	_ = 	snop  }
__scs_overlays_trampoline_lowered:
0x8: {  	[smem:$0x3FA8] =	sst s0  }
0x9: {  	[smem:$0x3FA9] =	sst s1  }
0xa: {  	[smem:$0x3FAA] =	sst s2  }
0xb: {  	[smem:$0x3FAB] =	sst s3  }
0xc: {  	[smem:$0x3FAC] =	sst s4  }
0xd: {  	[smem:$0x3FAD] =	sst s5  }
0xe: {  	[smem:$0x3FAE] =	sst s6  }
0xf: {  	[smem:$0x3FAF] =	sst s7  }
0x10: {  	[smem:$0x3FB0] =	sst s8  }
0x11: {  	[smem:$0x3FB1] =	sst s9;
	s0 =	simm.s32 @!p0 $0x0  }
0x12: {  	s1 =	sld [smem:$0x3F97];
	s0 =	simm.s32 @p0 $0x1  }
0x13: {  	[smem:$0x3FB2] =	sst s0;
	s0 =	simm.s32 @!p1 $0x0  }
0x14: {  	s2 =	sld [smem:$0x3F96];
	s0 =	simm.s32 @p1 $0x1  }
0x15: {  	[smem:$0x3FB3] =	sst s0;
	s0 =	simm.s32 @!p2 $0x0  }
0x16: {  	s3 =	sld [smem:$0x3FDB];
	s0 =	simm.s32 @p2 $0x1  }
0x17: {  	s4 =	simm.s32 $0x1BF5;
	[smem:$0x3FB5] =	sst s0  }
0x18: {  	s0 =	sld [smem:$0x3F98];
	_ =	swait.ge [sflag:s4], $0x0  }
0x19: {  	s7 =	sld [smem:$0x3F99]  }
0x1a: {  	s8 =	sadd.s32 $0xFFFFE003, lr  }
0x1b: {  	s9 =	sadd.s32 $0xFFFFFEF7, lr;
	s5 =	simm.s32 $0xFFFFFFFF;
	p2 =	slt.u32 s8, $0xFFFFF086  }
0x1c: {  	p1 =	slt.u32 s9, $0xF7A;
	s5 =	simm.s32 @!p2 $0x0  }
0x1d: {  	s5 =	simm.s32 @p1 $0x1;
	p0 =	seq.s32 s7, s2  }
0x1e: {  	s7 =	smul.u32 @!p0 $0xF7A, s2;
	p2 =	seq.s32 @!p0 s5, $0x0  }
0x1f: {  	s9 =	smul.u32 $0xF7A, s1;
	s8 =	simm.s32 @!p0 $0x1BF5;
	p2 =	por !p2, p0  }
0x20: {  	[sflag:s8] =	ssyncset.s32 @!p0 $0xFFFFF086;
	s6 =	sadd.s32 @!p0 s3, s7;
	s7 =	simm.s32 @!p0 $0x108  }
0x21: {  	s3 =	sadd.s32 s3, s9;
	s6 =	sadd.s32 @!p0 $0x88, s6;
	s7 =	simm.s32 @p2 $0x1082  }
0x22: {  	[simem:s7], [sflag:s8] =	dma.local @!p0 [hbm:s6], $0xF7A  }
0x23: {  	s9 =	sor.u32 $0xD0000000, s2;
	s6 =	simm.s32 $0x108;
	_ =	swait.ge @!p0 [sflag:s8], $0x0  }
0x24: {  	s3 =	sadd.s32 $0x88, s3;
	s6 =	simm.s32 @!p1 $0x1082;
	[sflag:s4] =	ssyncset.s32 $0xFFFFF086  }
0x25: {  	[simem:s6], [sflag:s4] =	dma.local [hbm:s3], $0xF7A  }
0x26: {  	[smem:$0x3F99] =	sst s1;
	(tag) =	ssettag s2;
	_ =	strace s9  }
0x27: {  	s1 =	sld [smem:$0x3FA9]  }
0x28: {  	s2 =	sld [smem:$0x3FAA]  }
0x29: {  	s4 =	sld [smem:$0x3FAC]  }
0x2a: {  	p0 =	seq.s32 s5, $0x0;
	s5 =	sld [smem:$0x3FAD]  }
0x2b: {  	s6 =	sld [smem:$0x3FAE]  }
0x2c: {  	s7 =	sld [smem:$0x3FAF]  }
0x2d: {  	s3 =	simm.s32 $0x108;
	s8 =	sld [smem:$0x3FB0]  }
0x2e: {  	s3 =	simm.s32 @!p0 $0x1082;
	s9 =	sld [smem:$0x3FB1]  }
0x2f: {  	lr =	sadd.s32 s0, s3;
	s0 =	sld [smem:$0x3FA8]  }
0x30: {  	s3 =	sld [smem:$0x3FAB]  }
0x31: {  	[smem:$0x3FB4] =	sst s10  }
0x32: {  	s10 =	sld [smem:$0x3FB2];
	_ =	sdelay $0x3  }
0x33: {  	p0 =	seq.s32 s10, $0x1;
	s10 =	sld [smem:$0x3FB4];
	_ =	sdelay $0x3  }
0x34: {  	[smem:$0x3FB4] =	sst s10  }
0x35: {  	s10 =	sld [smem:$0x3FB3];
	_ =	sdelay $0x3  }
0x36: {  	p1 =	seq.s32 s10, $0x1;
	s10 =	sld [smem:$0x3FB4];
	_ =	sdelay $0x3  }
0x37: {  	[smem:$0x3FB4] =	sst s10  }
0x38: {  	s10 =	sld [smem:$0x3FB5]  }
0x39: {  	_ = 	snop;
	(pc) =	sbr.ind lr, $3  }
0x3a: {  	_ = 	snop  }
0x3b: {  	_ = 	snop  }
0x3c: {  	p2 =	seq.s32 s10, $0x1;
	s10 =	sld [smem:$0x3FB4]  }
0x3d: {  	_ =	shalt  }
0x3e: {  	_ =	shalt  }
0x3f: {  	_ =	shalt  }
0x40: {  	_ =	shalt  }
0x41: {  	_ =	shalt  }
0x42: {  	_ =	shalt  }
0x43: {  	_ =	shalt  }
0x44: {  	_ =	shalt  }
0x45: {  	_ =	shalt  }
0x46: {  	_ =	shalt  }
0x47: {  	_ =	shalt  }
0x48: {  	_ =	shalt  }
0x49: {  	_ =	shalt  }
0x4a: {  	_ =	shalt  }
0x4b: {  	_ =	shalt  }
0x4c: {  	_ =	shalt  }
0x4d: {  	_ =	shalt  }
0x4e: {  	_ =	shalt  }
0x4f: {  	_ =	shalt  }
0x50: {  	_ =	shalt  }
0x51: {  	_ =	shalt  }
0x52: {  	_ =	shalt  }
0x53: {  	_ =	shalt  }
0x54: {  	_ =	shalt  }
0x55: {  	_ =	shalt  }
0x56: {  	_ =	shalt  }
0x57: {  	_ =	shalt  }
0x58: {  	_ =	shalt  }
0x59: {  	_ =	shalt  }
0x5a: {  	_ =	shalt  }
0x5b: {  	_ =	shalt  }
0x5c: {  	_ =	shalt  }
0x5d: {  	_ =	shalt  }
0x5e: {  	_ =	shalt  }
0x5f: {  	_ =	shalt  }
0x60: {  	_ =	shalt  }
0x61: {  	_ =	shalt  }
0x62: {  	_ =	shalt  }
0x63: {  	_ =	shalt  }
0x64: {  	_ =	shalt  }
0x65: {  	_ =	shalt  }
0x66: {  	_ =	shalt  }
0x67: {  	_ =	shalt  }
0x68: {  	_ =	shalt  }
0x69: {  	_ =	shalt  }
0x6a: {  	_ =	shalt  }
0x6b: {  	_ =	shalt  }
0x6c: {  	_ =	shalt  }
0x6d: {  	_ =	shalt  }
0x6e: {  	_ =	shalt  }
0x6f: {  	_ =	shalt  }
0x70: {  	_ =	shalt  }
0x71: {  	_ =	shalt  }
0x72: {  	_ =	shalt  }
0x73: {  	_ =	shalt  }
0x74: {  	_ =	shalt  }
0x75: {  	_ =	shalt  }
0x76: {  	_ =	shalt  }
0x77: {  	_ =	shalt  }
0x78: {  	_ =	shalt  }
0x79: {  	_ =	shalt  }
0x7a: {  	_ =	shalt  }
0x7b: {  	_ =	shalt  }
0x7c: {  	_ =	shalt  }
0x7d: {  	_ =	shalt  }
0x7e: {  	_ =	shalt  }
0x7f: {  	_ =	shalt  }
0x80: {  	_ =	shalt  }
0x81: {  	_ =	shalt  }
0x82: {  	_ =	shalt  }
0x83: {  	_ =	shalt  }
0x84: {  	_ =	shalt  }
0x85: {  	_ =	shalt  }
0x86: {  	_ =	shalt  }
0x87: {  	_ =	shalt  }
.Lfunc_end0:
.L_simem_size_0:
called_computation.4_lowered:
.L_overlay_start_0:
0x88: {  	s2 =	sld [smem:$0x3FD9]  }
0x89: {  	s3 =	sld [smem:$0x3FFE];
	_ =	sdelay $0x1  }
0x8a: {  	s1 =	srdreg.scid  }
0x8b: {  	s0 =	sand.u32 $0x1, s1  }
0x8c: {  	s17 =	sshll.u32 s0, $0xA;
	s2 =	sadd.s32 s3, s2  }
0x8d: {  	s2 =	sadd.s32 s2, s17  }
0x8e: {  	[smem:$0x3FC0] =	sst s2  }
0x8f: {  	_ = 	snop  }
0x90: {  	s18 =	sld [smem:$0x3FC9];
	(tm) =	ssettm $0x1  }
0x91: {  	s19 =	sld [smem:$0x3FFB];
	_ =	sdelay $0x3  }
0x92: {  	_ =	strace s19  }
0x93: {  	s2 =	sld [smem:$0x3FFC];
	_ =	sdelay $0x3  }
0x94: {  	_ =	strace s2  }
0x95: {  	s2 =	sld [smem:$0x3FFD];
	_ =	sdelay $0x3  }
0x96: {  	_ =	strace s2  }
0x97: {  	_ =	strace $0x8FFFFFFF  }
0x98: {  	s20 =	sld [smem:$0x3FDB];
	_ =	sdelay $0x1  }
0x99: {  	s4 =	simm.s32 $_scs_section_size  }
0x9a: {  	s5 =	simm.s32 $_size__tile_overlayer_lowered;
	s6 =	simm.s32 $_tile_overlayer_lowered  }
0x9b: {  	s7 =	simm.s32 $0x1BFF;
	s21 =	sshll.u32 s6, $0x1;
	s4 =	sadd.s32 s4, s20  }
0x9c: {  	s22 =	simm.s32 $0x0;
	s5 =	sshll.u32 s5, $0x1;
	s6 =	sadd.s32 s21, s4  }
0x9d: {  	[timem:s22], [sflag:s7] =	dma.local [hbm:s6], s5  }
0x9e: {  	_ =	swait.ge [sflag:s7], s5  }
0x9f: {  	s5 =	ssub.s32 $0x0, s5;
	[sflag:s7] =	ssyncset.done $0x0  }
0xa0: {  	[sflag:s7] =	ssyncadd.s32 s5;
	_ =	sdelay $0x1  }
0xa1: {  	s23 =	simm.s32 $0x1B8B  }
0xa2: {  	_ =	swait.ge [sflag:s23], $0x1  }
0xa3: {  	[sflag:s23] =	ssyncset.done $0x0  }
0xa4: {  	[sflag:s23] =	ssyncadd.s32 $0xFFFFFFFF  }
0xa5: {  	s5 =	sld [smem:$0x0]  }
0xa6: {  	s6 =	sand.u32 $0xFFFFFFFE, s1  }
0xa7: {  	p0 =	sne.s32 s1, s6  }
0xa8: {  	s6 =	sshll.u32 @p0 s6, $0xE  }
0xa9: {  	s6 =	sadd.s32 @p0 $0x11B8D, s6;
	s7 =	sshll.u32 @p0 s5, $0x11  }
0xaa: {  	s6 =	sor.u32 @p0 s7, s6  }
0xab: {  	[sflag:s6] =	ssyncadd.remote.s32 @p0 $0x1;
	_ =	sdelay $0x1  }
0xac: {  	s6 =	simm.s32 @p0 $0x1B8D  }
0xad: {  	_ =	swait.eq @p0 [sflag:s6], $0x1  }
0xae: {  	[sflag:s6] =	ssyncadd.s32 @p0 $0xFFFFFFFF  }
0xaf: {  	s7 =	sshll.u32 @!p0 s1, $0xE  }
0xb0: {  	s7 =	sor.u32 @!p0 $0x4000, s7;
	s6 =	simm.s32 @!p0 $0x1B8D  }
0xb1: {  	s5 =	sshll.u32 @!p0 s5, $0x11;
	s7 =	sadd.s32 @!p0 $0x11B8D, s7;
	_ =	swait.eq @!p0 [sflag:s6], $0x1  }
0xb2: {  	s5 =	sor.u32 @!p0 s5, s7;
	[sflag:s6] =	ssyncadd.s32 @!p0 $0xFFFFFFFF  }
0xb3: {  	s25 =	simm.s32 $0x1B8E;
	s24 =	sld [smem:$0x3FFE];
	[sflag:s5] =	ssyncadd.remote.s32 @!p0 $0x1  }
0xb4: {  	s26 =	simm.s32 $execute0_lowered;
	[smem:$0x3FD2] =	sst s25  }
0xb5: {  	s6 =	sshll.u32 s26, $0x1;
	_ =	strace $0x80000052;
	[dreg:$0x1] =	wrdreg $0xFFFFFFFF  }
0xb6: {  	s28 =	simm.s32 $_size_execute0_lowered;
	s4 =	sadd.s32 s4, s6;
	[dreg:$0x0] =	wrdreg $0x0  }
0xb7: {  	s6 =	sshll.u32 s28, $0x1;
	[dreg:$0x2] =	wrdreg s4  }
0xb8: {  	[dreg:$0x3] =	wrdreg s6  }
0xb9: {  	[dreg:$0x4] =	wrdreg $0xC0  }
0xba: {  	_ =	task [dreg:s22], $0x5FFFF  }
0xbb: {  	[dreg:$0x1] =	wrdreg $0xFFFFFFFF  }
0xbc: {  	[dreg:$0x0] =	wrdreg $0x60  }
0xbd: {  	[dreg:$0x2] =	wrdreg s18  }
0xbe: {  	[dreg:$0x3] =	wrdreg s24  }
0xbf: {  	[dreg:$0x4] =	wrdreg $0xD  }
0xc0: {  	_ =	task.clear_ibuf [dreg:s22], $0x5FFFF;
	_ =	strace $0x90000052  }
0xc1: {  	s29 =	simm.s32 $0xD;
	_ =	strace $0x80000054  }
0xc2: {  	_ =	swait.ge [sflag:s29], $0x1  }
0xc3: {  	[sflag:s29] =	ssyncadd.s32 $0xFFFFFFFF  }
0xc4: {  	_ =	strace $0x90000054  }
0xc5: {  	_ =	sfence  }
0xc6: {  	s30 =	sld [smem:$0x0];
	_ =	sdelay $0x2  }
0xc7: {  	s31 =	sshll.u32 s1, $0xD;
	s1 =	sshrl.u32 s1, $0x2  }
0xc8: {  	s4 =	sand.u32 $0x4000, s31;
	s1 =	sadd.s32 s1, s30  }
0xc9: {  	s0 =	sor.u32 s4, s0;
	s1 =	sshll.u32 s1, $0x11  }
0xca: {  	s0 =	sor.u32 s1, s0  }
0xcb: {  	s0 =	sadd.s32 $0x8F2B, s0  }
0xcc: {  	[sflag:s0] =	ssyncadd.remote.s32 $0x1  }
0xcd: {  	_ =	sfence.sel $0xFFFF  }
0xce: {  	[dreg:$0x0] =	wrdreg $0xFFFFFFFF;
	(pc) =	sbr.abs _section_cstart, $3  }
0xcf: {  	[dreg:$0x1] =	wrdreg $0xFFFFFFFF  }
0xd0: {  	_ =	task.clear_ibuf [dreg:s22], $0x2FFFF;
	_ =	strace $0x9FFFFFFF  }
0xd1: {  	(tm) =	ssettm $0x7FFFFFFF  }
tec
execute0_lowered:
.L_overlay_start_1:
0x0: {  	(tag) =	ssettag $0x1  }
0x1: {  	s3 =	rddreg [dreg:$0x0]  }
0x2: {  	s22 =	rddreg [dreg:$0x1];
	s2 =	srdreg.scid  }
0x3: {  	s0 =	rddreg [dreg:$0x2];
	s1 =	stileid.u32;
	s23 =	sand.u32 $0x1, s2  }
0x4: {  	s2 =	simm.s32 $0x0;
	s4 =	sshll.u32 s1, $0x7;
	s5 =	sshll.u32 s23, $0x6  }
0x5: {  	[smem:$0x7FF] =	sst s2;
	s24 =	sor.u32 s5, s4  }
0x6: {  	_ =	strace $0x80000053;
	s4 =	sadd.s32 s3, s24;
	s3 =	simm.s32 $0x2  }
0x7: {  	[tilespmem:s2], [sflag:$0x2] =	stream.linear.gather [hbm4b:s4+s2], $0x200, $0x38;
	[tilespmem:$0x1200] =	vst v63  }
0x8: {  	_ =	swait.ge [sflag:s3], $0x200  }
0x9: {  	[sflag:s3] =	ssyncset.done $0x0  }
0xa: {  	s6 =	simm.s32 $0x200;
	s5 =	sadd.s32 $0xCDE00, s22;
	[sflag:s3] =	ssyncadd.s32 $0xFFFFFE00  }
0xb: {  	[tilespmem:s6], [sflag:$0x1] =	stream.indirect.gather [hbm4b:s5+s6], $0x1, s2, s6, $0xb8;
	[tilespmem:$0x1200] =	vst v63  }
0xc: {  	s8 =	simm.s32 $0x400;
	s7 =	sadd.s32 $0xD3FA8, s22  }
0xd: {  	[tilespmem:s8], [sflag:$0x1] =	stream.indirect.gather [hbm4b:s7+s6], $0x1, s2, s6, $0xb8;
	[tilespmem:$0x1200] =	vst v63  }
0xe: {  	s10 =	simm.s32 $0x600;
	s9 =	sadd.s32 $0xDA150, s22  }
0xf: {  	[tilespmem:s10], [sflag:$0x1] =	stream.indirect.gather [hbm4b:s9+s6], $0x1, s2, s6, $0xb8;
	[tilespmem:$0x1200] =	vst v63  }
0x10: {  	s12 =	simm.s32 $0x800;
	s11 =	sadd.s32 $0xE02F8, s22  }
0x11: {  	[tilespmem:s12], [sflag:$0x1] =	stream.indirect.gather [hbm4b:s11+s6], $0x1, s2, s6, $0xb8;
	[tilespmem:$0x1200] =	vst v63  }
0x12: {  	s14 =	simm.s32 $0xA00;
	s13 =	sadd.s32 $0xE64A0, s22  }
0x13: {  	[tilespmem:s14], [sflag:$0x1] =	stream.indirect.gather [hbm4b:s13+s6], $0x1, s2, s6, $0xb8;
	[tilespmem:$0x1200] =	vst v63  }
0x14: {  	s16 =	simm.s32 $0xC00;
	s15 =	sadd.s32 $0xEC648, s22  }
0x15: {  	[tilespmem:s16], [sflag:$0x1] =	stream.indirect.gather [hbm4b:s15+s6], $0x1, s2, s6, $0xb8;
	[tilespmem:$0x1200] =	vst v63  }
0x16: {  	s18 =	simm.s32 $0xE00;
	s17 =	sadd.s32 $0xF27F0, s22  }
0x17: {  	[tilespmem:s18], [sflag:$0x1] =	stream.indirect.gather [hbm4b:s17+s6], $0x1, s2, s6, $0xb8;
	[tilespmem:$0x1200] =	vst v63  }
0x18: {  	s20 =	simm.s32 $0x1000;
	s21 =	simm.s32 $0x1;
	s19 =	sadd.s32 $0xF8998, s22  }
0x19: {  	[tilespmem:s20], [sflag:$0x1] =	stream.indirect.gather [hbm4b:s19+s6], $0x1, s2, s6, $0xb8;
	[tilespmem:$0x1200] =	vst v63  }
0x1a: {  	_ =	swait.ge [sflag:s21], $0x200  }
0x1b: {  	[sflag:s21] =	ssyncset.done $0x0  }
0x1c: {  	[sflag:s21] =	ssyncadd.s32 $0xFFFFFE00  }
0x1d: {  	_ =	swait.ge [sflag:s21], $0x200  }
0x1e: {  	[sflag:s21] =	ssyncset.done $0x0  }
0x1f: {  	[sflag:s21] =	ssyncadd.s32 $0xFFFFFE00  }
0x20: {  	_ =	swait.ge [sflag:s21], $0x200  }
0x21: {  	[sflag:s21] =	ssyncset.done $0x0  }
0x22: {  	[sflag:s21] =	ssyncadd.s32 $0xFFFFFE00  }
0x23: {  	_ =	swait.ge [sflag:s21], $0x200  }
0x24: {  	[sflag:s21] =	ssyncset.done $0x0  }
0x25: {  	[sflag:s21] =	ssyncadd.s32 $0xFFFFFE00  }
0x26: {  	_ =	swait.ge [sflag:s21], $0x200  }
0x27: {  	[sflag:s21] =	ssyncset.done $0x0  }
0x28: {  	[sflag:s21] =	ssyncadd.s32 $0xFFFFFE00  }
0x29: {  	_ =	swait.ge [sflag:s21], $0x200  }
0x2a: {  	[sflag:s21] =	ssyncset.done $0x0  }
0x2b: {  	s23 =	ssub.s32 $0x2, s23;
	[sflag:s21] =	ssyncadd.s32 $0xFFFFFE00  }
0x2c: {  	s31 =	sshrl.u32 s23, $0x1;
	_ =	swait.ge [sflag:s21], $0x200  }
0x2d: {  	s23 =	ssub.s32 s23, s31;
	[sflag:s21] =	ssyncset.done $0x0  }
0x2e: {  	s22 =	sadd.s32 s24, s22;
	s24 =	smax.u32 s23, $0x1;
	[sflag:s21] =	ssyncadd.s32 $0xFFFFFE00  }
0x2f: {  	p0 =	sne.s32 s24, $0x1;
	_ =	swait.ge [sflag:s21], $0x200  }
.Ltmp0:
0x30: {  	[sflag:s21] =	ssyncset.done $0x0;
	(pc) =	sbr.rel @!p0 .LBB2_2-.Ltmp0, $4  }
0x31: {  	s22 =	sadd.s32 $0xFEC00, s22;
	s23 =	simm.s32 $0x4000;
	[sflag:s21] =	ssyncadd.s32 $0xFFFFFE00  }
0x32: {  	[hbm4b:s22+s6] =	stream.strided.scatter [tilespmem:s6], [sflag:$0x2], $0x1000, s23, s6, $0x38;
	[tilespmem:$0x1200] =	vst v63  }
0x33: {  	_ =	swait.ge [sflag:s3], $0x1000  }
0x34: {  	s24 =	sadd.s32 $0xFFFFFFFF, s24;
	[sflag:s3] =	ssyncset.done $0x0  }
.LBB2_1:
0x35: {  	p0 =	sne.s32 s24, $0x1;
	s24 =	sadd.s32 $0xFFFFFFFF, s24;
	[sflag:s3] =	ssyncadd.s32 $0xFFFFF000  }
0x36: {  	[tilespmem:s2], [sflag:$0x2] =	stream.linear.gather [hbm4b:s4+s2], $0x200, $0x38;
	[tilespmem:$0x1200] =	vst v63  }
0x37: {  	_ =	swait.ge [sflag:s3], $0x200  }
0x38: {  	[sflag:s3] =	ssyncset.done $0x0  }
0x39: {  	[sflag:s3] =	ssyncadd.s32 $0xFFFFFE00  }
0x3a: {  	[tilespmem:s6], [sflag:$0x1] =	stream.indirect.gather [hbm4b:s5+s6], $0x1, s2, s6, $0xb8;
	[tilespmem:$0x1200] =	vst v63  }
0x3b: {  	_ = 	snop  }
0x3c: {  	[tilespmem:s8], [sflag:$0x1] =	stream.indirect.gather [hbm4b:s7+s6], $0x1, s2, s6, $0xb8;
	[tilespmem:$0x1200] =	vst v63  }
0x3d: {  	_ = 	snop  }
0x3e: {  	[tilespmem:s10], [sflag:$0x1] =	stream.indirect.gather [hbm4b:s9+s6], $0x1, s2, s6, $0xb8;
	[tilespmem:$0x1200] =	vst v63  }
0x3f: {  	_ = 	snop  }
0x40: {  	[tilespmem:s12], [sflag:$0x1] =	stream.indirect.gather [hbm4b:s11+s6], $0x1, s2, s6, $0xb8;
	[tilespmem:$0x1200] =	vst v63  }
0x41: {  	_ = 	snop  }
0x42: {  	[tilespmem:s14], [sflag:$0x1] =	stream.indirect.gather [hbm4b:s13+s6], $0x1, s2, s6, $0xb8;
	[tilespmem:$0x1200] =	vst v63  }
0x43: {  	_ = 	snop  }
0x44: {  	[tilespmem:s16], [sflag:$0x1] =	stream.indirect.gather [hbm4b:s15+s6], $0x1, s2, s6, $0xb8;
	[tilespmem:$0x1200] =	vst v63  }
0x45: {  	_ = 	snop  }
0x46: {  	[tilespmem:s18], [sflag:$0x1] =	stream.indirect.gather [hbm4b:s17+s6], $0x1, s2, s6, $0xb8;
	[tilespmem:$0x1200] =	vst v63  }
0x47: {  	_ = 	snop  }
0x48: {  	[tilespmem:s20], [sflag:$0x1] =	stream.indirect.gather [hbm4b:s19+s6], $0x1, s2, s6, $0xb8;
	[tilespmem:$0x1200] =	vst v63  }
0x49: {  	_ =	swait.ge [sflag:s21], $0x200  }
0x4a: {  	[sflag:s21] =	ssyncset.done $0x0  }
0x4b: {  	[sflag:s21] =	ssyncadd.s32 $0xFFFFFE00  }
0x4c: {  	_ =	swait.ge [sflag:s21], $0x200  }
0x4d: {  	[sflag:s21] =	ssyncset.done $0x0  }
0x4e: {  	[sflag:s21] =	ssyncadd.s32 $0xFFFFFE00  }
0x4f: {  	_ =	swait.ge [sflag:s21], $0x200  }
0x50: {  	[sflag:s21] =	ssyncset.done $0x0  }
0x51: {  	[sflag:s21] =	ssyncadd.s32 $0xFFFFFE00  }
0x52: {  	_ =	swait.ge [sflag:s21], $0x200  }
0x53: {  	[sflag:s21] =	ssyncset.done $0x0  }
0x54: {  	[sflag:s21] =	ssyncadd.s32 $0xFFFFFE00  }
0x55: {  	_ =	swait.ge [sflag:s21], $0x200  }
0x56: {  	[sflag:s21] =	ssyncset.done $0x0  }
0x57: {  	[sflag:s21] =	ssyncadd.s32 $0xFFFFFE00  }
0x58: {  	_ =	swait.ge [sflag:s21], $0x200  }
0x59: {  	[sflag:s21] =	ssyncset.done $0x0  }
0x5a: {  	[sflag:s21] =	ssyncadd.s32 $0xFFFFFE00  }
0x5b: {  	_ =	swait.ge [sflag:s21], $0x200  }
0x5c: {  	[sflag:s21] =	ssyncset.done $0x0  }
0x5d: {  	[sflag:s21] =	ssyncadd.s32 $0xFFFFFE00  }
0x5e: {  	_ =	swait.ge [sflag:s21], $0x200  }
.Ltmp1:
0x5f: {  	[sflag:s21] =	ssyncset.done $0x0;
	(pc) =	sbr.rel @p0 .LBB2_1-.Ltmp1, $4  }
0x60: {  	[sflag:s21] =	ssyncadd.s32 $0xFFFFFE00  }
0x61: {  	[hbm4b:s22+s6] =	stream.strided.scatter [tilespmem:s6], [sflag:$0x2], $0x1000, s23, s6, $0x38;
	[tilespmem:$0x1200] =	vst v63  }
0x62: {  	_ =	swait.ge [sflag:s3], $0x1000  }
0x63: {  	[sflag:s3] =	ssyncset.done $0x0  }
.LBB2_2:
0x64: {  	[sflag:s3] =	ssyncadd.s32 $0xFFFFF000  }
0x65: {  	_ =	sfence.sel $0x180000  }
0x66: {  	[bflag:$0x0] =	sbarrier.arrive $0xFFFF  }
0x67: {  	p0 =	sne.s32 s1, $0x0;
	_ =	strace $0x90000053  }
0x68: {  	s0 =	sadd.s32 @!p0 $0x100000, s0;
	[bflag:$0x2] =	sbarrier.arrive $0xFFFF  }
0x69: {  	[sflag:s0] =	ssyncadd.tile.s32 @!p0 $0x1;
	_ =	shalt  }
.Lfunc_end2:
_tile_overlayer_lowered:
.L_overlay_start_2:
0x6a: {  	(tag) =	ssettag $0x2  }
0x6b: {  	s0 =	rddreg [dreg:$0x0];
	s2 =	stileid.u32  }
0x6c: {  	s1 =	rddreg [dreg:$0x1];
	p0 =	sne.s32 s2, $0x0  }
0x6d: {  	s3 =	rddreg [dreg:$0x2];
	[bflag:$0x3] =	sbarrier.arrive $0xFFFF;
	s2 =	simm.s32 @!p0 $0x1C02  }
0x6e: {  	[timem:s3], [sflag:s2] =	dma.local @!p0 [hbm:s0], s1  }
0x6f: {  	s0 =	simm.s32 @!p0 $0x2  }
0x70: {  	_ =	swait.ge @!p0 [sflag:s0], s1  }
0x71: {  	s1 =	ssub.s32 @!p0 $0x0, s1;
	[sflag:s0] =	ssyncset.done @!p0 $0x0  }
0x72: {  	[sflag:s0] =	ssyncadd.s32 @!p0 s1  }
0x73: {  	[bflag:$0x3] =	sbarrier.arrive $0xFFFF  }
0x74: {  	_ =	shalt  }

// kernel: kernel.8.cloned.1.call-start
scs
__scs_entry_jumppad:
0x0: {  	(pc) =	sbr.rel $0x88, $3  }
0x1: {  	(tag) =	ssettag $0x0;
	lr =	simm.s32 $0x1  }
0x2: {  	[smem:$0x3F99] =	sst lr;
	_ =	strace $0xD0000000  }
0x3: {  	_ = 	snop  }
0x4: {  	_ = 	snop  }
0x5: {  	_ = 	snop  }
0x6: {  	_ = 	snop  }
0x7: {  	_ = 	snop  }
__scs_overlays_trampoline_lowered:
0x8: {  	[smem:$0x3FA8] =	sst s0  }
0x9: {  	[smem:$0x3FA9] =	sst s1  }
0xa: {  	[smem:$0x3FAA] =	sst s2  }
0xb: {  	[smem:$0x3FAB] =	sst s3  }
0xc: {  	[smem:$0x3FAC] =	sst s4  }
0xd: {  	[smem:$0x3FAD] =	sst s5  }
0xe: {  	[smem:$0x3FAE] =	sst s6  }
0xf: {  	[smem:$0x3FAF] =	sst s7  }
0x10: {  	[smem:$0x3FB0] =	sst s8  }
0x11: {  	[smem:$0x3FB1] =	sst s9;
	s0 =	simm.s32 @!p0 $0x0  }
0x12: {  	s1 =	sld [smem:$0x3F97];
	s0 =	simm.s32 @p0 $0x1  }
0x13: {  	[smem:$0x3FB2] =	sst s0;
	s0 =	simm.s32 @!p1 $0x0  }
0x14: {  	s2 =	sld [smem:$0x3F96];
	s0 =	simm.s32 @p1 $0x1  }
0x15: {  	[smem:$0x3FB3] =	sst s0;
	s0 =	simm.s32 @!p2 $0x0  }
0x16: {  	s3 =	sld [smem:$0x3FDB];
	s0 =	simm.s32 @p2 $0x1  }
0x17: {  	s4 =	simm.s32 $0x1BF5;
	[smem:$0x3FB5] =	sst s0  }
0x18: {  	s0 =	sld [smem:$0x3F98];
	_ =	swait.ge [sflag:s4], $0x0  }
0x19: {  	s7 =	sld [smem:$0x3F99]  }
0x1a: {  	s8 =	sadd.s32 $0xFFFFE003, lr  }
0x1b: {  	s9 =	sadd.s32 $0xFFFFFEF7, lr;
	s5 =	simm.s32 $0xFFFFFFFF;
	p2 =	slt.u32 s8, $0xFFFFF086  }
0x1c: {  	p1 =	slt.u32 s9, $0xF7A;
	s5 =	simm.s32 @!p2 $0x0  }
0x1d: {  	s5 =	simm.s32 @p1 $0x1;
	p0 =	seq.s32 s7, s2  }
0x1e: {  	s7 =	smul.u32 @!p0 $0xF7A, s2;
	p2 =	seq.s32 @!p0 s5, $0x0  }
0x1f: {  	s9 =	smul.u32 $0xF7A, s1;
	s8 =	simm.s32 @!p0 $0x1BF5;
	p2 =	por !p2, p0  }
0x20: {  	[sflag:s8] =	ssyncset.s32 @!p0 $0xFFFFF086;
	s6 =	sadd.s32 @!p0 s3, s7;
	s7 =	simm.s32 @!p0 $0x108  }
0x21: {  	s3 =	sadd.s32 s3, s9;
	s6 =	sadd.s32 @!p0 $0x88, s6;
	s7 =	simm.s32 @p2 $0x1082  }
0x22: {  	[simem:s7], [sflag:s8] =	dma.local @!p0 [hbm:s6], $0xF7A  }
0x23: {  	s9 =	sor.u32 $0xD0000000, s2;
	s6 =	simm.s32 $0x108;
	_ =	swait.ge @!p0 [sflag:s8], $0x0  }
0x24: {  	s3 =	sadd.s32 $0x88, s3;
	s6 =	simm.s32 @!p1 $0x1082;
	[sflag:s4] =	ssyncset.s32 $0xFFFFF086  }
0x25: {  	[simem:s6], [sflag:s4] =	dma.local [hbm:s3], $0xF7A  }
0x26: {  	[smem:$0x3F99] =	sst s1;
	(tag) =	ssettag s2;
	_ =	strace s9  }
0x27: {  	s1 =	sld [smem:$0x3FA9]  }
0x28: {  	s2 =	sld [smem:$0x3FAA]  }
0x29: {  	s4 =	sld [smem:$0x3FAC]  }
0x2a: {  	p0 =	seq.s32 s5, $0x0;
	s5 =	sld [smem:$0x3FAD]  }
0x2b: {  	s6 =	sld [smem:$0x3FAE]  }
0x2c: {  	s7 =	sld [smem:$0x3FAF]  }
0x2d: {  	s3 =	simm.s32 $0x108;
	s8 =	sld [smem:$0x3FB0]  }
0x2e: {  	s3 =	simm.s32 @!p0 $0x1082;
	s9 =	sld [smem:$0x3FB1]  }
0x2f: {  	lr =	sadd.s32 s0, s3;
	s0 =	sld [smem:$0x3FA8]  }
0x30: {  	s3 =	sld [smem:$0x3FAB]  }
0x31: {  	[smem:$0x3FB4] =	sst s10  }
0x32: {  	s10 =	sld [smem:$0x3FB2];
	_ =	sdelay $0x3  }
0x33: {  	p0 =	seq.s32 s10, $0x1;
	s10 =	sld [smem:$0x3FB4];
	_ =	sdelay $0x3  }
0x34: {  	[smem:$0x3FB4] =	sst s10  }
0x35: {  	s10 =	sld [smem:$0x3FB3];
	_ =	sdelay $0x3  }
0x36: {  	p1 =	seq.s32 s10, $0x1;
	s10 =	sld [smem:$0x3FB4];
	_ =	sdelay $0x3  }
0x37: {  	[smem:$0x3FB4] =	sst s10  }
0x38: {  	s10 =	sld [smem:$0x3FB5]  }
0x39: {  	_ = 	snop;
	(pc) =	sbr.ind lr, $3  }
0x3a: {  	_ = 	snop  }
0x3b: {  	_ = 	snop  }
0x3c: {  	p2 =	seq.s32 s10, $0x1;
	s10 =	sld [smem:$0x3FB4]  }
0x3d: {  	_ =	shalt  }
0x3e: {  	_ =	shalt  }
0x3f: {  	_ =	shalt  }
0x40: {  	_ =	shalt  }
0x41: {  	_ =	shalt  }
0x42: {  	_ =	shalt  }
0x43: {  	_ =	shalt  }
0x44: {  	_ =	shalt  }
0x45: {  	_ =	shalt  }
0x46: {  	_ =	shalt  }
0x47: {  	_ =	shalt  }
0x48: {  	_ =	shalt  }
0x49: {  	_ =	shalt  }
0x4a: {  	_ =	shalt  }
0x4b: {  	_ =	shalt  }
0x4c: {  	_ =	shalt  }
0x4d: {  	_ =	shalt  }
0x4e: {  	_ =	shalt  }
0x4f: {  	_ =	shalt  }
0x50: {  	_ =	shalt  }
0x51: {  	_ =	shalt  }
0x52: {  	_ =	shalt  }
0x53: {  	_ =	shalt  }
0x54: {  	_ =	shalt  }
0x55: {  	_ =	shalt  }
0x56: {  	_ =	shalt  }
0x57: {  	_ =	shalt  }
0x58: {  	_ =	shalt  }
0x59: {  	_ =	shalt  }
0x5a: {  	_ =	shalt  }
0x5b: {  	_ =	shalt  }
0x5c: {  	_ =	shalt  }
0x5d: {  	_ =	shalt  }
0x5e: {  	_ =	shalt  }
0x5f: {  	_ =	shalt  }
0x60: {  	_ =	shalt  }
0x61: {  	_ =	shalt  }
0x62: {  	_ =	shalt  }
0x63: {  	_ =	shalt  }
0x64: {  	_ =	shalt  }
0x65: {  	_ =	shalt  }
0x66: {  	_ =	shalt  }
0x67: {  	_ =	shalt  }
0x68: {  	_ =	shalt  }
0x69: {  	_ =	shalt  }
0x6a: {  	_ =	shalt  }
0x6b: {  	_ =	shalt  }
0x6c: {  	_ =	shalt  }
0x6d: {  	_ =	shalt  }
0x6e: {  	_ =	shalt  }
0x6f: {  	_ =	shalt  }
0x70: {  	_ =	shalt  }
0x71: {  	_ =	shalt  }
0x72: {  	_ =	shalt  }
0x73: {  	_ =	shalt  }
0x74: {  	_ =	shalt  }
0x75: {  	_ =	shalt  }
0x76: {  	_ =	shalt  }
0x77: {  	_ =	shalt  }
0x78: {  	_ =	shalt  }
0x79: {  	_ =	shalt  }
0x7a: {  	_ =	shalt  }
0x7b: {  	_ =	shalt  }
0x7c: {  	_ =	shalt  }
0x7d: {  	_ =	shalt  }
0x7e: {  	_ =	shalt  }
0x7f: {  	_ =	shalt  }
0x80: {  	_ =	shalt  }
0x81: {  	_ =	shalt  }
0x82: {  	_ =	shalt  }
0x83: {  	_ =	shalt  }
0x84: {  	_ =	shalt  }
0x85: {  	_ =	shalt  }
0x86: {  	_ =	shalt  }
0x87: {  	_ =	shalt  }
.Lfunc_end0:
.L_simem_size_0:
called_computation_lowered:
.L_overlay_start_0:
0x88: {  	s2 =	sld [smem:$0x3FD9]  }
0x89: {  	s3 =	sld [smem:$0x3FFE];
	_ =	sdelay $0x1  }
0x8a: {  	s1 =	srdreg.scid  }
0x8b: {  	s0 =	sand.u32 $0x1, s1  }
0x8c: {  	s17 =	sshll.u32 s0, $0xA;
	s2 =	sadd.s32 s3, s2  }
0x8d: {  	s2 =	sadd.s32 s2, s17  }
0x8e: {  	[smem:$0x3FC0] =	sst s2  }
0x8f: {  	_ = 	snop  }
0x90: {  	s2 =	sld [smem:$0x3FC8];
	(tm) =	ssettm $0x1  }
0x91: {  	s18 =	sld [smem:$0x3FFB];
	_ =	sdelay $0x3  }
0x92: {  	_ =	strace s18  }
0x93: {  	s3 =	sld [smem:$0x3FFC];
	_ =	sdelay $0x3  }
0x94: {  	_ =	strace s3  }
0x95: {  	s3 =	sld [smem:$0x3FFD];
	_ =	sdelay $0x3  }
0x96: {  	_ =	strace s3  }
0x97: {  	_ =	strace $0x8FFFFFFF  }
0x98: {  	s19 =	sld [smem:$0x3FDB];
	_ =	sdelay $0x1  }
0x99: {  	s4 =	simm.s32 $_scs_section_size  }
0x9a: {  	s5 =	simm.s32 $_size__tile_overlayer_lowered;
	s6 =	simm.s32 $_tile_overlayer_lowered  }
0x9b: {  	s22 =	simm.s32 $0x1BFF;
	s21 =	sshll.u32 s6, $0x1;
	s3 =	sadd.s32 s4, s19  }
0x9c: {  	s7 =	simm.s32 $0x0;
	s20 =	sshll.u32 s5, $0x1;
	s5 =	sadd.s32 s21, s3  }
0x9d: {  	[timem:s7], [sflag:s22] =	dma.local [hbm:s5], s20  }
0x9e: {  	_ =	swait.ge [sflag:s22], s20  }
0x9f: {  	s4 =	ssub.s32 $0x0, s20;
	[sflag:s22] =	ssyncset.done $0x0  }
0xa0: {  	[sflag:s22] =	ssyncadd.s32 s4;
	_ =	sdelay $0x1  }
0xa1: {  	s23 =	simm.s32 $0x1B8B  }
0xa2: {  	_ =	swait.ge [sflag:s23], $0x1  }
0xa3: {  	[sflag:s23] =	ssyncset.done $0x0  }
0xa4: {  	s25 =	simm.s32 $0x1B8E;
	s24 =	sld [smem:$0x3FFE];
	[sflag:s23] =	ssyncadd.s32 $0xFFFFFFFF  }
0xa5: {  	s26 =	simm.s32 $execute0_lowered;
	[smem:$0x3FD2] =	sst s25  }
0xa6: {  	s5 =	sshll.u32 s26, $0x1;
	_ =	strace $0x80000046;
	[dreg:$0x1] =	wrdreg $0xFFFFFFFF  }
0xa7: {  	s28 =	simm.s32 $_size_execute0_lowered;
	s3 =	sadd.s32 s3, s5;
	[dreg:$0x0] =	wrdreg $0x0  }
0xa8: {  	s5 =	sshll.u32 s28, $0x1;
	[dreg:$0x2] =	wrdreg s3  }
0xa9: {  	[dreg:$0x3] =	wrdreg s5  }
0xaa: {  	[dreg:$0x4] =	wrdreg $0xC0  }
0xab: {  	_ =	task [dreg:s7], $0x5FFFF  }
0xac: {  	[dreg:$0x1] =	wrdreg $0xFFFFFFFF  }
0xad: {  	[dreg:$0x0] =	wrdreg $0x60  }
0xae: {  	[dreg:$0x2] =	wrdreg s2  }
0xaf: {  	[dreg:$0x3] =	wrdreg s24  }
0xb0: {  	[dreg:$0x4] =	wrdreg $0x9  }
0xb1: {  	_ =	task.clear_ibuf [dreg:s7], $0x5FFFF;
	_ =	strace $0x90000046  }
0xb2: {  	s29 =	simm.s32 $0x9;
	_ =	strace $0x80000048  }
0xb3: {  	_ =	swait.ge [sflag:s29], $0x1  }
0xb4: {  	[sflag:s29] =	ssyncadd.s32 $0xFFFFFFFF  }
0xb5: {  	_ =	strace $0x90000048  }
0xb6: {  	_ =	sfence  }
0xb7: {  	s30 =	sld [smem:$0x0];
	_ =	sdelay $0x2  }
0xb8: {  	s31 =	sshll.u32 s1, $0xD;
	s1 =	sshrl.u32 s1, $0x2  }
0xb9: {  	s3 =	sand.u32 $0x4000, s31;
	s1 =	sadd.s32 s1, s30  }
0xba: {  	s0 =	sor.u32 s3, s0;
	s1 =	sshll.u32 s1, $0x11  }
0xbb: {  	s0 =	sor.u32 s1, s0  }
0xbc: {  	s0 =	sadd.s32 $0x8F2B, s0  }
0xbd: {  	[sflag:s0] =	ssyncadd.remote.s32 $0x1  }
0xbe: {  	_ =	sfence.sel $0xFFFF  }
0xbf: {  	[dreg:$0x0] =	wrdreg $0xFFFFFFFF;
	(pc) =	sbr.abs _section_cstart, $3  }
0xc0: {  	[dreg:$0x1] =	wrdreg $0xFFFFFFFF  }
0xc1: {  	_ =	task.clear_ibuf [dreg:s7], $0x2FFFF;
	_ =	strace $0x9FFFFFFF  }
0xc2: {  	(tm) =	ssettm $0x7FFFFFFF  }
0xc3: {  	_ =	shalt  }
tec
execute0_lowered:
.L_overlay_start_1:
0x0: {  	(tag) =	ssettag $0x1  }
0x1: {  	s5 =	rddreg [dreg:$0x0]  }
0x2: {  	s3 =	rddreg [dreg:$0x1];
	s2 =	simm.s32 $0x0;
	s1 =	stileid.u32  }
0x3: {  	[smem:$0x7FF] =	sst s2;
	s4 =	sshll.u32 s1, $0x7;
	s7 =	sadd.s32 $0x1E00, s3  }
0x4: {  	s1 =	sadd.s32 $0x2CA6, s3;
	_ =	strace $0x80000047;
	[dreg:$0x3] =	wrdreg s7  }
0x5: {  	s8 =	sadd.s32 $0x5898, s3;
	[dreg:$0x5] =	wrdreg s1  }
0x6: {  	s9 =	sadd.s32 $0x673E, s3;
	[dreg:$0x8] =	wrdreg s8  }
0x7: {  	s10 =	sadd.s32 $0x75E4, s3;
	[dreg:$0x9] =	wrdreg s9  }
0x8: {  	s11 =	sadd.s32 $0x848A, s3;
	[dreg:$0xa] =	wrdreg s10  }
0x9: {  	s12 =	sadd.s32 $0x9330, s3;
	[dreg:$0xb] =	wrdreg s11  }
0xa: {  	s13 =	sadd.s32 $0xA1D6, s3;
	[dreg:$0xc] =	wrdreg s12  }
0xb: {  	s14 =	sadd.s32 $0xB07C, s3;
	[dreg:$0xd] =	wrdreg s13  }
0xc: {  	s15 =	sadd.s32 $0xBF22, s3;
	[dreg:$0xe] =	wrdreg s14  }
0xd: {  	s16 =	sadd.s32 $0xCDC8, s3;
	[dreg:$0xf] =	wrdreg s15  }
0xe: {  	s17 =	sadd.s32 $0xDC6E, s3;
	[dreg:$0x10] =	wrdreg s16  }
0xf: {  	s18 =	sadd.s32 $0xEB14, s3;
	[dreg:$0x11] =	wrdreg s17  }
0x10: {  	s19 =	sadd.s32 $0xF9BA, s3;
	[dreg:$0x12] =	wrdreg s18  }
0x11: {  	s20 =	sadd.s32 $0x10860, s3;
	[dreg:$0x13] =	wrdreg s19  }
0x12: {  	s21 =	sadd.s32 $0x11706, s3;
	[dreg:$0x14] =	wrdreg s20  }
0x13: {  	s22 =	sadd.s32 $0x125AC, s3;
	[dreg:$0x15] =	wrdreg s21  }
0x14: {  	s23 =	sadd.s32 $0x13452, s3;
	[dreg:$0x16] =	wrdreg s22  }
0x15: {  	s24 =	sadd.s32 $0x142F8, s3;
	[dreg:$0x17] =	wrdreg s23  }
0x16: {  	s25 =	sadd.s32 $0x1519E, s3;
	[dreg:$0x18] =	wrdreg s24  }
0x17: {  	s26 =	sadd.s32 $0x16044, s3;
	[dreg:$0x19] =	wrdreg s25  }
0x18: {  	s7 =	sadd.s32 $0x49F2, s3;
	[dreg:$0x1a] =	wrdreg s26  }
0x19: {  	s1 =	sadd.s32 $0x16EEA, s3;
	[dreg:$0x7] =	wrdreg s7  }
0x1a: {  	s8 =	sadd.s32 $0x19ADC, s3;
	[dreg:$0x1b] =	wrdreg s1  }
0x1b: {  	s9 =	sadd.s32 $0x1A982, s3;
	[dreg:$0x1e] =	wrdreg s8  }
0x1c: {  	s10 =	sadd.s32 $0x1B828, s3;
	[dreg:$0x1f] =	wrdreg s9  }
0x1d: {  	s11 =	sadd.s32 $0x1C6CE, s3;
	[smem:$0x7FA] =	sst s10  }
0x1e: {  	s12 =	sadd.s32 $0x1D574, s3;
	[smem:$0x7FB] =	sst s11  }
0x1f: {  	s14 =	simm.s32 $0x400;
	[smem:$0x7FC] =	sst s12  }
0x20: {  	s15 =	simm.s32 $0x600;
	[smem:$0x7F7] =	sst s14  }
0x21: {  	s16 =	simm.s32 $0x800;
	[smem:$0x7F8] =	sst s15  }
0x22: {  	s0 =	srdreg.scid;
	s17 =	simm.s32 $0xA00;
	[smem:$0x7F9] =	sst s16  }
0x23: {  	s0 =	sand.u32 $0x1, s0;
	s18 =	simm.s32 $0xC00;
	[smem:$0x7F6] =	sst s17  }
0x24: {  	s6 =	sshll.u32 s0, $0x6;
	s20 =	simm.s32 $0xE00;
	[smem:$0x7F5] =	sst s18  }
0x25: {  	s4 =	sor.u32 s6, s4;
	s6 =	sadd.s32 $0x3B4C, s3;
	[smem:$0x7F4] =	sst s20  }
0x26: {  	s7 =	sadd.s32 $0x18C36, s3;
	[dreg:$0x6] =	wrdreg s6  }
0x27: {  	s5 =	sadd.s32 s5, s4;
	[dreg:$0x1d] =	wrdreg s7  }
0x28: {  	s6 =	sadd.s32 $0x17D90, s3;
	[dreg:$0x4] =	wrdreg s5  }
0x29: {  	s4 =	sadd.s32 s4, s3;
	s3 =	sadd.s32 $0x1E41A, s3;
	[dreg:$0x1c] =	wrdreg s6  }
0x2a: {  	[smem:$0x7FD] =	sst s3;
	s13 =	sadd.s32 $0x1F400, s4  }
0x2b: {  	[smem:$0x7F3] =	sst s13  }
0x2c: {  	s3 =	simm.s32 $0x2;
	s19 =	rddreg [dreg:$0x4]  }
0x2d: {  	[tilespmem:s2], [sflag:$0x2] =	stream.linear.gather [hbm4b:s19+s2], $0x200, $0x38;
	[tilespmem:$0x4200] =	vst v63  }
0x2e: {  	_ =	swait.ge [sflag:s3], $0x200  }
0x2f: {  	s21 =	sld [smem:$0x7F4]  }
0x30: {  	s22 =	sld [smem:$0x7F5]  }
0x31: {  	s23 =	sld [smem:$0x7F6]  }
0x32: {  	s8 =	rddreg [dreg:$0x5]  }
0x33: {  	s9 =	sld [smem:$0x7F7]  }
0x34: {  	s10 =	rddreg [dreg:$0x3]  }
0x35: {  	[sflag:s3] =	ssyncset.done $0x0;
	s11 =	sld [smem:$0x7F8]  }
0x36: {  	s4 =	simm.s32 $0x200;
	s12 =	sld [smem:$0x7F9];
	[sflag:s3] =	ssyncadd.s32 $0xFFFFFE00  }
0x37: {  	[tilespmem:s4], [sflag:$0x1] =	stream.indirect.gather [hbm4b:s10+s4], $0x1, s2, s4, $0xb8;
	[tilespmem:$0x4200] =	vst v63  }
0x38: {  	s24 =	rddreg [dreg:$0x6]  }
0x39: {  	[tilespmem:s9], [sflag:$0x1] =	stream.indirect.gather [hbm4b:s8+s4], $0x1, s2, s4, $0xb8;
	[tilespmem:$0x4200] =	vst v63  }
0x3a: {  	s25 =	rddreg [dreg:$0x7]  }
0x3b: {  	[tilespmem:s11], [sflag:$0x1] =	stream.indirect.gather [hbm4b:s24+s4], $0x1, s2, s4, $0xb8;
	[tilespmem:$0x4200] =	vst v63  }
0x3c: {  	s26 =	rddreg [dreg:$0x8]  }
0x3d: {  	[tilespmem:s12], [sflag:$0x1] =	stream.indirect.gather [hbm4b:s25+s4], $0x1, s2, s4, $0xb8;
	[tilespmem:$0x4200] =	vst v63  }
0x3e: {  	s1 =	rddreg [dreg:$0x9]  }
0x3f: {  	[tilespmem:s23], [sflag:$0x1] =	stream.indirect.gather [hbm4b:s26+s4], $0x1, s2, s4, $0xb8;
	[tilespmem:$0x4200] =	vst v63  }
0x40: {  	s13 =	rddreg [dreg:$0xc]  }
0x41: {  	[tilespmem:s22], [sflag:$0x1] =	stream.indirect.gather [hbm4b:s1+s4], $0x1, s2, s4, $0xb8;
	[tilespmem:$0x4200] =	vst v63  }
0x42: {  	s10 =	rddreg [dreg:$0xa]  }
0x43: {  	[tilespmem:s21], [sflag:$0x1] =	stream.indirect.gather [hbm4b:s10+s4], $0x1, s2, s4, $0xb8;
	[tilespmem:$0x4200] =	vst v63  }
0x44: {  	s11 =	rddreg [dreg:$0xb];
	s12 =	simm.s32 $0x1000  }
0x45: {  	[tilespmem:s12], [sflag:$0x1] =	stream.indirect.gather [hbm4b:s11+s4], $0x1, s2, s4, $0xb8;
	[tilespmem:$0x4200] =	vst v63  }
0x46: {  	s14 =	simm.s32 $0x1200;
	s15 =	rddreg [dreg:$0xd]  }
0x47: {  	[tilespmem:s14], [sflag:$0x1] =	stream.indirect.gather [hbm4b:s13+s4], $0x1, s2, s4, $0xb8;
	[tilespmem:$0x4200] =	vst v63  }
0x48: {  	s16 =	simm.s32 $0x1400;
	s17 =	rddreg [dreg:$0xe]  }
0x49: {  	[tilespmem:s16], [sflag:$0x1] =	stream.indirect.gather [hbm4b:s15+s4], $0x1, s2, s4, $0xb8;
	[tilespmem:$0x4200] =	vst v63  }
0x4a: {  	s18 =	simm.s32 $0x1600;
	s19 =	rddreg [dreg:$0xf]  }
0x4b: {  	[tilespmem:s18], [sflag:$0x1] =	stream.indirect.gather [hbm4b:s17+s4], $0x1, s2, s4, $0xb8;
	[tilespmem:$0x4200] =	vst v63  }
0x4c: {  	s20 =	simm.s32 $0x1800;
	s5 =	rddreg [dreg:$0x1e]  }
0x4d: {  	[tilespmem:s20], [sflag:$0x1] =	stream.indirect.gather [hbm4b:s19+s4], $0x1, s2, s4, $0xb8;
	[tilespmem:$0x4200] =	vst v63  }
0x4e: {  	s22 =	simm.s32 $0x1A00;
	s21 =	rddreg [dreg:$0x10]  }
0x4f: {  	[tilespmem:s22], [sflag:$0x1] =	stream.indirect.gather [hbm4b:s21+s4], $0x1, s2, s4, $0xb8;
	[tilespmem:$0x4200] =	vst v63  }
0x50: {  	s24 =	simm.s32 $0x1C00;
	s23 =	rddreg [dreg:$0x11]  }
0x51: {  	[tilespmem:s24], [sflag:$0x1] =	stream.indirect.gather [hbm4b:s23+s4], $0x1, s2, s4, $0xb8;
	[tilespmem:$0x4200] =	vst v63  }
0x52: {  	s12 =	simm.s32 $0x1E00;
	s13 =	rddreg [dreg:$0x12]  }
0x53: {  	[tilespmem:s12], [sflag:$0x1] =	stream.indirect.gather [hbm4b:s13+s4], $0x1, s2, s4, $0xb8;
	[tilespmem:$0x4200] =	vst v63  }
0x54: {  	s14 =	rddreg [dreg:$0x13];
	s13 =	simm.s32 $0x2000  }
0x55: {  	[tilespmem:s13], [sflag:$0x1] =	stream.indirect.gather [hbm4b:s14+s4], $0x1, s2, s4, $0xb8;
	[tilespmem:$0x4200] =	vst v63  }
0x56: {  	s15 =	rddreg [dreg:$0x14];
	s14 =	simm.s32 $0x2200  }
0x57: {  	[tilespmem:s14], [sflag:$0x1] =	stream.indirect.gather [hbm4b:s15+s4], $0x1, s2, s4, $0xb8;
	[tilespmem:$0x4200] =	vst v63  }
0x58: {  	s16 =	rddreg [dreg:$0x15];
	s15 =	simm.s32 $0x2400  }
0x59: {  	[tilespmem:s15], [sflag:$0x1] =	stream.indirect.gather [hbm4b:s16+s4], $0x1, s2, s4, $0xb8;
	[tilespmem:$0x4200] =	vst v63  }
0x5a: {  	s17 =	rddreg [dreg:$0x16];
	s16 =	simm.s32 $0x2600  }
0x5b: {  	[tilespmem:s16], [sflag:$0x1] =	stream.indirect.gather [hbm4b:s17+s4], $0x1, s2, s4, $0xb8;
	[tilespmem:$0x4200] =	vst v63  }
0x5c: {  	s18 =	rddreg [dreg:$0x17];
	s17 =	simm.s32 $0x2800  }
0x5d: {  	[tilespmem:s17], [sflag:$0x1] =	stream.indirect.gather [hbm4b:s18+s4], $0x1, s2, s4, $0xb8;
	[tilespmem:$0x4200] =	vst v63  }
0x5e: {  	s19 =	rddreg [dreg:$0x18];
	s18 =	simm.s32 $0x2A00  }
0x5f: {  	[tilespmem:s18], [sflag:$0x1] =	stream.indirect.gather [hbm4b:s19+s4], $0x1, s2, s4, $0xb8;
	[tilespmem:$0x4200] =	vst v63  }
0x60: {  	s20 =	rddreg [dreg:$0x19];
	s19 =	simm.s32 $0x2C00  }
0x61: {  	[tilespmem:s19], [sflag:$0x1] =	stream.indirect.gather [hbm4b:s20+s4], $0x1, s2, s4, $0xb8;
	[tilespmem:$0x4200] =	vst v63  }
0x62: {  	s22 =	rddreg [dreg:$0x1a];
	s21 =	simm.s32 $0x2E00  }
0x63: {  	[tilespmem:s21], [sflag:$0x1] =	stream.indirect.gather [hbm4b:s22+s4], $0x1, s2, s4, $0xb8;
	[tilespmem:$0x4200] =	vst v63  }
0x64: {  	s25 =	rddreg [dreg:$0x1b];
	s23 =	simm.s32 $0x3000  }
0x65: {  	[tilespmem:s23], [sflag:$0x1] =	stream.indirect.gather [hbm4b:s25+s4], $0x1, s2, s4, $0xb8;
	[tilespmem:$0x4200] =	vst v63  }
0x66: {  	s26 =	rddreg [dreg:$0x1c];
	s24 =	simm.s32 $0x3200  }
0x67: {  	[tilespmem:s24], [sflag:$0x1] =	stream.indirect.gather [hbm4b:s26+s4], $0x1, s2, s4, $0xb8;
	[tilespmem:$0x4200] =	vst v63  }
0x68: {  	s1 =	rddreg [dreg:$0x1d];
	s25 =	simm.s32 $0x3400  }
0x69: {  	[tilespmem:s25], [sflag:$0x1] =	stream.indirect.gather [hbm4b:s1+s4], $0x1, s2, s4, $0xb8;
	[tilespmem:$0x4200] =	vst v63  }
0x6a: {  	s6 =	rddreg [dreg:$0x1f];
	s26 =	simm.s32 $0x3600  }
0x6b: {  	[tilespmem:s26], [sflag:$0x1] =	stream.indirect.gather [hbm4b:s5+s4], $0x1, s2, s4, $0xb8;
	[tilespmem:$0x4200] =	vst v63  }
0x6c: {  	s28 =	simm.s32 $0x3800;
	s7 =	sld [smem:$0x7FA]  }
0x6d: {  	[tilespmem:s28], [sflag:$0x1] =	stream.indirect.gather [hbm4b:s6+s4], $0x1, s2, s4, $0xb8;
	[tilespmem:$0x4200] =	vst v63  }
0x6e: {  	s29 =	simm.s32 $0x3A00;
	s8 =	sld [smem:$0x7FB]  }
0x6f: {  	[tilespmem:s29], [sflag:$0x1] =	stream.indirect.gather [hbm4b:s7+s4], $0x1, s2, s4, $0xb8;
	[tilespmem:$0x4200] =	vst v63  }
0x70: {  	s30 =	simm.s32 $0x3C00;
	s9 =	sld [smem:$0x7FC]  }
0x71: {  	[tilespmem:s30], [sflag:$0x1] =	stream.indirect.gather [hbm4b:s8+s4], $0x1, s2, s4, $0xb8;
	[tilespmem:$0x4200] =	vst v63  }
0x72: {  	s31 =	simm.s32 $0x3E00;
	s10 =	sld [smem:$0x7FD]  }
0x73: {  	[tilespmem:s31], [sflag:$0x1] =	stream.indirect.gather [hbm4b:s9+s4], $0x1, s2, s4, $0xb8;
	[tilespmem:$0x4200] =	vst v63  }
0x74: {  	s20 =	simm.s32 $0x4000;
	s22 =	simm.s32 $0x1  }
0x75: {  	[tilespmem:s20], [sflag:$0x1] =	stream.indirect.gather [hbm4b:s10+s4], $0x1, s2, s4, $0xb8;
	[tilespmem:$0x4200] =	vst v63  }
0x76: {  	_ =	swait.ge [sflag:s22], $0x200  }
0x77: {  	[sflag:s22] =	ssyncset.done $0x0  }
0x78: {  	[sflag:s22] =	ssyncadd.s32 $0xFFFFFE00  }
0x79: {  	_ =	swait.ge [sflag:s22], $0x200  }
0x7a: {  	[sflag:s22] =	ssyncset.done $0x0  }
0x7b: {  	[sflag:s22] =	ssyncadd.s32 $0xFFFFFE00  }
0x7c: {  	_ =	swait.ge [sflag:s22], $0x200  }
0x7d: {  	[sflag:s22] =	ssyncset.done $0x0  }
0x7e: {  	[sflag:s22] =	ssyncadd.s32 $0xFFFFFE00  }
0x7f: {  	_ =	swait.ge [sflag:s22], $0x200  }
0x80: {  	[sflag:s22] =	ssyncset.done $0x0  }
0x81: {  	[sflag:s22] =	ssyncadd.s32 $0xFFFFFE00  }
0x82: {  	_ =	swait.ge [sflag:s22], $0x200  }
0x83: {  	[sflag:s22] =	ssyncset.done $0x0  }
0x84: {  	[sflag:s22] =	ssyncadd.s32 $0xFFFFFE00  }
0x85: {  	_ =	swait.ge [sflag:s22], $0x200  }
0x86: {  	[sflag:s22] =	ssyncset.done $0x0  }
0x87: {  	[sflag:s22] =	ssyncadd.s32 $0xFFFFFE00  }
0x88: {  	_ =	swait.ge [sflag:s22], $0x200  }
0x89: {  	[sflag:s22] =	ssyncset.done $0x0  }
0x8a: {  	[sflag:s22] =	ssyncadd.s32 $0xFFFFFE00  }
0x8b: {  	_ =	swait.ge [sflag:s22], $0x200  }
0x8c: {  	[sflag:s22] =	ssyncset.done $0x0  }
0x8d: {  	[sflag:s22] =	ssyncadd.s32 $0xFFFFFE00  }
0x8e: {  	_ =	swait.ge [sflag:s22], $0x200  }
0x8f: {  	[sflag:s22] =	ssyncset.done $0x0  }
0x90: {  	[sflag:s22] =	ssyncadd.s32 $0xFFFFFE00  }
0x91: {  	_ =	swait.ge [sflag:s22], $0x200  }
0x92: {  	[sflag:s22] =	ssyncset.done $0x0  }
0x93: {  	[sflag:s22] =	ssyncadd.s32 $0xFFFFFE00  }
0x94: {  	_ =	swait.ge [sflag:s22], $0x200  }
0x95: {  	[sflag:s22] =	ssyncset.done $0x0  }
0x96: {  	[sflag:s22] =	ssyncadd.s32 $0xFFFFFE00  }
0x97: {  	_ =	swait.ge [sflag:s22], $0x200  }
0x98: {  	[sflag:s22] =	ssyncset.done $0x0  }
0x99: {  	[sflag:s22] =	ssyncadd.s32 $0xFFFFFE00  }
0x9a: {  	_ =	swait.ge [sflag:s22], $0x200  }
0x9b: {  	[sflag:s22] =	ssyncset.done $0x0  }
0x9c: {  	[sflag:s22] =	ssyncadd.s32 $0xFFFFFE00  }
0x9d: {  	_ =	swait.ge [sflag:s22], $0x200  }
0x9e: {  	[sflag:s22] =	ssyncset.done $0x0  }
0x9f: {  	[sflag:s22] =	ssyncadd.s32 $0xFFFFFE00  }
0xa0: {  	_ =	swait.ge [sflag:s22], $0x200  }
0xa1: {  	[sflag:s22] =	ssyncset.done $0x0  }
0xa2: {  	[sflag:s22] =	ssyncadd.s32 $0xFFFFFE00  }
0xa3: {  	_ =	swait.ge [sflag:s22], $0x200  }
0xa4: {  	[sflag:s22] =	ssyncset.done $0x0  }
0xa5: {  	[sflag:s22] =	ssyncadd.s32 $0xFFFFFE00  }
0xa6: {  	_ =	swait.ge [sflag:s22], $0x200  }
0xa7: {  	[sflag:s22] =	ssyncset.done $0x0  }
0xa8: {  	[sflag:s22] =	ssyncadd.s32 $0xFFFFFE00  }
0xa9: {  	_ =	swait.ge [sflag:s22], $0x200  }
0xaa: {  	[sflag:s22] =	ssyncset.done $0x0  }
0xab: {  	[sflag:s22] =	ssyncadd.s32 $0xFFFFFE00  }
0xac: {  	_ =	swait.ge [sflag:s22], $0x200  }
0xad: {  	[sflag:s22] =	ssyncset.done $0x0  }
0xae: {  	[sflag:s22] =	ssyncadd.s32 $0xFFFFFE00  }
0xaf: {  	_ =	swait.ge [sflag:s22], $0x200  }
0xb0: {  	[sflag:s22] =	ssyncset.done $0x0  }
0xb1: {  	[sflag:s22] =	ssyncadd.s32 $0xFFFFFE00  }
0xb2: {  	s0 =	ssub.s32 $0x2, s0;
	_ =	swait.ge [sflag:s22], $0x200  }
0xb3: {  	s11 =	sshrl.u32 s0, $0x1;
	[sflag:s22] =	ssyncset.done $0x0  }
0xb4: {  	s0 =	ssub.s32 s0, s11;
	[sflag:s22] =	ssyncadd.s32 $0xFFFFFE00  }
0xb5: {  	s0 =	smax.u32 s0, $0x1;
	_ =	swait.ge [sflag:s22], $0x200  }
0xb6: {  	p0 =	sne.s32 s0, $0x1;
	[sflag:s22] =	ssyncset.done $0x0  }
.Ltmp0:
0xb7: {  	[sflag:s22] =	ssyncadd.s32 $0xFFFFFE00;
	(pc) =	sbr.rel @!p0 .LBB2_2-.Ltmp0, $4  }
0xb8: {  	_ =	swait.ge [sflag:s22], $0x200  }
0xb9: {  	[sflag:s22] =	ssyncset.done $0x0  }
0xba: {  	[sflag:s22] =	ssyncadd.s32 $0xFFFFFE00  }
0xbb: {  	s0 =	sadd.s32 $0xFFFFFFFF, s0;
	_ =	swait.ge [sflag:s22], $0x200  }
.LBB2_1:
0xbc: {  	[sflag:s22] =	ssyncset.done $0x0  }
0xbd: {  	[sflag:s22] =	ssyncadd.s32 $0xFFFFFE00  }
0xbe: {  	_ =	swait.ge [sflag:s22], $0x200  }
0xbf: {  	[sflag:s22] =	ssyncset.done $0x0  }
0xc0: {  	[sflag:s22] =	ssyncadd.s32 $0xFFFFFE00  }
0xc1: {  	_ =	swait.ge [sflag:s22], $0x200  }
0xc2: {  	[sflag:s22] =	ssyncset.done $0x0  }
0xc3: {  	[sflag:s22] =	ssyncadd.s32 $0xFFFFFE00  }
0xc4: {  	_ =	swait.ge [sflag:s22], $0x200  }
0xc5: {  	[sflag:s22] =	ssyncset.done $0x0  }
0xc6: {  	[sflag:s22] =	ssyncadd.s32 $0xFFFFFE00  }
0xc7: {  	_ =	swait.ge [sflag:s22], $0x200  }
0xc8: {  	[sflag:s22] =	ssyncset.done $0x0  }
0xc9: {  	[sflag:s22] =	ssyncadd.s32 $0xFFFFFE00  }
0xca: {  	_ =	swait.ge [sflag:s22], $0x200  }
0xcb: {  	[sflag:s22] =	ssyncset.done $0x0  }
0xcc: {  	[sflag:s22] =	ssyncadd.s32 $0xFFFFFE00  }
0xcd: {  	_ =	swait.ge [sflag:s22], $0x200  }
0xce: {  	[sflag:s22] =	ssyncset.done $0x0  }
0xcf: {  	[sflag:s22] =	ssyncadd.s32 $0xFFFFFE00  }
0xd0: {  	_ =	swait.ge [sflag:s22], $0x200  }
0xd1: {  	[sflag:s22] =	ssyncset.done $0x0  }
0xd2: {  	[sflag:s22] =	ssyncadd.s32 $0xFFFFFE00  }
0xd3: {  	_ =	swait.ge [sflag:s22], $0x200  }
0xd4: {  	s1 =	sld [smem:$0x7F3]  }
0xd5: {  	[sflag:s22] =	ssyncset.done $0x0  }
0xd6: {  	[sflag:s22] =	ssyncadd.s32 $0xFFFFFE00  }
0xd7: {  	[hbm4b:s1+s4] =	stream.strided.scatter [tilespmem:s4], [sflag:$0x2], $0x4000, s20, s4, $0x38;
	[tilespmem:$0x4200] =	vst v63  }
0xd8: {  	_ =	swait.ge [sflag:s3], $0x4000  }
0xd9: {  	[sflag:s3] =	ssyncset.done $0x0  }
0xda: {  	s7 =	rddreg [dreg:$0x4];
	[sflag:s3] =	ssyncadd.s32 $0xFFFFC000  }
0xdb: {  	[tilespmem:s2], [sflag:$0x2] =	stream.linear.gather [hbm4b:s7+s2], $0x200, $0x38;
	[tilespmem:$0x4200] =	vst v63  }
0xdc: {  	_ =	swait.ge [sflag:s3], $0x200  }
0xdd: {  	s1 =	sld [smem:$0x7F4]  }
0xde: {  	s5 =	sld [smem:$0x7F5]  }
0xdf: {  	s6 =	sld [smem:$0x7F6]  }
0xe0: {  	s7 =	rddreg [dreg:$0x5]  }
0xe1: {  	s8 =	sld [smem:$0x7F7]  }
0xe2: {  	s9 =	rddreg [dreg:$0x3]  }
0xe3: {  	[sflag:s3] =	ssyncset.done $0x0;
	s10 =	sld [smem:$0x7F8]  }
0xe4: {  	s11 =	sld [smem:$0x7F9];
	[sflag:s3] =	ssyncadd.s32 $0xFFFFFE00  }
0xe5: {  	[tilespmem:s4], [sflag:$0x1] =	stream.indirect.gather [hbm4b:s9+s4], $0x1, s2, s4, $0xb8;
	[tilespmem:$0x4200] =	vst v63  }
0xe6: {  	s9 =	rddreg [dreg:$0x6]  }
0xe7: {  	[tilespmem:s8], [sflag:$0x1] =	stream.indirect.gather [hbm4b:s7+s4], $0x1, s2, s4, $0xb8;
	[tilespmem:$0x4200] =	vst v63  }
0xe8: {  	s8 =	rddreg [dreg:$0x7]  }
0xe9: {  	[tilespmem:s10], [sflag:$0x1] =	stream.indirect.gather [hbm4b:s9+s4], $0x1, s2, s4, $0xb8;
	[tilespmem:$0x4200] =	vst v63  }
0xea: {  	s7 =	rddreg [dreg:$0xb]  }
0xeb: {  	[tilespmem:s11], [sflag:$0x1] =	stream.indirect.gather [hbm4b:s8+s4], $0x1, s2, s4, $0xb8;
	[tilespmem:$0x4200] =	vst v63  }
0xec: {  	s9 =	rddreg [dreg:$0x8]  }
0xed: {  	[tilespmem:s6], [sflag:$0x1] =	stream.indirect.gather [hbm4b:s9+s4], $0x1, s2, s4, $0xb8;
	[tilespmem:$0x4200] =	vst v63  }
0xee: {  	s10 =	rddreg [dreg:$0x9]  }
0xef: {  	[tilespmem:s5], [sflag:$0x1] =	stream.indirect.gather [hbm4b:s10+s4], $0x1, s2, s4, $0xb8;
	[tilespmem:$0x4200] =	vst v63  }
0xf0: {  	s11 =	rddreg [dreg:$0xa]  }
0xf1: {  	[tilespmem:s1], [sflag:$0x1] =	stream.indirect.gather [hbm4b:s11+s4], $0x1, s2, s4, $0xb8;
	[tilespmem:$0x4200] =	vst v63  }
0xf2: {  	s8 =	rddreg [dreg:$0xc];
	s9 =	simm.s32 $0x1000  }
0xf3: {  	[tilespmem:s9], [sflag:$0x1] =	stream.indirect.gather [hbm4b:s7+s4], $0x1, s2, s4, $0xb8;
	[tilespmem:$0x4200] =	vst v63  }
0xf4: {  	s6 =	rddreg [dreg:$0x18];
	s11 =	simm.s32 $0x1200  }
0xf5: {  	[tilespmem:s11], [sflag:$0x1] =	stream.indirect.gather [hbm4b:s8+s4], $0x1, s2, s4, $0xb8;
	[tilespmem:$0x4200] =	vst v63  }
0xf6: {  	s10 =	rddreg [dreg:$0xd];
	s8 =	simm.s32 $0x1400  }
0xf7: {  	[tilespmem:s8], [sflag:$0x1] =	stream.indirect.gather [hbm4b:s10+s4], $0x1, s2, s4, $0xb8;
	[tilespmem:$0x4200] =	vst v63  }
0xf8: {  	s7 =	rddreg [dreg:$0xe];
	s10 =	simm.s32 $0x1600  }
0xf9: {  	[tilespmem:s10], [sflag:$0x1] =	stream.indirect.gather [hbm4b:s7+s4], $0x1, s2, s4, $0xb8;
	[tilespmem:$0x4200] =	vst v63  }
0xfa: {  	s9 =	rddreg [dreg:$0xf];
	s7 =	simm.s32 $0x1800  }
0xfb: {  	[tilespmem:s7], [sflag:$0x1] =	stream.indirect.gather [hbm4b:s9+s4], $0x1, s2, s4, $0xb8;
	[tilespmem:$0x4200] =	vst v63  }
0xfc: {  	s11 =	rddreg [dreg:$0x10];
	s9 =	simm.s32 $0x1A00  }
0xfd: {  	[tilespmem:s9], [sflag:$0x1] =	stream.indirect.gather [hbm4b:s11+s4], $0x1, s2, s4, $0xb8;
	[tilespmem:$0x4200] =	vst v63  }
0xfe: {  	s8 =	rddreg [dreg:$0x11];
	s11 =	simm.s32 $0x1C00  }
0xff: {  	[tilespmem:s11], [sflag:$0x1] =	stream.indirect.gather [hbm4b:s8+s4], $0x1, s2, s4, $0xb8;
	[tilespmem:$0x4200] =	vst v63  }
0x100: {  	s10 =	rddreg [dreg:$0x12]  }
0x101: {  	[tilespmem:s12], [sflag:$0x1] =	stream.indirect.gather [hbm4b:s10+s4], $0x1, s2, s4, $0xb8;
	[tilespmem:$0x4200] =	vst v63  }
0x102: {  	s7 =	rddreg [dreg:$0x13]  }
0x103: {  	[tilespmem:s13], [sflag:$0x1] =	stream.indirect.gather [hbm4b:s7+s4], $0x1, s2, s4, $0xb8;
	[tilespmem:$0x4200] =	vst v63  }
0x104: {  	s8 =	rddreg [dreg:$0x14]  }
0x105: {  	[tilespmem:s14], [sflag:$0x1] =	stream.indirect.gather [hbm4b:s8+s4], $0x1, s2, s4, $0xb8;
	[tilespmem:$0x4200] =	vst v63  }
0x106: {  	s9 =	rddreg [dreg:$0x15]  }
0x107: {  	[tilespmem:s15], [sflag:$0x1] =	stream.indirect.gather [hbm4b:s9+s4], $0x1, s2, s4, $0xb8;
	[tilespmem:$0x4200] =	vst v63  }
0x108: {  	s10 =	rddreg [dreg:$0x16]  }
0x109: {  	[tilespmem:s16], [sflag:$0x1] =	stream.indirect.gather [hbm4b:s10+s4], $0x1, s2, s4, $0xb8;
	[tilespmem:$0x4200] =	vst v63  }
0x10a: {  	s11 =	rddreg [dreg:$0x17]  }
0x10b: {  	[tilespmem:s17], [sflag:$0x1] =	stream.indirect.gather [hbm4b:s11+s4], $0x1, s2, s4, $0xb8;
	[tilespmem:$0x4200] =	vst v63  }
0x10c: {  	s7 =	rddreg [dreg:$0x19]  }
0x10d: {  	[tilespmem:s18], [sflag:$0x1] =	stream.indirect.gather [hbm4b:s6+s4], $0x1, s2, s4, $0xb8;
	[tilespmem:$0x4200] =	vst v63  }
0x10e: {  	s8 =	rddreg [dreg:$0x1a]  }
0x10f: {  	[tilespmem:s19], [sflag:$0x1] =	stream.indirect.gather [hbm4b:s7+s4], $0x1, s2, s4, $0xb8;
	[tilespmem:$0x4200] =	vst v63  }
0x110: {  	s9 =	rddreg [dreg:$0x1b]  }
0x111: {  	[tilespmem:s21], [sflag:$0x1] =	stream.indirect.gather [hbm4b:s8+s4], $0x1, s2, s4, $0xb8;
	[tilespmem:$0x4200] =	vst v63  }
0x112: {  	s10 =	rddreg [dreg:$0x1c]  }
0x113: {  	[tilespmem:s23], [sflag:$0x1] =	stream.indirect.gather [hbm4b:s9+s4], $0x1, s2, s4, $0xb8;
	[tilespmem:$0x4200] =	vst v63  }
0x114: {  	s11 =	rddreg [dreg:$0x1d]  }
0x115: {  	[tilespmem:s24], [sflag:$0x1] =	stream.indirect.gather [hbm4b:s10+s4], $0x1, s2, s4, $0xb8;
	[tilespmem:$0x4200] =	vst v63  }
0x116: {  	s6 =	rddreg [dreg:$0x1e]  }
0x117: {  	[tilespmem:s25], [sflag:$0x1] =	stream.indirect.gather [hbm4b:s11+s4], $0x1, s2, s4, $0xb8;
	[tilespmem:$0x4200] =	vst v63  }
0x118: {  	s7 =	rddreg [dreg:$0x1f]  }
0x119: {  	[tilespmem:s26], [sflag:$0x1] =	stream.indirect.gather [hbm4b:s6+s4], $0x1, s2, s4, $0xb8;
	[tilespmem:$0x4200] =	vst v63  }
0x11a: {  	s8 =	sld [smem:$0x7FA]  }
0x11b: {  	[tilespmem:s28], [sflag:$0x1] =	stream.indirect.gather [hbm4b:s7+s4], $0x1, s2, s4, $0xb8;
	[tilespmem:$0x4200] =	vst v63  }
0x11c: {  	s9 =	sld [smem:$0x7FB]  }
0x11d: {  	[tilespmem:s29], [sflag:$0x1] =	stream.indirect.gather [hbm4b:s8+s4], $0x1, s2, s4, $0xb8;
	[tilespmem:$0x4200] =	vst v63  }
0x11e: {  	s10 =	sld [smem:$0x7FC]  }
0x11f: {  	[tilespmem:s30], [sflag:$0x1] =	stream.indirect.gather [hbm4b:s9+s4], $0x1, s2, s4, $0xb8;
	[tilespmem:$0x4200] =	vst v63  }
0x120: {  	s11 =	sld [smem:$0x7FD]  }
0x121: {  	[tilespmem:s31], [sflag:$0x1] =	stream.indirect.gather [hbm4b:s10+s4], $0x1, s2, s4, $0xb8;
	[tilespmem:$0x4200] =	vst v63  }
0x122: {  	_ = 	snop  }
0x123: {  	[tilespmem:s20], [sflag:$0x1] =	stream.indirect.gather [hbm4b:s11+s4], $0x1, s2, s4, $0xb8;
	[tilespmem:$0x4200] =	vst v63  }
0x124: {  	_ =	swait.ge [sflag:s22], $0x200  }
0x125: {  	[sflag:s22] =	ssyncset.done $0x0  }
0x126: {  	[sflag:s22] =	ssyncadd.s32 $0xFFFFFE00  }
0x127: {  	_ =	swait.ge [sflag:s22], $0x200  }
0x128: {  	[sflag:s22] =	ssyncset.done $0x0  }
0x129: {  	[sflag:s22] =	ssyncadd.s32 $0xFFFFFE00  }
0x12a: {  	_ =	swait.ge [sflag:s22], $0x200  }
0x12b: {  	[sflag:s22] =	ssyncset.done $0x0  }
0x12c: {  	[sflag:s22] =	ssyncadd.s32 $0xFFFFFE00  }
0x12d: {  	_ =	swait.ge [sflag:s22], $0x200  }
0x12e: {  	[sflag:s22] =	ssyncset.done $0x0  }
0x12f: {  	[sflag:s22] =	ssyncadd.s32 $0xFFFFFE00  }
0x130: {  	_ =	swait.ge [sflag:s22], $0x200  }
0x131: {  	[sflag:s22] =	ssyncset.done $0x0  }
0x132: {  	[sflag:s22] =	ssyncadd.s32 $0xFFFFFE00  }
0x133: {  	_ =	swait.ge [sflag:s22], $0x200  }
0x134: {  	[sflag:s22] =	ssyncset.done $0x0  }
0x135: {  	[sflag:s22] =	ssyncadd.s32 $0xFFFFFE00  }
0x136: {  	_ =	swait.ge [sflag:s22], $0x200  }
0x137: {  	[sflag:s22] =	ssyncset.done $0x0  }
0x138: {  	[sflag:s22] =	ssyncadd.s32 $0xFFFFFE00  }
0x139: {  	_ =	swait.ge [sflag:s22], $0x200  }
0x13a: {  	[sflag:s22] =	ssyncset.done $0x0  }
0x13b: {  	[sflag:s22] =	ssyncadd.s32 $0xFFFFFE00  }
0x13c: {  	_ =	swait.ge [sflag:s22], $0x200  }
0x13d: {  	[sflag:s22] =	ssyncset.done $0x0  }
0x13e: {  	[sflag:s22] =	ssyncadd.s32 $0xFFFFFE00  }
0x13f: {  	_ =	swait.ge [sflag:s22], $0x200  }
0x140: {  	[sflag:s22] =	ssyncset.done $0x0  }
0x141: {  	[sflag:s22] =	ssyncadd.s32 $0xFFFFFE00  }
0x142: {  	_ =	swait.ge [sflag:s22], $0x200  }
0x143: {  	[sflag:s22] =	ssyncset.done $0x0  }
0x144: {  	[sflag:s22] =	ssyncadd.s32 $0xFFFFFE00  }
0x145: {  	_ =	swait.ge [sflag:s22], $0x200  }
0x146: {  	[sflag:s22] =	ssyncset.done $0x0  }
0x147: {  	[sflag:s22] =	ssyncadd.s32 $0xFFFFFE00  }
0x148: {  	_ =	swait.ge [sflag:s22], $0x200  }
0x149: {  	[sflag:s22] =	ssyncset.done $0x0  }
0x14a: {  	[sflag:s22] =	ssyncadd.s32 $0xFFFFFE00  }
0x14b: {  	_ =	swait.ge [sflag:s22], $0x200  }
0x14c: {  	[sflag:s22] =	ssyncset.done $0x0  }
0x14d: {  	[sflag:s22] =	ssyncadd.s32 $0xFFFFFE00  }
0x14e: {  	_ =	swait.ge [sflag:s22], $0x200  }
0x14f: {  	[sflag:s22] =	ssyncset.done $0x0  }
0x150: {  	[sflag:s22] =	ssyncadd.s32 $0xFFFFFE00  }
0x151: {  	_ =	swait.ge [sflag:s22], $0x200  }
0x152: {  	[sflag:s22] =	ssyncset.done $0x0  }
0x153: {  	[sflag:s22] =	ssyncadd.s32 $0xFFFFFE00  }
0x154: {  	_ =	swait.ge [sflag:s22], $0x200  }
0x155: {  	[sflag:s22] =	ssyncset.done $0x0  }
0x156: {  	[sflag:s22] =	ssyncadd.s32 $0xFFFFFE00  }
0x157: {  	_ =	swait.ge [sflag:s22], $0x200  }
0x158: {  	[sflag:s22] =	ssyncset.done $0x0  }
0x159: {  	[sflag:s22] =	ssyncadd.s32 $0xFFFFFE00  }
0x15a: {  	_ =	swait.ge [sflag:s22], $0x200  }
0x15b: {  	[sflag:s22] =	ssyncset.done $0x0  }
0x15c: {  	[sflag:s22] =	ssyncadd.s32 $0xFFFFFE00  }
0x15d: {  	_ =	swait.ge [sflag:s22], $0x200  }
0x15e: {  	[sflag:s22] =	ssyncset.done $0x0  }
0x15f: {  	[sflag:s22] =	ssyncadd.s32 $0xFFFFFE00  }
0x160: {  	_ =	swait.ge [sflag:s22], $0x200  }
0x161: {  	[sflag:s22] =	ssyncset.done $0x0  }
0x162: {  	[sflag:s22] =	ssyncadd.s32 $0xFFFFFE00  }
0x163: {  	_ =	swait.ge [sflag:s22], $0x200  }
0x164: {  	p0 =	sne.s32 s0, $0x1;
	[sflag:s22] =	ssyncset.done $0x0  }
.Ltmp1:
0x165: {  	[sflag:s22] =	ssyncadd.s32 $0xFFFFFE00;
	(pc) =	sbr.rel @p0 .LBB2_1-.Ltmp1, $4  }
0x166: {  	_ =	swait.ge [sflag:s22], $0x200  }
0x167: {  	[sflag:s22] =	ssyncset.done $0x0  }
0x168: {  	[sflag:s22] =	ssyncadd.s32 $0xFFFFFE00  }
0x169: {  	s0 =	sadd.s32 $0xFFFFFFFF, s0;
	_ =	swait.ge [sflag:s22], $0x200  }
.LBB2_2:
0x16a: {  	[sflag:s22] =	ssyncset.done $0x0  }
0x16b: {  	[sflag:s22] =	ssyncadd.s32 $0xFFFFFE00  }
0x16c: {  	_ =	swait.ge [sflag:s22], $0x200  }
0x16d: {  	[sflag:s22] =	ssyncset.done $0x0  }
0x16e: {  	[sflag:s22] =	ssyncadd.s32 $0xFFFFFE00  }
0x16f: {  	_ =	swait.ge [sflag:s22], $0x200  }
0x170: {  	[sflag:s22] =	ssyncset.done $0x0  }
0x171: {  	[sflag:s22] =	ssyncadd.s32 $0xFFFFFE00  }
0x172: {  	_ =	swait.ge [sflag:s22], $0x200  }
0x173: {  	[sflag:s22] =	ssyncset.done $0x0  }
0x174: {  	[sflag:s22] =	ssyncadd.s32 $0xFFFFFE00  }
0x175: {  	_ =	swait.ge [sflag:s22], $0x200  }
0x176: {  	[sflag:s22] =	ssyncset.done $0x0  }
0x177: {  	[sflag:s22] =	ssyncadd.s32 $0xFFFFFE00  }
0x178: {  	_ =	swait.ge [sflag:s22], $0x200  }
0x179: {  	[sflag:s22] =	ssyncset.done $0x0  }
0x17a: {  	[sflag:s22] =	ssyncadd.s32 $0xFFFFFE00  }
0x17b: {  	_ =	swait.ge [sflag:s22], $0x200  }
0x17c: {  	[sflag:s22] =	ssyncset.done $0x0  }
0x17d: {  	[sflag:s22] =	ssyncadd.s32 $0xFFFFFE00  }
0x17e: {  	_ =	swait.ge [sflag:s22], $0x200  }
0x17f: {  	[sflag:s22] =	ssyncset.done $0x0  }
0x180: {  	[sflag:s22] =	ssyncadd.s32 $0xFFFFFE00  }
0x181: {  	_ =	swait.ge [sflag:s22], $0x200  }
0x182: {  	s0 =	sld [smem:$0x7F3]  }
0x183: {  	[sflag:s22] =	ssyncset.done $0x0  }
0x184: {  	[sflag:s22] =	ssyncadd.s32 $0xFFFFFE00  }
0x185: {  	[hbm4b:s0+s4] =	stream.strided.scatter [tilespmem:s4], [sflag:$0x2], $0x4000, s20, s4, $0x38;
	[tilespmem:$0x4200] =	vst v63  }
0x186: {  	_ =	swait.ge [sflag:s3], $0x4000  }
0x187: {  	[sflag:s3] =	ssyncset.done $0x0  }
0x188: {  	[sflag:s3] =	ssyncadd.s32 $0xFFFFC000  }
0x189: {  	_ =	sfence.sel $0x180000  }
0x18a: {  	[bflag:$0x0] =	sbarrier.arrive $0xFFFF  }
0x18b: {  	_ =	strace $0x90000047  }
0x18c: {  	s31 =	stileid.u32;
	[bflag:$0x2] =	sbarrier.arrive $0xFFFF  }
0x18d: {  	p0 =	sne.s32 s31, $0x0;
	s0 =	rddreg [dreg:$0x2]  }
0x18e: {  	s0 =	sadd.s32 @!p0 $0x100000, s0  }
0x18f: {  	[sflag:s0] =	ssyncadd.tile.s32 @!p0 $0x1;
	_ =	shalt  }
.Lfunc_end2:
_tile_overlayer_lowered:
.L_overlay_start_2:
0x190: {  	(tag) =	ssettag $0x2  }
0x191: {  	s0 =	rddreg [dreg:$0x0];
	s2 =	stileid.u32  }
0x192: {  	s1 =	rddreg [dreg:$0x1];
	p0 =	sne.s32 s2, $0x0  }
0x193: {  	s3 =	rddreg [dreg:$0x2];
	[bflag:$0x3] =	sbarrier.arrive $0xFFFF;
	s2 =	simm.s32 @!p0 $0x1C02  }
0x194: {  	[timem:s3], [sflag:s2] =	dma.local @!p0 [hbm:s0], s1  }
0x195: {  	s0 =	simm.s32 @!p0 $0x2  }
0x196: {  	_ =	swait.ge @!p0 [sflag:s0], s1  }
0x197: {  	s1 =	ssub.s32 @!p0 $0x0, s1;
	[sflag:s0] =	ssyncset.done @!p0 $0x0  }
0x198: {  	[sflag:s0] =	ssyncadd.s32 @!p0 s1  }
0x199: {  	[bflag:$0x3] =	sbarrier.arrive $0xFFFF  }
0x19a: {  	_ =	shalt  }

</sc_bundles>
